<compile_context>
chip_gen: v7x
topology: tpu7x:2x2x1
jax: 0.10.2.dev20260603
libtpu: 0.0.44.dev20260713+nightly
codegen_flags: <defaults>
</compile_context>

<pallas_src>
import functools

import jax
import jax.numpy as jnp
from jax import lax
from jax.experimental import pallas as pl
from jax.experimental.pallas import tpu as pltpu
from jax.experimental.pallas import tpu_sc as plsc

_TOKENS = 8192
_DMODEL = 4096
_EXPERTS = 64
_K = 8
_BLOCK = 512

_NEG_INF = float("-inf")

_NC = 2
_NS = 16
_L = 16
_NW = _NC * _NS

_NG = 8
_GS = _EXPERTS // _NG


def _matmul_body(x_ref, w_ref, b_ref, out_ref):
    out_ref[...] = lax.dot_general(
        w_ref[...], x_ref[...],
        dimension_numbers=(((1,), (1,)), ((), ())),
        preferred_element_type=jnp.float32,
    ) + b_ref[...][:, None]


def _compute_logits_chunk(x, W, b, row0, rows):
    blk0 = row0 // _BLOCK
    return pl.pallas_call(
        _matmul_body,
        grid=(rows // _BLOCK,),
        in_specs=[
            pl.BlockSpec((_BLOCK, _DMODEL), lambda i: (blk0 + i, 0)),
            pl.BlockSpec((_EXPERTS, _DMODEL), lambda i: (0, 0)),
            pl.BlockSpec((_EXPERTS,), lambda i: (0,)),
        ],
        out_specs=pl.BlockSpec((_EXPERTS, _BLOCK), lambda i: (0, i)),
        out_shape=jax.ShapeDtypeStruct((_EXPERTS, rows), jnp.float32),
        compiler_params=pltpu.CompilerParams(
            dimension_semantics=("arbitrary",),
        ),
    )(x, W, b)


def _tree_max(vals, idxs):
    while len(vals) > 1:
        nv, ni = [], []
        for p in range(0, len(vals), 2):
            gt = vals[p + 1] > vals[p]
            nv.append(jnp.where(gt, vals[p + 1], vals[p]))
            ni.append(jnp.where(gt, idxs[p + 1], idxs[p]))
        vals, idxs = nv, ni
    return vals[0], idxs[0]


def _make_router(rpw):
    n_tiles = rpw // _L

    def _router_sc(logits_hbm, gates_hbm, idx_hbm, lbuf, gbuf, ibuf):
        wid = lax.axis_index("s") * _NC + lax.axis_index("c")
        base = wid * rpw
        pltpu.sync_copy(logits_hbm.at[:, pl.ds(base, rpw)], lbuf)

        iota = lax.broadcasted_iota(jnp.int32, (_L,), 0)
        neg_inf = jnp.full((_L,), _NEG_INF, jnp.float32)
        zero = jnp.zeros((_L,), jnp.float32)

        izero = jnp.zeros((_L,), jnp.int32)

        def tile_body(t, carry):
            rows = t * _L + iota
            for i in range(_L):
                r_vec = izero + (t * _L + i)
                for c in range(0, _EXPERTS, _L):
                    plsc.store_scatter(gbuf, [r_vec, c + iota], zero)
            gm, ga = [], []
            for j in range(_NG):
                cols = [plsc.load_gather(
                            lbuf, [jnp.full((_L,), j * _GS + i, jnp.int32),
                                   rows])
                        for i in range(_GS)]
                cidx = [jnp.full((_L,), j * _GS + i, jnp.int32)
                        for i in range(_GS)]
                v, a = _tree_max(cols, cidx)
                gm.append(v)
                ga.append(a)

            vals, idxs = [], []
            for k in range(_K):
                m_k, wg = _tree_max(list(gm),
                                    [jnp.full((_L,), j, jnp.int32)
                                     for j in range(_NG)])
                a_k = ga[0]
                for j in range(1, _NG):
                    a_k = jnp.where(wg == j, ga[j], a_k)
                vals.append(m_k)
                idxs.append(a_k)
                if k == _K - 1:
                    break
                plsc.store_scatter(lbuf, [a_k, rows], neg_inf)
                wg_gs = wg * _GS
                cols = [plsc.load_gather(lbuf, [wg_gs + i, rows])
                        for i in range(_GS)]
                cidx = [wg_gs + i for i in range(_GS)]
                v, a = _tree_max(cols, cidx)
                for j in range(_NG):
                    p = wg == j
                    gm[j] = jnp.where(p, v, gm[j])
                    ga[j] = jnp.where(p, a, ga[j])

            exps = [jnp.exp(v - vals[0]) for v in vals]
            denom = (exps[0] + exps[1]) + (exps[2] + exps[3])
            denom = denom + ((exps[4] + exps[5]) + (exps[6] + exps[7]))

            for k in range(_K):
                plsc.store_scatter(gbuf, [rows, idxs[k]], exps[k] / denom)
                plsc.store_scatter(ibuf, [rows, jnp.full((_L,), k, jnp.int32)],
                                   idxs[k])
            return carry

        lax.fori_loop(0, n_tiles, tile_body, 0)
        pltpu.sync_copy(gbuf, gates_hbm.at[pl.ds(base, rpw)])
        pltpu.sync_copy(ibuf, idx_hbm.at[pl.ds(base, rpw)])

    return _router_sc


def _route(logits, tokens):
    rpw = tokens // _NW
    f = functools.partial(
        pl.kernel,
        out_type=[
            jax.ShapeDtypeStruct((tokens, _EXPERTS), jnp.float32),
            jax.ShapeDtypeStruct((tokens, _K), jnp.int32),
        ],
        mesh=plsc.VectorSubcoreMesh(core_axis_name="c", subcore_axis_name="s"),
        compiler_params=pltpu.CompilerParams(needs_layout_passes=False,
                                             use_tc_tiling_on_sc=True),
        scratch_types=[
            pltpu.VMEM((_EXPERTS, rpw), jnp.float32),
            pltpu.VMEM((rpw, _EXPERTS), jnp.float32),
            pltpu.VMEM((rpw, _K), jnp.int32),
        ],
    )(_make_router(rpw))
    return f(logits)


def kernel(x, W, b):
    logits = _compute_logits_chunk(x, W, b, 0, _TOKENS)
    gates, idx = _route(logits, _TOKENS)
    return (gates, idx)

# --- scband reference (transcript-rebuilt; emitter-appended) ---
"""Pipeline reference for scband-noisy-top-krouter-85289460564190 (READ-ONLY COPY).

The authoritative reference and input builder live on the scoring server;
editing this copy changes nothing except your own understanding.
"""

import jax, jax.numpy as jnp
import numpy as np

TOKENS = 8192
D_MODEL = 4096
N_EXPERTS = 64
TOP_K = 8


def setup_inputs(seed: int = 0) -> dict:
    key = jax.random.key(seed)
    k1, k2 = jax.random.split(key, 2)
    x = jax.random.normal(k1, (TOKENS, D_MODEL), dtype=jnp.float32)
    # nn.Linear(input_dim, num_experts): weight [E, d], bias [E]
    limit = 1.0 / np.sqrt(D_MODEL)
    W = jax.random.uniform(k2, (N_EXPERTS, D_MODEL), dtype=jnp.float32, minval=-limit, maxval=limit)
    b = jnp.zeros((N_EXPERTS,), dtype=jnp.float32)
    return {"x": x, "W": W, "b": b}


def reference(x, W, b):
    # eval-mode forward: noise branch (self.training) is skipped for determinism
    logits = x @ W.T + b
    topk_vals, topk_idx = jax.lax.top_k(logits, TOP_K)
    gates = jax.nn.softmax(topk_vals, axis=-1)
    rows = jnp.arange(logits.shape[0])[:, None]
    sparse_gates = jnp.zeros_like(logits).at[rows, topk_idx].set(gates)
    return (sparse_gates, topk_idx)

if __name__ == "__main__":
    import jax
    _d = setup_inputs()
    print(jax.jit(kernel)(*tuple(_d.values())))

</pallas_src>

<mosaic_0001>
#map = affine_map<(d0, d1) -> (0, 0)>
module attributes {stable_mosaic.version = 14 : i64} {
  func.func @_router_sc(%arg0: i32, %arg1: i32, %arg2: memref<64x8192xf32, #tpu.memory_space<hbm>>, %arg3: memref<8192x64xf32, #tpu.memory_space<hbm>>, %arg4: memref<8192x8xi32, #tpu.memory_space<hbm>>, %arg5: memref<64x256xf32, #tpu.memory_space<vmem>>, %arg6: memref<256x64xf32, #tpu.memory_space<vmem>>, %arg7: memref<256x8xi32, #tpu.memory_space<vmem>>) attributes {dimension_semantics = [#tpu.dimension_semantics<core_parallel>, #tpu.dimension_semantics<subcore_parallel>], iteration_bounds = array<i64: 2, 16>, scalar_prefetch = 0 : i64, scratch_operands = 3 : i64, tpu.core_type = #tpu.core_type<sc_vector_subcore>, window_params = [{transform_indices = #map}, {transform_indices = #map}, {transform_indices = #map}]} {
    %mul3A = arith.constant 2 : i32
    %mul3A_0 = arith.muli %arg1, %mul3A : i32
    %add3A = arith.addi %mul3A_0, %arg0 : i32
    %mul3A_1 = arith.constant 256 : i32
    %mul3A_2 = arith.muli %add3A, %mul3A_1 : i32
    "tpu.region"() ({
      %run_scoped3A = tpu.sem_alloc : memref<!tpu.dma_semaphore, #tpu.memory_space<semaphore_mem>>
      %dma_start3A = arith.constant 0 : i32
      %dma_start3A_13 = tpu.memref_slice %arg2[%dma_start3A, %mul3A_2] : memref<64x8192xf32, #tpu.memory_space<hbm>> -> memref<64x256xf32, #tpu.memory_space<hbm>>
      %dma_start3A_14 = arith.constant 0 : i32
      %dma_start3A_15 = tpu.memref_slice %arg2[%dma_start3A_14, %mul3A_2] : memref<64x8192xf32, #tpu.memory_space<hbm>> -> memref<64x256xf32, #tpu.memory_space<hbm>>
      tpu.enqueue_dma source(%dma_start3A_15 : memref<64x256xf32, #tpu.memory_space<hbm>>) target(%arg5 : memref<64x256xf32, #tpu.memory_space<vmem>>) target_semaphore(%run_scoped3A : memref<!tpu.dma_semaphore, #tpu.memory_space<semaphore_mem>>)
      %dma_wait3A = arith.constant 0 : i32
      %dma_wait3A_16 = tpu.memref_slice %arg2[%dma_wait3A, %mul3A_2] : memref<64x8192xf32, #tpu.memory_space<hbm>> -> memref<64x256xf32, #tpu.memory_space<hbm>>
      %dma_wait3A_17 = arith.constant 0 : i32
      %dma_wait3A_18 = tpu.memref_slice %arg2[%dma_wait3A_17, %mul3A_2] : memref<64x8192xf32, #tpu.memory_space<hbm>> -> memref<64x256xf32, #tpu.memory_space<hbm>>
      tpu.wait_dma2 semaphore(%run_scoped3A : memref<!tpu.dma_semaphore, #tpu.memory_space<semaphore_mem>>) src(%dma_wait3A_18 : memref<64x256xf32, #tpu.memory_space<hbm>>) dst(%arg5 : memref<64x256xf32, #tpu.memory_space<vmem>>)
      tpu.yield
    }) : () -> ()
    %iota3A = tpu.iota {dimensions = array<i32: 0>} : vector<16xi32>
    %broadcast_in_dim3A = arith.constant 0xFF800000 : f32
    %broadcast_in_dim3A_3 = vector.broadcast %broadcast_in_dim3A : f32 to vector<16xf32>
    %broadcast_in_dim3A_4 = arith.constant 0.000000e+00 : f32
    %broadcast_in_dim3A_5 = vector.broadcast %broadcast_in_dim3A_4 : f32 to vector<16xf32>
    %broadcast_in_dim3A_6 = arith.constant 0 : i32
    %broadcast_in_dim3A_7 = vector.broadcast %broadcast_in_dim3A_6 : i32 to vector<16xi32>
    %scan3A = arith.constant 0 : i32
    %scan3A_8 = arith.constant 0 : i32
    %scan3A_9 = arith.constant 16 : i32
    %scan3A_10 = arith.addi %scan3A_8, %scan3A_9 : i32
    %scan3A_11 = arith.constant 1 : i32
    scf.for %scan3A_13 = %scan3A_8 to %scan3A_10 step %scan3A_11  : i32 {
      %mul3A_14 = arith.constant 16 : i32
      %mul3A_15 = arith.muli %scan3A_13, %mul3A_14 : i32
      %add3A_16 = vector.broadcast %mul3A_15 : i32 to vector<16xi32>
      %add3A_17 = arith.addi %add3A_16, %iota3A : vector<16xi32>
      %mul3A_18 = arith.constant 16 : i32
      %mul3A_19 = arith.muli %scan3A_13, %mul3A_18 : i32
      %add3A_20 = arith.constant 0 : i32
      %add3A_21 = arith.addi %mul3A_19, %add3A_20 : i32
      %add3A_22 = vector.broadcast %add3A_21 : i32 to vector<16xi32>
      %add3A_23 = arith.addi %broadcast_in_dim3A_7, %add3A_22 : vector<16xi32>
      %add3A_24 = arith.constant 0 : i32
      %add3A_25 = vector.broadcast %add3A_24 : i32 to vector<16xi32>
      %add3A_26 = arith.addi %add3A_25, %iota3A : vector<16xi32>
      tpu.vector_store_idx %arg6[%add3A_23, %add3A_26], %broadcast_in_dim3A_5 : memref<256x64xf32, #tpu.memory_space<vmem>>[vector<16xi32>, vector<16xi32>], vector<16xf32>,
      %add3A_27 = arith.constant 16 : i32
      %add3A_28 = vector.broadcast %add3A_27 : i32 to vector<16xi32>
      %add3A_29 = arith.addi %add3A_28, %iota3A : vector<16xi32>
      tpu.vector_store_idx %arg6[%add3A_23, %add3A_29], %broadcast_in_dim3A_5 : memref<256x64xf32, #tpu.memory_space<vmem>>[vector<16xi32>, vector<16xi32>], vector<16xf32>,
      %add3A_30 = arith.constant 32 : i32
      %add3A_31 = vector.broadcast %add3A_30 : i32 to vector<16xi32>
      %add3A_32 = arith.addi %add3A_31, %iota3A : vector<16xi32>
      tpu.vector_store_idx %arg6[%add3A_23, %add3A_32], %broadcast_in_dim3A_5 : memref<256x64xf32, #tpu.memory_space<vmem>>[vector<16xi32>, vector<16xi32>], vector<16xf32>,
      %add3A_33 = arith.constant 48 : i32
      %add3A_34 = vector.broadcast %add3A_33 : i32 to vector<16xi32>
      %add3A_35 = arith.addi %add3A_34, %iota3A : vector<16xi32>
      tpu.vector_store_idx %arg6[%add3A_23, %add3A_35], %broadcast_in_dim3A_5 : memref<256x64xf32, #tpu.memory_space<vmem>>[vector<16xi32>, vector<16xi32>], vector<16xf32>,
      %mul3A_36 = arith.constant 16 : i32
      %mul3A_37 = arith.muli %scan3A_13, %mul3A_36 : i32
      %add3A_38 = arith.constant 1 : i32
      %add3A_39 = arith.addi %mul3A_37, %add3A_38 : i32
      %add3A_40 = vector.broadcast %add3A_39 : i32 to vector<16xi32>
      %add3A_41 = arith.addi %broadcast_in_dim3A_7, %add3A_40 : vector<16xi32>
      %add3A_42 = arith.constant 0 : i32
      %add3A_43 = vector.broadcast %add3A_42 : i32 to vector<16xi32>
      %add3A_44 = arith.addi %add3A_43, %iota3A : vector<16xi32>
      tpu.vector_store_idx %arg6[%add3A_41, %add3A_44], %broadcast_in_dim3A_5 : memref<256x64xf32, #tpu.memory_space<vmem>>[vector<16xi32>, vector<16xi32>], vector<16xf32>,
      %add3A_45 = arith.constant 16 : i32
      %add3A_46 = vector.broadcast %add3A_45 : i32 to vector<16xi32>
      %add3A_47 = arith.addi %add3A_46, %iota3A : vector<16xi32>
      tpu.vector_store_idx %arg6[%add3A_41, %add3A_47], %broadcast_in_dim3A_5 : memref<256x64xf32, #tpu.memory_space<vmem>>[vector<16xi32>, vector<16xi32>], vector<16xf32>,
      %add3A_48 = arith.constant 32 : i32
      %add3A_49 = vector.broadcast %add3A_48 : i32 to vector<16xi32>
      %add3A_50 = arith.addi %add3A_49, %iota3A : vector<16xi32>
      tpu.vector_store_idx %arg6[%add3A_41, %add3A_50], %broadcast_in_dim3A_5 : memref<256x64xf32, #tpu.memory_space<vmem>>[vector<16xi32>, vector<16xi32>], vector<16xf32>,
      %add3A_51 = arith.constant 48 : i32
      %add3A_52 = vector.broadcast %add3A_51 : i32 to vector<16xi32>
      %add3A_53 = arith.addi %add3A_52, %iota3A : vector<16xi32>
      tpu.vector_store_idx %arg6[%add3A_41, %add3A_53], %broadcast_in_dim3A_5 : memref<256x64xf32, #tpu.memory_space<vmem>>[vector<16xi32>, vector<16xi32>], vector<16xf32>,
      %mul3A_54 = arith.constant 16 : i32
      %mul3A_55 = arith.muli %scan3A_13, %mul3A_54 : i32
      %add3A_56 = arith.constant 2 : i32
      %add3A_57 = arith.addi %mul3A_55, %add3A_56 : i32
      %add3A_58 = vector.broadcast %add3A_57 : i32 to vector<16xi32>
      %add3A_59 = arith.addi %broadcast_in_dim3A_7, %add3A_58 : vector<16xi32>
      %add3A_60 = arith.constant 0 : i32
      %add3A_61 = vector.broadcast %add3A_60 : i32 to vector<16xi32>
      %add3A_62 = arith.addi %add3A_61, %iota3A : vector<16xi32>
      tpu.vector_store_idx %arg6[%add3A_59, %add3A_62], %broadcast_in_dim3A_5 : memref<256x64xf32, #tpu.memory_space<vmem>>[vector<16xi32>, vector<16xi32>], vector<16xf32>,
      %add3A_63 = arith.constant 16 : i32
      %add3A_64 = vector.broadcast %add3A_63 : i32 to vector<16xi32>
      %add3A_65 = arith.addi %add3A_64, %iota3A : vector<16xi32>
      tpu.vector_store_idx %arg6[%add3A_59, %add3A_65], %broadcast_in_dim3A_5 : memref<256x64xf32, #tpu.memory_space<vmem>>[vector<16xi32>, vector<16xi32>], vector<16xf32>,
      %add3A_66 = arith.constant 32 : i32
      %add3A_67 = vector.broadcast %add3A_66 : i32 to vector<16xi32>
      %add3A_68 = arith.addi %add3A_67, %iota3A : vector<16xi32>
      tpu.vector_store_idx %arg6[%add3A_59, %add3A_68], %broadcast_in_dim3A_5 : memref<256x64xf32, #tpu.memory_space<vmem>>[vector<16xi32>, vector<16xi32>], vector<16xf32>,
      %add3A_69 = arith.constant 48 : i32
      %add3A_70 = vector.broadcast %add3A_69 : i32 to vector<16xi32>
      %add3A_71 = arith.addi %add3A_70, %iota3A : vector<16xi32>
      tpu.vector_store_idx %arg6[%add3A_59, %add3A_71], %broadcast_in_dim3A_5 : memref<256x64xf32, #tpu.memory_space<vmem>>[vector<16xi32>, vector<16xi32>], vector<16xf32>,
      %mul3A_72 = arith.constant 16 : i32
      %mul3A_73 = arith.muli %scan3A_13, %mul3A_72 : i32
      %add3A_74 = arith.constant 3 : i32
      %add3A_75 = arith.addi %mul3A_73, %add3A_74 : i32
      %add3A_76 = vector.broadcast %add3A_75 : i32 to vector<16xi32>
      %add3A_77 = arith.addi %broadcast_in_dim3A_7, %add3A_76 : vector<16xi32>
      %add3A_78 = arith.constant 0 : i32
      %add3A_79 = vector.broadcast %add3A_78 : i32 to vector<16xi32>
      %add3A_80 = arith.addi %add3A_79, %iota3A : vector<16xi32>
      tpu.vector_store_idx %arg6[%add3A_77, %add3A_80], %broadcast_in_dim3A_5 : memref<256x64xf32, #tpu.memory_space<vmem>>[vector<16xi32>, vector<16xi32>], vector<16xf32>,
      %add3A_81 = arith.constant 16 : i32
      %add3A_82 = vector.broadcast %add3A_81 : i32 to vector<16xi32>
      %add3A_83 = arith.addi %add3A_82, %iota3A : vector<16xi32>
      tpu.vector_store_idx %arg6[%add3A_77, %add3A_83], %broadcast_in_dim3A_5 : memref<256x64xf32, #tpu.memory_space<vmem>>[vector<16xi32>, vector<16xi32>], vector<16xf32>,
      %add3A_84 = arith.constant 32 : i32
      %add3A_85 = vector.broadcast %add3A_84 : i32 to vector<16xi32>
      %add3A_86 = arith.addi %add3A_85, %iota3A : vector<16xi32>
      tpu.vector_store_idx %arg6[%add3A_77, %add3A_86], %broadcast_in_dim3A_5 : memref<256x64xf32, #tpu.memory_space<vmem>>[vector<16xi32>, vector<16xi32>], vector<16xf32>,
      %add3A_87 = arith.constant 48 : i32
      %add3A_88 = vector.broadcast %add3A_87 : i32 to vector<16xi32>
      %add3A_89 = arith.addi %add3A_88, %iota3A : vector<16xi32>
      tpu.vector_store_idx %arg6[%add3A_77, %add3A_89], %broadcast_in_dim3A_5 : memref<256x64xf32, #tpu.memory_space<vmem>>[vector<16xi32>, vector<16xi32>], vector<16xf32>,
      %mul3A_90 = arith.constant 16 : i32
      %mul3A_91 = arith.muli %scan3A_13, %mul3A_90 : i32
      %add3A_92 = arith.constant 4 : i32
      %add3A_93 = arith.addi %mul3A_91, %add3A_92 : i32
      %add3A_94 = vector.broadcast %add3A_93 : i32 to vector<16xi32>
      %add3A_95 = arith.addi %broadcast_in_dim3A_7, %add3A_94 : vector<16xi32>
      %add3A_96 = arith.constant 0 : i32
      %add3A_97 = vector.broadcast %add3A_96 : i32 to vector<16xi32>
      %add3A_98 = arith.addi %add3A_97, %iota3A : vector<16xi32>
      tpu.vector_store_idx %arg6[%add3A_95, %add3A_98], %broadcast_in_dim3A_5 : memref<256x64xf32, #tpu.memory_space<vmem>>[vector<16xi32>, vector<16xi32>], vector<16xf32>,
      %add3A_99 = arith.constant 16 : i32
      %add3A_100 = vector.broadcast %add3A_99 : i32 to vector<16xi32>
      %add3A_101 = arith.addi %add3A_100, %iota3A : vector<16xi32>
      tpu.vector_store_idx %arg6[%add3A_95, %add3A_101], %broadcast_in_dim3A_5 : memref<256x64xf32, #tpu.memory_space<vmem>>[vector<16xi32>, vector<16xi32>], vector<16xf32>,
      %add3A_102 = arith.constant 32 : i32
      %add3A_103 = vector.broadcast %add3A_102 : i32 to vector<16xi32>
      %add3A_104 = arith.addi %add3A_103, %iota3A : vector<16xi32>
      tpu.vector_store_idx %arg6[%add3A_95, %add3A_104], %broadcast_in_dim3A_5 : memref<256x64xf32, #tpu.memory_space<vmem>>[vector<16xi32>, vector<16xi32>], vector<16xf32>,
      %add3A_105 = arith.constant 48 : i32
      %add3A_106 = vector.broadcast %add3A_105 : i32 to vector<16xi32>
      %add3A_107 = arith.addi %add3A_106, %iota3A : vector<16xi32>
      tpu.vector_store_idx %arg6[%add3A_95, %add3A_107], %broadcast_in_dim3A_5 : memref<256x64xf32, #tpu.memory_space<vmem>>[vector<16xi32>, vector<16xi32>], vector<16xf32>,
      %mul3A_108 = arith.constant 16 : i32
      %mul3A_109 = arith.muli %scan3A_13, %mul3A_108 : i32
      %add3A_110 = arith.constant 5 : i32
      %add3A_111 = arith.addi %mul3A_109, %add3A_110 : i32
      %add3A_112 = vector.broadcast %add3A_111 : i32 to vector<16xi32>
      %add3A_113 = arith.addi %broadcast_in_dim3A_7, %add3A_112 : vector<16xi32>
      %add3A_114 = arith.constant 0 : i32
      %add3A_115 = vector.broadcast %add3A_114 : i32 to vector<16xi32>
      %add3A_116 = arith.addi %add3A_115, %iota3A : vector<16xi32>
      tpu.vector_store_idx %arg6[%add3A_113, %add3A_116], %broadcast_in_dim3A_5 : memref<256x64xf32, #tpu.memory_space<vmem>>[vector<16xi32>, vector<16xi32>], vector<16xf32>,
      %add3A_117 = arith.constant 16 : i32
      %add3A_118 = vector.broadcast %add3A_117 : i32 to vector<16xi32>
      %add3A_119 = arith.addi %add3A_118, %iota3A : vector<16xi32>
      tpu.vector_store_idx %arg6[%add3A_113, %add3A_119], %broadcast_in_dim3A_5 : memref<256x64xf32, #tpu.memory_space<vmem>>[vector<16xi32>, vector<16xi32>], vector<16xf32>,
      %add3A_120 = arith.constant 32 : i32
      %add3A_121 = vector.broadcast %add3A_120 : i32 to vector<16xi32>
      %add3A_122 = arith.addi %add3A_121, %iota3A : vector<16xi32>
      tpu.vector_store_idx %arg6[%add3A_113, %add3A_122], %broadcast_in_dim3A_5 : memref<256x64xf32, #tpu.memory_space<vmem>>[vector<16xi32>, vector<16xi32>], vector<16xf32>,
      %add3A_123 = arith.constant 48 : i32
      %add3A_124 = vector.broadcast %add3A_123 : i32 to vector<16xi32>
      %add3A_125 = arith.addi %add3A_124, %iota3A : vector<16xi32>
      tpu.vector_store_idx %arg6[%add3A_113, %add3A_125], %broadcast_in_dim3A_5 : memref<256x64xf32, #tpu.memory_space<vmem>>[vector<16xi32>, vector<16xi32>], vector<16xf32>,
      %mul3A_126 = arith.constant 16 : i32
      %mul3A_127 = arith.muli %scan3A_13, %mul3A_126 : i32
      %add3A_128 = arith.constant 6 : i32
      %add3A_129 = arith.addi %mul3A_127, %add3A_128 : i32
      %add3A_130 = vector.broadcast %add3A_129 : i32 to vector<16xi32>
      %add3A_131 = arith.addi %broadcast_in_dim3A_7, %add3A_130 : vector<16xi32>
      %add3A_132 = arith.constant 0 : i32
      %add3A_133 = vector.broadcast %add3A_132 : i32 to vector<16xi32>
      %add3A_134 = arith.addi %add3A_133, %iota3A : vector<16xi32>
      tpu.vector_store_idx %arg6[%add3A_131, %add3A_134], %broadcast_in_dim3A_5 : memref<256x64xf32, #tpu.memory_space<vmem>>[vector<16xi32>, vector<16xi32>], vector<16xf32>,
      %add3A_135 = arith.constant 16 : i32
      %add3A_136 = vector.broadcast %add3A_135 : i32 to vector<16xi32>
      %add3A_137 = arith.addi %add3A_136, %iota3A : vector<16xi32>
      tpu.vector_store_idx %arg6[%add3A_131, %add3A_137], %broadcast_in_dim3A_5 : memref<256x64xf32, #tpu.memory_space<vmem>>[vector<16xi32>, vector<16xi32>], vector<16xf32>,
      %add3A_138 = arith.constant 32 : i32
      %add3A_139 = vector.broadcast %add3A_138 : i32 to vector<16xi32>
      %add3A_140 = arith.addi %add3A_139, %iota3A : vector<16xi32>
      tpu.vector_store_idx %arg6[%add3A_131, %add3A_140], %broadcast_in_dim3A_5 : memref<256x64xf32, #tpu.memory_space<vmem>>[vector<16xi32>, vector<16xi32>], vector<16xf32>,
      %add3A_141 = arith.constant 48 : i32
      %add3A_142 = vector.broadcast %add3A_141 : i32 to vector<16xi32>
      %add3A_143 = arith.addi %add3A_142, %iota3A : vector<16xi32>
      tpu.vector_store_idx %arg6[%add3A_131, %add3A_143], %broadcast_in_dim3A_5 : memref<256x64xf32, #tpu.memory_space<vmem>>[vector<16xi32>, vector<16xi32>], vector<16xf32>,
      %mul3A_144 = arith.constant 16 : i32
      %mul3A_145 = arith.muli %scan3A_13, %mul3A_144 : i32
      %add3A_146 = arith.constant 7 : i32
      %add3A_147 = arith.addi %mul3A_145, %add3A_146 : i32
      %add3A_148 = vector.broadcast %add3A_147 : i32 to vector<16xi32>
      %add3A_149 = arith.addi %broadcast_in_dim3A_7, %add3A_148 : vector<16xi32>
      %add3A_150 = arith.constant 0 : i32
      %add3A_151 = vector.broadcast %add3A_150 : i32 to vector<16xi32>
      %add3A_152 = arith.addi %add3A_151, %iota3A : vector<16xi32>
      tpu.vector_store_idx %arg6[%add3A_149, %add3A_152], %broadcast_in_dim3A_5 : memref<256x64xf32, #tpu.memory_space<vmem>>[vector<16xi32>, vector<16xi32>], vector<16xf32>,
      %add3A_153 = arith.constant 16 : i32
      %add3A_154 = vector.broadcast %add3A_153 : i32 to vector<16xi32>
      %add3A_155 = arith.addi %add3A_154, %iota3A : vector<16xi32>
      tpu.vector_store_idx %arg6[%add3A_149, %add3A_155], %broadcast_in_dim3A_5 : memref<256x64xf32, #tpu.memory_space<vmem>>[vector<16xi32>, vector<16xi32>], vector<16xf32>,
      %add3A_156 = arith.constant 32 : i32
      %add3A_157 = vector.broadcast %add3A_156 : i32 to vector<16xi32>
      %add3A_158 = arith.addi %add3A_157, %iota3A : vector<16xi32>
      tpu.vector_store_idx %arg6[%add3A_149, %add3A_158], %broadcast_in_dim3A_5 : memref<256x64xf32, #tpu.memory_space<vmem>>[vector<16xi32>, vector<16xi32>], vector<16xf32>,
      %add3A_159 = arith.constant 48 : i32
      %add3A_160 = vector.broadcast %add3A_159 : i32 to vector<16xi32>
      %add3A_161 = arith.addi %add3A_160, %iota3A : vector<16xi32>
      tpu.vector_store_idx %arg6[%add3A_149, %add3A_161], %broadcast_in_dim3A_5 : memref<256x64xf32, #tpu.memory_space<vmem>>[vector<16xi32>, vector<16xi32>], vector<16xf32>,
      %mul3A_162 = arith.constant 16 : i32
      %mul3A_163 = arith.muli %scan3A_13, %mul3A_162 : i32
      %add3A_164 = arith.constant 8 : i32
      %add3A_165 = arith.addi %mul3A_163, %add3A_164 : i32
      %add3A_166 = vector.broadcast %add3A_165 : i32 to vector<16xi32>
      %add3A_167 = arith.addi %broadcast_in_dim3A_7, %add3A_166 : vector<16xi32>
      %add3A_168 = arith.constant 0 : i32
      %add3A_169 = vector.broadcast %add3A_168 : i32 to vector<16xi32>
      %add3A_170 = arith.addi %add3A_169, %iota3A : vector<16xi32>
      tpu.vector_store_idx %arg6[%add3A_167, %add3A_170], %broadcast_in_dim3A_5 : memref<256x64xf32, #tpu.memory_space<vmem>>[vector<16xi32>, vector<16xi32>], vector<16xf32>,
      %add3A_171 = arith.constant 16 : i32
      %add3A_172 = vector.broadcast %add3A_171 : i32 to vector<16xi32>
      %add3A_173 = arith.addi %add3A_172, %iota3A : vector<16xi32>
      tpu.vector_store_idx %arg6[%add3A_167, %add3A_173], %broadcast_in_dim3A_5 : memref<256x64xf32, #tpu.memory_space<vmem>>[vector<16xi32>, vector<16xi32>], vector<16xf32>,
      %add3A_174 = arith.constant 32 : i32
      %add3A_175 = vector.broadcast %add3A_174 : i32 to vector<16xi32>
      %add3A_176 = arith.addi %add3A_175, %iota3A : vector<16xi32>
      tpu.vector_store_idx %arg6[%add3A_167, %add3A_176], %broadcast_in_dim3A_5 : memref<256x64xf32, #tpu.memory_space<vmem>>[vector<16xi32>, vector<16xi32>], vector<16xf32>,
      %add3A_177 = arith.constant 48 : i32
      %add3A_178 = vector.broadcast %add3A_177 : i32 to vector<16xi32>
      %add3A_179 = arith.addi %add3A_178, %iota3A : vector<16xi32>
      tpu.vector_store_idx %arg6[%add3A_167, %add3A_179], %broadcast_in_dim3A_5 : memref<256x64xf32, #tpu.memory_space<vmem>>[vector<16xi32>, vector<16xi32>], vector<16xf32>,
      %mul3A_180 = arith.constant 16 : i32
      %mul3A_181 = arith.muli %scan3A_13, %mul3A_180 : i32
      %add3A_182 = arith.constant 9 : i32
      %add3A_183 = arith.addi %mul3A_181, %add3A_182 : i32
      %add3A_184 = vector.broadcast %add3A_183 : i32 to vector<16xi32>
      %add3A_185 = arith.addi %broadcast_in_dim3A_7, %add3A_184 : vector<16xi32>
      %add3A_186 = arith.constant 0 : i32
      %add3A_187 = vector.broadcast %add3A_186 : i32 to vector<16xi32>
      %add3A_188 = arith.addi %add3A_187, %iota3A : vector<16xi32>
      tpu.vector_store_idx %arg6[%add3A_185, %add3A_188], %broadcast_in_dim3A_5 : memref<256x64xf32, #tpu.memory_space<vmem>>[vector<16xi32>, vector<16xi32>], vector<16xf32>,
      %add3A_189 = arith.constant 16 : i32
      %add3A_190 = vector.broadcast %add3A_189 : i32 to vector<16xi32>
      %add3A_191 = arith.addi %add3A_190, %iota3A : vector<16xi32>
      tpu.vector_store_idx %arg6[%add3A_185, %add3A_191], %broadcast_in_dim3A_5 : memref<256x64xf32, #tpu.memory_space<vmem>>[vector<16xi32>, vector<16xi32>], vector<16xf32>,
      %add3A_192 = arith.constant 32 : i32
      %add3A_193 = vector.broadcast %add3A_192 : i32 to vector<16xi32>
      %add3A_194 = arith.addi %add3A_193, %iota3A : vector<16xi32>
      tpu.vector_store_idx %arg6[%add3A_185, %add3A_194], %broadcast_in_dim3A_5 : memref<256x64xf32, #tpu.memory_space<vmem>>[vector<16xi32>, vector<16xi32>], vector<16xf32>,
      %add3A_195 = arith.constant 48 : i32
      %add3A_196 = vector.broadcast %add3A_195 : i32 to vector<16xi32>
      %add3A_197 = arith.addi %add3A_196, %iota3A : vector<16xi32>
      tpu.vector_store_idx %arg6[%add3A_185, %add3A_197], %broadcast_in_dim3A_5 : memref<256x64xf32, #tpu.memory_space<vmem>>[vector<16xi32>, vector<16xi32>], vector<16xf32>,
      %mul3A_198 = arith.constant 16 : i32
      %mul3A_199 = arith.muli %scan3A_13, %mul3A_198 : i32
      %add3A_200 = arith.constant 10 : i32
      %add3A_201 = arith.addi %mul3A_199, %add3A_200 : i32
      %add3A_202 = vector.broadcast %add3A_201 : i32 to vector<16xi32>
      %add3A_203 = arith.addi %broadcast_in_dim3A_7, %add3A_202 : vector<16xi32>
      %add3A_204 = arith.constant 0 : i32
      %add3A_205 = vector.broadcast %add3A_204 : i32 to vector<16xi32>
      %add3A_206 = arith.addi %add3A_205, %iota3A : vector<16xi32>
      tpu.vector_store_idx %arg6[%add3A_203, %add3A_206], %broadcast_in_dim3A_5 : memref<256x64xf32, #tpu.memory_space<vmem>>[vector<16xi32>, vector<16xi32>], vector<16xf32>,
      %add3A_207 = arith.constant 16 : i32
      %add3A_208 = vector.broadcast %add3A_207 : i32 to vector<16xi32>
      %add3A_209 = arith.addi %add3A_208, %iota3A : vector<16xi32>
      tpu.vector_store_idx %arg6[%add3A_203, %add3A_209], %broadcast_in_dim3A_5 : memref<256x64xf32, #tpu.memory_space<vmem>>[vector<16xi32>, vector<16xi32>], vector<16xf32>,
      %add3A_210 = arith.constant 32 : i32
      %add3A_211 = vector.broadcast %add3A_210 : i32 to vector<16xi32>
      %add3A_212 = arith.addi %add3A_211, %iota3A : vector<16xi32>
      tpu.vector_store_idx %arg6[%add3A_203, %add3A_212], %broadcast_in_dim3A_5 : memref<256x64xf32, #tpu.memory_space<vmem>>[vector<16xi32>, vector<16xi32>], vector<16xf32>,
      %add3A_213 = arith.constant 48 : i32
      %add3A_214 = vector.broadcast %add3A_213 : i32 to vector<16xi32>
      %add3A_215 = arith.addi %add3A_214, %iota3A : vector<16xi32>
      tpu.vector_store_idx %arg6[%add3A_203, %add3A_215], %broadcast_in_dim3A_5 : memref<256x64xf32, #tpu.memory_space<vmem>>[vector<16xi32>, vector<16xi32>], vector<16xf32>,
      %mul3A_216 = arith.constant 16 : i32
      %mul3A_217 = arith.muli %scan3A_13, %mul3A_216 : i32
      %add3A_218 = arith.constant 11 : i32
      %add3A_219 = arith.addi %mul3A_217, %add3A_218 : i32
      %add3A_220 = vector.broadcast %add3A_219 : i32 to vector<16xi32>
      %add3A_221 = arith.addi %broadcast_in_dim3A_7, %add3A_220 : vector<16xi32>
      %add3A_222 = arith.constant 0 : i32
      %add3A_223 = vector.broadcast %add3A_222 : i32 to vector<16xi32>
      %add3A_224 = arith.addi %add3A_223, %iota3A : vector<16xi32>
      tpu.vector_store_idx %arg6[%add3A_221, %add3A_224], %broadcast_in_dim3A_5 : memref<256x64xf32, #tpu.memory_space<vmem>>[vector<16xi32>, vector<16xi32>], vector<16xf32>,
      %add3A_225 = arith.constant 16 : i32
      %add3A_226 = vector.broadcast %add3A_225 : i32 to vector<16xi32>
      %add3A_227 = arith.addi %add3A_226, %iota3A : vector<16xi32>
      tpu.vector_store_idx %arg6[%add3A_221, %add3A_227], %broadcast_in_dim3A_5 : memref<256x64xf32, #tpu.memory_space<vmem>>[vector<16xi32>, vector<16xi32>], vector<16xf32>,
      %add3A_228 = arith.constant 32 : i32
      %add3A_229 = vector.broadcast %add3A_228 : i32 to vector<16xi32>
      %add3A_230 = arith.addi %add3A_229, %iota3A : vector<16xi32>
      tpu.vector_store_idx %arg6[%add3A_221, %add3A_230], %broadcast_in_dim3A_5 : memref<256x64xf32, #tpu.memory_space<vmem>>[vector<16xi32>, vector<16xi32>], vector<16xf32>,
      %add3A_231 = arith.constant 48 : i32
      %add3A_232 = vector.broadcast %add3A_231 : i32 to vector<16xi32>
      %add3A_233 = arith.addi %add3A_232, %iota3A : vector<16xi32>
      tpu.vector_store_idx %arg6[%add3A_221, %add3A_233], %broadcast_in_dim3A_5 : memref<256x64xf32, #tpu.memory_space<vmem>>[vector<16xi32>, vector<16xi32>], vector<16xf32>,
      %mul3A_234 = arith.constant 16 : i32
      %mul3A_235 = arith.muli %scan3A_13, %mul3A_234 : i32
      %add3A_236 = arith.constant 12 : i32
      %add3A_237 = arith.addi %mul3A_235, %add3A_236 : i32
      %add3A_238 = vector.broadcast %add3A_237 : i32 to vector<16xi32>
      %add3A_239 = arith.addi %broadcast_in_dim3A_7, %add3A_238 : vector<16xi32>
      %add3A_240 = arith.constant 0 : i32
      %add3A_241 = vector.broadcast %add3A_240 : i32 to vector<16xi32>
      %add3A_242 = arith.addi %add3A_241, %iota3A : vector<16xi32>
      tpu.vector_store_idx %arg6[%add3A_239, %add3A_242], %broadcast_in_dim3A_5 : memref<256x64xf32, #tpu.memory_space<vmem>>[vector<16xi32>, vector<16xi32>], vector<16xf32>,
      %add3A_243 = arith.constant 16 : i32
      %add3A_244 = vector.broadcast %add3A_243 : i32 to vector<16xi32>
      %add3A_245 = arith.addi %add3A_244, %iota3A : vector<16xi32>
      tpu.vector_store_idx %arg6[%add3A_239, %add3A_245], %broadcast_in_dim3A_5 : memref<256x64xf32, #tpu.memory_space<vmem>>[vector<16xi32>, vector<16xi32>], vector<16xf32>,
      %add3A_246 = arith.constant 32 : i32
      %add3A_247 = vector.broadcast %add3A_246 : i32 to vector<16xi32>
      %add3A_248 = arith.addi %add3A_247, %iota3A : vector<16xi32>
      tpu.vector_store_idx %arg6[%add3A_239, %add3A_248], %broadcast_in_dim3A_5 : memref<256x64xf32, #tpu.memory_space<vmem>>[vector<16xi32>, vector<16xi32>], vector<16xf32>,
      %add3A_249 = arith.constant 48 : i32
      %add3A_250 = vector.broadcast %add3A_249 : i32 to vector<16xi32>
      %add3A_251 = arith.addi %add3A_250, %iota3A : vector<16xi32>
      tpu.vector_store_idx %arg6[%add3A_239, %add3A_251], %broadcast_in_dim3A_5 : memref<256x64xf32, #tpu.memory_space<vmem>>[vector<16xi32>, vector<16xi32>], vector<16xf32>,
      %mul3A_252 = arith.constant 16 : i32
      %mul3A_253 = arith.muli %scan3A_13, %mul3A_252 : i32
      %add3A_254 = arith.constant 13 : i32
      %add3A_255 = arith.addi %mul3A_253, %add3A_254 : i32
      %add3A_256 = vector.broadcast %add3A_255 : i32 to vector<16xi32>
      %add3A_257 = arith.addi %broadcast_in_dim3A_7, %add3A_256 : vector<16xi32>
      %add3A_258 = arith.constant 0 : i32
      %add3A_259 = vector.broadcast %add3A_258 : i32 to vector<16xi32>
      %add3A_260 = arith.addi %add3A_259, %iota3A : vector<16xi32>
      tpu.vector_store_idx %arg6[%add3A_257, %add3A_260], %broadcast_in_dim3A_5 : memref<256x64xf32, #tpu.memory_space<vmem>>[vector<16xi32>, vector<16xi32>], vector<16xf32>,
      %add3A_261 = arith.constant 16 : i32
      %add3A_262 = vector.broadcast %add3A_261 : i32 to vector<16xi32>
      %add3A_263 = arith.addi %add3A_262, %iota3A : vector<16xi32>
      tpu.vector_store_idx %arg6[%add3A_257, %add3A_263], %broadcast_in_dim3A_5 : memref<256x64xf32, #tpu.memory_space<vmem>>[vector<16xi32>, vector<16xi32>], vector<16xf32>,
      %add3A_264 = arith.constant 32 : i32
      %add3A_265 = vector.broadcast %add3A_264 : i32 to vector<16xi32>
      %add3A_266 = arith.addi %add3A_265, %iota3A : vector<16xi32>
      tpu.vector_store_idx %arg6[%add3A_257, %add3A_266], %broadcast_in_dim3A_5 : memref<256x64xf32, #tpu.memory_space<vmem>>[vector<16xi32>, vector<16xi32>], vector<16xf32>,
      %add3A_267 = arith.constant 48 : i32
      %add3A_268 = vector.broadcast %add3A_267 : i32 to vector<16xi32>
      %add3A_269 = arith.addi %add3A_268, %iota3A : vector<16xi32>
      tpu.vector_store_idx %arg6[%add3A_257, %add3A_269], %broadcast_in_dim3A_5 : memref<256x64xf32, #tpu.memory_space<vmem>>[vector<16xi32>, vector<16xi32>], vector<16xf32>,
      %mul3A_270 = arith.constant 16 : i32
      %mul3A_271 = arith.muli %scan3A_13, %mul3A_270 : i32
      %add3A_272 = arith.constant 14 : i32
      %add3A_273 = arith.addi %mul3A_271, %add3A_272 : i32
      %add3A_274 = vector.broadcast %add3A_273 : i32 to vector<16xi32>
      %add3A_275 = arith.addi %broadcast_in_dim3A_7, %add3A_274 : vector<16xi32>
      %add3A_276 = arith.constant 0 : i32
      %add3A_277 = vector.broadcast %add3A_276 : i32 to vector<16xi32>
      %add3A_278 = arith.addi %add3A_277, %iota3A : vector<16xi32>
      tpu.vector_store_idx %arg6[%add3A_275, %add3A_278], %broadcast_in_dim3A_5 : memref<256x64xf32, #tpu.memory_space<vmem>>[vector<16xi32>, vector<16xi32>], vector<16xf32>,
      %add3A_279 = arith.constant 16 : i32
      %add3A_280 = vector.broadcast %add3A_279 : i32 to vector<16xi32>
      %add3A_281 = arith.addi %add3A_280, %iota3A : vector<16xi32>
      tpu.vector_store_idx %arg6[%add3A_275, %add3A_281], %broadcast_in_dim3A_5 : memref<256x64xf32, #tpu.memory_space<vmem>>[vector<16xi32>, vector<16xi32>], vector<16xf32>,
      %add3A_282 = arith.constant 32 : i32
      %add3A_283 = vector.broadcast %add3A_282 : i32 to vector<16xi32>
      %add3A_284 = arith.addi %add3A_283, %iota3A : vector<16xi32>
      tpu.vector_store_idx %arg6[%add3A_275, %add3A_284], %broadcast_in_dim3A_5 : memref<256x64xf32, #tpu.memory_space<vmem>>[vector<16xi32>, vector<16xi32>], vector<16xf32>,
      %add3A_285 = arith.constant 48 : i32
      %add3A_286 = vector.broadcast %add3A_285 : i32 to vector<16xi32>
      %add3A_287 = arith.addi %add3A_286, %iota3A : vector<16xi32>
      tpu.vector_store_idx %arg6[%add3A_275, %add3A_287], %broadcast_in_dim3A_5 : memref<256x64xf32, #tpu.memory_space<vmem>>[vector<16xi32>, vector<16xi32>], vector<16xf32>,
      %mul3A_288 = arith.constant 16 : i32
      %mul3A_289 = arith.muli %scan3A_13, %mul3A_288 : i32
      %add3A_290 = arith.constant 15 : i32
      %add3A_291 = arith.addi %mul3A_289, %add3A_290 : i32
      %add3A_292 = vector.broadcast %add3A_291 : i32 to vector<16xi32>
      %add3A_293 = arith.addi %broadcast_in_dim3A_7, %add3A_292 : vector<16xi32>
      %add3A_294 = arith.constant 0 : i32
      %add3A_295 = vector.broadcast %add3A_294 : i32 to vector<16xi32>
      %add3A_296 = arith.addi %add3A_295, %iota3A : vector<16xi32>
      tpu.vector_store_idx %arg6[%add3A_293, %add3A_296], %broadcast_in_dim3A_5 : memref<256x64xf32, #tpu.memory_space<vmem>>[vector<16xi32>, vector<16xi32>], vector<16xf32>,
      %add3A_297 = arith.constant 16 : i32
      %add3A_298 = vector.broadcast %add3A_297 : i32 to vector<16xi32>
      %add3A_299 = arith.addi %add3A_298, %iota3A : vector<16xi32>
      tpu.vector_store_idx %arg6[%add3A_293, %add3A_299], %broadcast_in_dim3A_5 : memref<256x64xf32, #tpu.memory_space<vmem>>[vector<16xi32>, vector<16xi32>], vector<16xf32>,
      %add3A_300 = arith.constant 32 : i32
      %add3A_301 = vector.broadcast %add3A_300 : i32 to vector<16xi32>
      %add3A_302 = arith.addi %add3A_301, %iota3A : vector<16xi32>
      tpu.vector_store_idx %arg6[%add3A_293, %add3A_302], %broadcast_in_dim3A_5 : memref<256x64xf32, #tpu.memory_space<vmem>>[vector<16xi32>, vector<16xi32>], vector<16xf32>,
      %add3A_303 = arith.constant 48 : i32
      %add3A_304 = vector.broadcast %add3A_303 : i32 to vector<16xi32>
      %add3A_305 = arith.addi %add3A_304, %iota3A : vector<16xi32>
      tpu.vector_store_idx %arg6[%add3A_293, %add3A_305], %broadcast_in_dim3A_5 : memref<256x64xf32, #tpu.memory_space<vmem>>[vector<16xi32>, vector<16xi32>], vector<16xf32>,
      %broadcast_in_dim3A_306 = arith.constant 0 : i32
      %broadcast_in_dim3A_307 = vector.broadcast %broadcast_in_dim3A_306 : i32 to vector<16xi32>
      %gather3A = tpu.vector_load_idx %arg5[%broadcast_in_dim3A_307, %add3A_17] : memref<64x256xf32, #tpu.memory_space<vmem>>[vector<16xi32>, vector<16xi32>], vector<16xf32>,
      %broadcast_in_dim3A_308 = arith.constant 1 : i32
      %broadcast_in_dim3A_309 = vector.broadcast %broadcast_in_dim3A_308 : i32 to vector<16xi32>
      %gather3A_310 = tpu.vector_load_idx %arg5[%broadcast_in_dim3A_309, %add3A_17] : memref<64x256xf32, #tpu.memory_space<vmem>>[vector<16xi32>, vector<16xi32>], vector<16xf32>,
      %broadcast_in_dim3A_311 = arith.constant 2 : i32
      %broadcast_in_dim3A_312 = vector.broadcast %broadcast_in_dim3A_311 : i32 to vector<16xi32>
      %gather3A_313 = tpu.vector_load_idx %arg5[%broadcast_in_dim3A_312, %add3A_17] : memref<64x256xf32, #tpu.memory_space<vmem>>[vector<16xi32>, vector<16xi32>], vector<16xf32>,
      %broadcast_in_dim3A_314 = arith.constant 3 : i32
      %broadcast_in_dim3A_315 = vector.broadcast %broadcast_in_dim3A_314 : i32 to vector<16xi32>
      %gather3A_316 = tpu.vector_load_idx %arg5[%broadcast_in_dim3A_315, %add3A_17] : memref<64x256xf32, #tpu.memory_space<vmem>>[vector<16xi32>, vector<16xi32>], vector<16xf32>,
      %broadcast_in_dim3A_317 = arith.constant 4 : i32
      %broadcast_in_dim3A_318 = vector.broadcast %broadcast_in_dim3A_317 : i32 to vector<16xi32>
      %gather3A_319 = tpu.vector_load_idx %arg5[%broadcast_in_dim3A_318, %add3A_17] : memref<64x256xf32, #tpu.memory_space<vmem>>[vector<16xi32>, vector<16xi32>], vector<16xf32>,
      %broadcast_in_dim3A_320 = arith.constant 5 : i32
      %broadcast_in_dim3A_321 = vector.broadcast %broadcast_in_dim3A_320 : i32 to vector<16xi32>
      %gather3A_322 = tpu.vector_load_idx %arg5[%broadcast_in_dim3A_321, %add3A_17] : memref<64x256xf32, #tpu.memory_space<vmem>>[vector<16xi32>, vector<16xi32>], vector<16xf32>,
      %broadcast_in_dim3A_323 = arith.constant 6 : i32
      %broadcast_in_dim3A_324 = vector.broadcast %broadcast_in_dim3A_323 : i32 to vector<16xi32>
      %gather3A_325 = tpu.vector_load_idx %arg5[%broadcast_in_dim3A_324, %add3A_17] : memref<64x256xf32, #tpu.memory_space<vmem>>[vector<16xi32>, vector<16xi32>], vector<16xf32>,
      %broadcast_in_dim3A_326 = arith.constant 7 : i32
      %broadcast_in_dim3A_327 = vector.broadcast %broadcast_in_dim3A_326 : i32 to vector<16xi32>
      %gather3A_328 = tpu.vector_load_idx %arg5[%broadcast_in_dim3A_327, %add3A_17] : memref<64x256xf32, #tpu.memory_space<vmem>>[vector<16xi32>, vector<16xi32>], vector<16xf32>,
      %broadcast_in_dim3A_329 = arith.constant 0 : i32
      %broadcast_in_dim3A_330 = vector.broadcast %broadcast_in_dim3A_329 : i32 to vector<16xi32>
      %broadcast_in_dim3A_331 = arith.constant 1 : i32
      %broadcast_in_dim3A_332 = vector.broadcast %broadcast_in_dim3A_331 : i32 to vector<16xi32>
      %broadcast_in_dim3A_333 = arith.constant 2 : i32
      %broadcast_in_dim3A_334 = vector.broadcast %broadcast_in_dim3A_333 : i32 to vector<16xi32>
      %broadcast_in_dim3A_335 = arith.constant 3 : i32
      %broadcast_in_dim3A_336 = vector.broadcast %broadcast_in_dim3A_335 : i32 to vector<16xi32>
      %broadcast_in_dim3A_337 = arith.constant 4 : i32
      %broadcast_in_dim3A_338 = vector.broadcast %broadcast_in_dim3A_337 : i32 to vector<16xi32>
      %broadcast_in_dim3A_339 = arith.constant 5 : i32
      %broadcast_in_dim3A_340 = vector.broadcast %broadcast_in_dim3A_339 : i32 to vector<16xi32>
      %broadcast_in_dim3A_341 = arith.constant 6 : i32
      %broadcast_in_dim3A_342 = vector.broadcast %broadcast_in_dim3A_341 : i32 to vector<16xi32>
      %broadcast_in_dim3A_343 = arith.constant 7 : i32
      %broadcast_in_dim3A_344 = vector.broadcast %broadcast_in_dim3A_343 : i32 to vector<16xi32>
      %gt3A = arith.cmpf ogt, %gather3A_310, %gather3A : vector<16xf32>
      %select_n3A = arith.select %gt3A, %gather3A_310, %gather3A : vector<16xi1>, vector<16xf32>
      %select_n3A_345 = arith.select %gt3A, %broadcast_in_dim3A_332, %broadcast_in_dim3A_330 : vector<16xi1>, vector<16xi32>
      %gt3A_346 = arith.cmpf ogt, %gather3A_316, %gather3A_313 : vector<16xf32>
      %select_n3A_347 = arith.select %gt3A_346, %gather3A_316, %gather3A_313 : vector<16xi1>, vector<16xf32>
      %select_n3A_348 = arith.select %gt3A_346, %broadcast_in_dim3A_336, %broadcast_in_dim3A_334 : vector<16xi1>, vector<16xi32>
      %gt3A_349 = arith.cmpf ogt, %gather3A_322, %gather3A_319 : vector<16xf32>
      %select_n3A_350 = arith.select %gt3A_349, %gather3A_322, %gather3A_319 : vector<16xi1>, vector<16xf32>
      %select_n3A_351 = arith.select %gt3A_349, %broadcast_in_dim3A_340, %broadcast_in_dim3A_338 : vector<16xi1>, vector<16xi32>
      %gt3A_352 = arith.cmpf ogt, %gather3A_328, %gather3A_325 : vector<16xf32>
      %select_n3A_353 = arith.select %gt3A_352, %gather3A_328, %gather3A_325 : vector<16xi1>, vector<16xf32>
      %select_n3A_354 = arith.select %gt3A_352, %broadcast_in_dim3A_344, %broadcast_in_dim3A_342 : vector<16xi1>, vector<16xi32>
      %gt3A_355 = arith.cmpf ogt, %select_n3A_347, %select_n3A : vector<16xf32>
      %select_n3A_356 = arith.select %gt3A_355, %select_n3A_347, %select_n3A : vector<16xi1>, vector<16xf32>
      %select_n3A_357 = arith.select %gt3A_355, %select_n3A_348, %select_n3A_345 : vector<16xi1>, vector<16xi32>
      %gt3A_358 = arith.cmpf ogt, %select_n3A_353, %select_n3A_350 : vector<16xf32>
      %select_n3A_359 = arith.select %gt3A_358, %select_n3A_353, %select_n3A_350 : vector<16xi1>, vector<16xf32>
      %select_n3A_360 = arith.select %gt3A_358, %select_n3A_354, %select_n3A_351 : vector<16xi1>, vector<16xi32>
      %gt3A_361 = arith.cmpf ogt, %select_n3A_359, %select_n3A_356 : vector<16xf32>
      %select_n3A_362 = arith.select %gt3A_361, %select_n3A_359, %select_n3A_356 : vector<16xi1>, vector<16xf32>
      %select_n3A_363 = arith.select %gt3A_361, %select_n3A_360, %select_n3A_357 : vector<16xi1>, vector<16xi32>
      %broadcast_in_dim3A_364 = arith.constant 8 : i32
      %broadcast_in_dim3A_365 = vector.broadcast %broadcast_in_dim3A_364 : i32 to vector<16xi32>
      %gather3A_366 = tpu.vector_load_idx %arg5[%broadcast_in_dim3A_365, %add3A_17] : memref<64x256xf32, #tpu.memory_space<vmem>>[vector<16xi32>, vector<16xi32>], vector<16xf32>,
      %broadcast_in_dim3A_367 = arith.constant 9 : i32
      %broadcast_in_dim3A_368 = vector.broadcast %broadcast_in_dim3A_367 : i32 to vector<16xi32>
      %gather3A_369 = tpu.vector_load_idx %arg5[%broadcast_in_dim3A_368, %add3A_17] : memref<64x256xf32, #tpu.memory_space<vmem>>[vector<16xi32>, vector<16xi32>], vector<16xf32>,
      %broadcast_in_dim3A_370 = arith.constant 10 : i32
      %broadcast_in_dim3A_371 = vector.broadcast %broadcast_in_dim3A_370 : i32 to vector<16xi32>
      %gather3A_372 = tpu.vector_load_idx %arg5[%broadcast_in_dim3A_371, %add3A_17] : memref<64x256xf32, #tpu.memory_space<vmem>>[vector<16xi32>, vector<16xi32>], vector<16xf32>,
      %broadcast_in_dim3A_373 = arith.constant 11 : i32
      %broadcast_in_dim3A_374 = vector.broadcast %broadcast_in_dim3A_373 : i32 to vector<16xi32>
      %gather3A_375 = tpu.vector_load_idx %arg5[%broadcast_in_dim3A_374, %add3A_17] : memref<64x256xf32, #tpu.memory_space<vmem>>[vector<16xi32>, vector<16xi32>], vector<16xf32>,
      %broadcast_in_dim3A_376 = arith.constant 12 : i32
      %broadcast_in_dim3A_377 = vector.broadcast %broadcast_in_dim3A_376 : i32 to vector<16xi32>
      %gather3A_378 = tpu.vector_load_idx %arg5[%broadcast_in_dim3A_377, %add3A_17] : memref<64x256xf32, #tpu.memory_space<vmem>>[vector<16xi32>, vector<16xi32>], vector<16xf32>,
      %broadcast_in_dim3A_379 = arith.constant 13 : i32
      %broadcast_in_dim3A_380 = vector.broadcast %broadcast_in_dim3A_379 : i32 to vector<16xi32>
      %gather3A_381 = tpu.vector_load_idx %arg5[%broadcast_in_dim3A_380, %add3A_17] : memref<64x256xf32, #tpu.memory_space<vmem>>[vector<16xi32>, vector<16xi32>], vector<16xf32>,
      %broadcast_in_dim3A_382 = arith.constant 14 : i32
      %broadcast_in_dim3A_383 = vector.broadcast %broadcast_in_dim3A_382 : i32 to vector<16xi32>
      %gather3A_384 = tpu.vector_load_idx %arg5[%broadcast_in_dim3A_383, %add3A_17] : memref<64x256xf32, #tpu.memory_space<vmem>>[vector<16xi32>, vector<16xi32>], vector<16xf32>,
      %broadcast_in_dim3A_385 = arith.constant 15 : i32
      %broadcast_in_dim3A_386 = vector.broadcast %broadcast_in_dim3A_385 : i32 to vector<16xi32>
      %gather3A_387 = tpu.vector_load_idx %arg5[%broadcast_in_dim3A_386, %add3A_17] : memref<64x256xf32, #tpu.memory_space<vmem>>[vector<16xi32>, vector<16xi32>], vector<16xf32>,
      %broadcast_in_dim3A_388 = arith.constant 8 : i32
      %broadcast_in_dim3A_389 = vector.broadcast %broadcast_in_dim3A_388 : i32 to vector<16xi32>
      %broadcast_in_dim3A_390 = arith.constant 9 : i32
      %broadcast_in_dim3A_391 = vector.broadcast %broadcast_in_dim3A_390 : i32 to vector<16xi32>
      %broadcast_in_dim3A_392 = arith.constant 10 : i32
      %broadcast_in_dim3A_393 = vector.broadcast %broadcast_in_dim3A_392 : i32 to vector<16xi32>
      %broadcast_in_dim3A_394 = arith.constant 11 : i32
      %broadcast_in_dim3A_395 = vector.broadcast %broadcast_in_dim3A_394 : i32 to vector<16xi32>
      %broadcast_in_dim3A_396 = arith.constant 12 : i32
      %broadcast_in_dim3A_397 = vector.broadcast %broadcast_in_dim3A_396 : i32 to vector<16xi32>
      %broadcast_in_dim3A_398 = arith.constant 13 : i32
      %broadcast_in_dim3A_399 = vector.broadcast %broadcast_in_dim3A_398 : i32 to vector<16xi32>
      %broadcast_in_dim3A_400 = arith.constant 14 : i32
      %broadcast_in_dim3A_401 = vector.broadcast %broadcast_in_dim3A_400 : i32 to vector<16xi32>
      %broadcast_in_dim3A_402 = arith.constant 15 : i32
      %broadcast_in_dim3A_403 = vector.broadcast %broadcast_in_dim3A_402 : i32 to vector<16xi32>
      %gt3A_404 = arith.cmpf ogt, %gather3A_369, %gather3A_366 : vector<16xf32>
      %select_n3A_405 = arith.select %gt3A_404, %gather3A_369, %gather3A_366 : vector<16xi1>, vector<16xf32>
      %select_n3A_406 = arith.select %gt3A_404, %broadcast_in_dim3A_391, %broadcast_in_dim3A_389 : vector<16xi1>, vector<16xi32>
      %gt3A_407 = arith.cmpf ogt, %gather3A_375, %gather3A_372 : vector<16xf32>
      %select_n3A_408 = arith.select %gt3A_407, %gather3A_375, %gather3A_372 : vector<16xi1>, vector<16xf32>
      %select_n3A_409 = arith.select %gt3A_407, %broadcast_in_dim3A_395, %broadcast_in_dim3A_393 : vector<16xi1>, vector<16xi32>
      %gt3A_410 = arith.cmpf ogt, %gather3A_381, %gather3A_378 : vector<16xf32>
      %select_n3A_411 = arith.select %gt3A_410, %gather3A_381, %gather3A_378 : vector<16xi1>, vector<16xf32>
      %select_n3A_412 = arith.select %gt3A_410, %broadcast_in_dim3A_399, %broadcast_in_dim3A_397 : vector<16xi1>, vector<16xi32>
      %gt3A_413 = arith.cmpf ogt, %gather3A_387, %gather3A_384 : vector<16xf32>
      %select_n3A_414 = arith.select %gt3A_413, %gather3A_387, %gather3A_384 : vector<16xi1>, vector<16xf32>
      %select_n3A_415 = arith.select %gt3A_413, %broadcast_in_dim3A_403, %broadcast_in_dim3A_401 : vector<16xi1>, vector<16xi32>
      %gt3A_416 = arith.cmpf ogt, %select_n3A_408, %select_n3A_405 : vector<16xf32>
      %select_n3A_417 = arith.select %gt3A_416, %select_n3A_408, %select_n3A_405 : vector<16xi1>, vector<16xf32>
      %select_n3A_418 = arith.select %gt3A_416, %select_n3A_409, %select_n3A_406 : vector<16xi1>, vector<16xi32>
      %gt3A_419 = arith.cmpf ogt, %select_n3A_414, %select_n3A_411 : vector<16xf32>
      %select_n3A_420 = arith.select %gt3A_419, %select_n3A_414, %select_n3A_411 : vector<16xi1>, vector<16xf32>
      %select_n3A_421 = arith.select %gt3A_419, %select_n3A_415, %select_n3A_412 : vector<16xi1>, vector<16xi32>
      %gt3A_422 = arith.cmpf ogt, %select_n3A_420, %select_n3A_417 : vector<16xf32>
      %select_n3A_423 = arith.select %gt3A_422, %select_n3A_420, %select_n3A_417 : vector<16xi1>, vector<16xf32>
      %select_n3A_424 = arith.select %gt3A_422, %select_n3A_421, %select_n3A_418 : vector<16xi1>, vector<16xi32>
      %broadcast_in_dim3A_425 = arith.constant 16 : i32
      %broadcast_in_dim3A_426 = vector.broadcast %broadcast_in_dim3A_425 : i32 to vector<16xi32>
      %gather3A_427 = tpu.vector_load_idx %arg5[%broadcast_in_dim3A_426, %add3A_17] : memref<64x256xf32, #tpu.memory_space<vmem>>[vector<16xi32>, vector<16xi32>], vector<16xf32>,
      %broadcast_in_dim3A_428 = arith.constant 17 : i32
      %broadcast_in_dim3A_429 = vector.broadcast %broadcast_in_dim3A_428 : i32 to vector<16xi32>
      %gather3A_430 = tpu.vector_load_idx %arg5[%broadcast_in_dim3A_429, %add3A_17] : memref<64x256xf32, #tpu.memory_space<vmem>>[vector<16xi32>, vector<16xi32>], vector<16xf32>,
      %broadcast_in_dim3A_431 = arith.constant 18 : i32
      %broadcast_in_dim3A_432 = vector.broadcast %broadcast_in_dim3A_431 : i32 to vector<16xi32>
      %gather3A_433 = tpu.vector_load_idx %arg5[%broadcast_in_dim3A_432, %add3A_17] : memref<64x256xf32, #tpu.memory_space<vmem>>[vector<16xi32>, vector<16xi32>], vector<16xf32>,
      %broadcast_in_dim3A_434 = arith.constant 19 : i32
      %broadcast_in_dim3A_435 = vector.broadcast %broadcast_in_dim3A_434 : i32 to vector<16xi32>
      %gather3A_436 = tpu.vector_load_idx %arg5[%broadcast_in_dim3A_435, %add3A_17] : memref<64x256xf32, #tpu.memory_space<vmem>>[vector<16xi32>, vector<16xi32>], vector<16xf32>,
      %broadcast_in_dim3A_437 = arith.constant 20 : i32
      %broadcast_in_dim3A_438 = vector.broadcast %broadcast_in_dim3A_437 : i32 to vector<16xi32>
      %gather3A_439 = tpu.vector_load_idx %arg5[%broadcast_in_dim3A_438, %add3A_17] : memref<64x256xf32, #tpu.memory_space<vmem>>[vector<16xi32>, vector<16xi32>], vector<16xf32>,
      %broadcast_in_dim3A_440 = arith.constant 21 : i32
      %broadcast_in_dim3A_441 = vector.broadcast %broadcast_in_dim3A_440 : i32 to vector<16xi32>
      %gather3A_442 = tpu.vector_load_idx %arg5[%broadcast_in_dim3A_441, %add3A_17] : memref<64x256xf32, #tpu.memory_space<vmem>>[vector<16xi32>, vector<16xi32>], vector<16xf32>,
      %broadcast_in_dim3A_443 = arith.constant 22 : i32
      %broadcast_in_dim3A_444 = vector.broadcast %broadcast_in_dim3A_443 : i32 to vector<16xi32>
      %gather3A_445 = tpu.vector_load_idx %arg5[%broadcast_in_dim3A_444, %add3A_17] : memref<64x256xf32, #tpu.memory_space<vmem>>[vector<16xi32>, vector<16xi32>], vector<16xf32>,
      %broadcast_in_dim3A_446 = arith.constant 23 : i32
      %broadcast_in_dim3A_447 = vector.broadcast %broadcast_in_dim3A_446 : i32 to vector<16xi32>
      %gather3A_448 = tpu.vector_load_idx %arg5[%broadcast_in_dim3A_447, %add3A_17] : memref<64x256xf32, #tpu.memory_space<vmem>>[vector<16xi32>, vector<16xi32>], vector<16xf32>,
      %broadcast_in_dim3A_449 = arith.constant 16 : i32
      %broadcast_in_dim3A_450 = vector.broadcast %broadcast_in_dim3A_449 : i32 to vector<16xi32>
      %broadcast_in_dim3A_451 = arith.constant 17 : i32
      %broadcast_in_dim3A_452 = vector.broadcast %broadcast_in_dim3A_451 : i32 to vector<16xi32>
      %broadcast_in_dim3A_453 = arith.constant 18 : i32
      %broadcast_in_dim3A_454 = vector.broadcast %broadcast_in_dim3A_453 : i32 to vector<16xi32>
      %broadcast_in_dim3A_455 = arith.constant 19 : i32
      %broadcast_in_dim3A_456 = vector.broadcast %broadcast_in_dim3A_455 : i32 to vector<16xi32>
      %broadcast_in_dim3A_457 = arith.constant 20 : i32
      %broadcast_in_dim3A_458 = vector.broadcast %broadcast_in_dim3A_457 : i32 to vector<16xi32>
      %broadcast_in_dim3A_459 = arith.constant 21 : i32
      %broadcast_in_dim3A_460 = vector.broadcast %broadcast_in_dim3A_459 : i32 to vector<16xi32>
      %broadcast_in_dim3A_461 = arith.constant 22 : i32
      %broadcast_in_dim3A_462 = vector.broadcast %broadcast_in_dim3A_461 : i32 to vector<16xi32>
      %broadcast_in_dim3A_463 = arith.constant 23 : i32
      %broadcast_in_dim3A_464 = vector.broadcast %broadcast_in_dim3A_463 : i32 to vector<16xi32>
      %gt3A_465 = arith.cmpf ogt, %gather3A_430, %gather3A_427 : vector<16xf32>
      %select_n3A_466 = arith.select %gt3A_465, %gather3A_430, %gather3A_427 : vector<16xi1>, vector<16xf32>
      %select_n3A_467 = arith.select %gt3A_465, %broadcast_in_dim3A_452, %broadcast_in_dim3A_450 : vector<16xi1>, vector<16xi32>
      %gt3A_468 = arith.cmpf ogt, %gather3A_436, %gather3A_433 : vector<16xf32>
      %select_n3A_469 = arith.select %gt3A_468, %gather3A_436, %gather3A_433 : vector<16xi1>, vector<16xf32>
      %select_n3A_470 = arith.select %gt3A_468, %broadcast_in_dim3A_456, %broadcast_in_dim3A_454 : vector<16xi1>, vector<16xi32>
      %gt3A_471 = arith.cmpf ogt, %gather3A_442, %gather3A_439 : vector<16xf32>
      %select_n3A_472 = arith.select %gt3A_471, %gather3A_442, %gather3A_439 : vector<16xi1>, vector<16xf32>
      %select_n3A_473 = arith.select %gt3A_471, %broadcast_in_dim3A_460, %broadcast_in_dim3A_458 : vector<16xi1>, vector<16xi32>
      %gt3A_474 = arith.cmpf ogt, %gather3A_448, %gather3A_445 : vector<16xf32>
      %select_n3A_475 = arith.select %gt3A_474, %gather3A_448, %gather3A_445 : vector<16xi1>, vector<16xf32>
      %select_n3A_476 = arith.select %gt3A_474, %broadcast_in_dim3A_464, %broadcast_in_dim3A_462 : vector<16xi1>, vector<16xi32>
      %gt3A_477 = arith.cmpf ogt, %select_n3A_469, %select_n3A_466 : vector<16xf32>
      %select_n3A_478 = arith.select %gt3A_477, %select_n3A_469, %select_n3A_466 : vector<16xi1>, vector<16xf32>
      %select_n3A_479 = arith.select %gt3A_477, %select_n3A_470, %select_n3A_467 : vector<16xi1>, vector<16xi32>
      %gt3A_480 = arith.cmpf ogt, %select_n3A_475, %select_n3A_472 : vector<16xf32>
      %select_n3A_481 = arith.select %gt3A_480, %select_n3A_475, %select_n3A_472 : vector<16xi1>, vector<16xf32>
      %select_n3A_482 = arith.select %gt3A_480, %select_n3A_476, %select_n3A_473 : vector<16xi1>, vector<16xi32>
      %gt3A_483 = arith.cmpf ogt, %select_n3A_481, %select_n3A_478 : vector<16xf32>
      %select_n3A_484 = arith.select %gt3A_483, %select_n3A_481, %select_n3A_478 : vector<16xi1>, vector<16xf32>
      %select_n3A_485 = arith.select %gt3A_483, %select_n3A_482, %select_n3A_479 : vector<16xi1>, vector<16xi32>
      %broadcast_in_dim3A_486 = arith.constant 24 : i32
      %broadcast_in_dim3A_487 = vector.broadcast %broadcast_in_dim3A_486 : i32 to vector<16xi32>
      %gather3A_488 = tpu.vector_load_idx %arg5[%broadcast_in_dim3A_487, %add3A_17] : memref<64x256xf32, #tpu.memory_space<vmem>>[vector<16xi32>, vector<16xi32>], vector<16xf32>,
      %broadcast_in_dim3A_489 = arith.constant 25 : i32
      %broadcast_in_dim3A_490 = vector.broadcast %broadcast_in_dim3A_489 : i32 to vector<16xi32>
      %gather3A_491 = tpu.vector_load_idx %arg5[%broadcast_in_dim3A_490, %add3A_17] : memref<64x256xf32, #tpu.memory_space<vmem>>[vector<16xi32>, vector<16xi32>], vector<16xf32>,
      %broadcast_in_dim3A_492 = arith.constant 26 : i32
      %broadcast_in_dim3A_493 = vector.broadcast %broadcast_in_dim3A_492 : i32 to vector<16xi32>
      %gather3A_494 = tpu.vector_load_idx %arg5[%broadcast_in_dim3A_493, %add3A_17] : memref<64x256xf32, #tpu.memory_space<vmem>>[vector<16xi32>, vector<16xi32>], vector<16xf32>,
      %broadcast_in_dim3A_495 = arith.constant 27 : i32
      %broadcast_in_dim3A_496 = vector.broadcast %broadcast_in_dim3A_495 : i32 to vector<16xi32>
      %gather3A_497 = tpu.vector_load_idx %arg5[%broadcast_in_dim3A_496, %add3A_17] : memref<64x256xf32, #tpu.memory_space<vmem>>[vector<16xi32>, vector<16xi32>], vector<16xf32>,
      %broadcast_in_dim3A_498 = arith.constant 28 : i32
      %broadcast_in_dim3A_499 = vector.broadcast %broadcast_in_dim3A_498 : i32 to vector<16xi32>
      %gather3A_500 = tpu.vector_load_idx %arg5[%broadcast_in_dim3A_499, %add3A_17] : memref<64x256xf32, #tpu.memory_space<vmem>>[vector<16xi32>, vector<16xi32>], vector<16xf32>,
      %broadcast_in_dim3A_501 = arith.constant 29 : i32
      %broadcast_in_dim3A_502 = vector.broadcast %broadcast_in_dim3A_501 : i32 to vector<16xi32>
      %gather3A_503 = tpu.vector_load_idx %arg5[%broadcast_in_dim3A_502, %add3A_17] : memref<64x256xf32, #tpu.memory_space<vmem>>[vector<16xi32>, vector<16xi32>], vector<16xf32>,
      %broadcast_in_dim3A_504 = arith.constant 30 : i32
      %broadcast_in_dim3A_505 = vector.broadcast %broadcast_in_dim3A_504 : i32 to vector<16xi32>
      %gather3A_506 = tpu.vector_load_idx %arg5[%broadcast_in_dim3A_505, %add3A_17] : memref<64x256xf32, #tpu.memory_space<vmem>>[vector<16xi32>, vector<16xi32>], vector<16xf32>,
      %broadcast_in_dim3A_507 = arith.constant 31 : i32
      %broadcast_in_dim3A_508 = vector.broadcast %broadcast_in_dim3A_507 : i32 to vector<16xi32>
      %gather3A_509 = tpu.vector_load_idx %arg5[%broadcast_in_dim3A_508, %add3A_17] : memref<64x256xf32, #tpu.memory_space<vmem>>[vector<16xi32>, vector<16xi32>], vector<16xf32>,
      %broadcast_in_dim3A_510 = arith.constant 24 : i32
      %broadcast_in_dim3A_511 = vector.broadcast %broadcast_in_dim3A_510 : i32 to vector<16xi32>
      %broadcast_in_dim3A_512 = arith.constant 25 : i32
      %broadcast_in_dim3A_513 = vector.broadcast %broadcast_in_dim3A_512 : i32 to vector<16xi32>
      %broadcast_in_dim3A_514 = arith.constant 26 : i32
      %broadcast_in_dim3A_515 = vector.broadcast %broadcast_in_dim3A_514 : i32 to vector<16xi32>
      %broadcast_in_dim3A_516 = arith.constant 27 : i32
      %broadcast_in_dim3A_517 = vector.broadcast %broadcast_in_dim3A_516 : i32 to vector<16xi32>
      %broadcast_in_dim3A_518 = arith.constant 28 : i32
      %broadcast_in_dim3A_519 = vector.broadcast %broadcast_in_dim3A_518 : i32 to vector<16xi32>
      %broadcast_in_dim3A_520 = arith.constant 29 : i32
      %broadcast_in_dim3A_521 = vector.broadcast %broadcast_in_dim3A_520 : i32 to vector<16xi32>
      %broadcast_in_dim3A_522 = arith.constant 30 : i32
      %broadcast_in_dim3A_523 = vector.broadcast %broadcast_in_dim3A_522 : i32 to vector<16xi32>
      %broadcast_in_dim3A_524 = arith.constant 31 : i32
      %broadcast_in_dim3A_525 = vector.broadcast %broadcast_in_dim3A_524 : i32 to vector<16xi32>
      %gt3A_526 = arith.cmpf ogt, %gather3A_491, %gather3A_488 : vector<16xf32>
      %select_n3A_527 = arith.select %gt3A_526, %gather3A_491, %gather3A_488 : vector<16xi1>, vector<16xf32>
      %select_n3A_528 = arith.select %gt3A_526, %broadcast_in_dim3A_513, %broadcast_in_dim3A_511 : vector<16xi1>, vector<16xi32>
      %gt3A_529 = arith.cmpf ogt, %gather3A_497, %gather3A_494 : vector<16xf32>
      %select_n3A_530 = arith.select %gt3A_529, %gather3A_497, %gather3A_494 : vector<16xi1>, vector<16xf32>
      %select_n3A_531 = arith.select %gt3A_529, %broadcast_in_dim3A_517, %broadcast_in_dim3A_515 : vector<16xi1>, vector<16xi32>
      %gt3A_532 = arith.cmpf ogt, %gather3A_503, %gather3A_500 : vector<16xf32>
      %select_n3A_533 = arith.select %gt3A_532, %gather3A_503, %gather3A_500 : vector<16xi1>, vector<16xf32>
      %select_n3A_534 = arith.select %gt3A_532, %broadcast_in_dim3A_521, %broadcast_in_dim3A_519 : vector<16xi1>, vector<16xi32>
      %gt3A_535 = arith.cmpf ogt, %gather3A_509, %gather3A_506 : vector<16xf32>
      %select_n3A_536 = arith.select %gt3A_535, %gather3A_509, %gather3A_506 : vector<16xi1>, vector<16xf32>
      %select_n3A_537 = arith.select %gt3A_535, %broadcast_in_dim3A_525, %broadcast_in_dim3A_523 : vector<16xi1>, vector<16xi32>
      %gt3A_538 = arith.cmpf ogt, %select_n3A_530, %select_n3A_527 : vector<16xf32>
      %select_n3A_539 = arith.select %gt3A_538, %select_n3A_530, %select_n3A_527 : vector<16xi1>, vector<16xf32>
      %select_n3A_540 = arith.select %gt3A_538, %select_n3A_531, %select_n3A_528 : vector<16xi1>, vector<16xi32>
      %gt3A_541 = arith.cmpf ogt, %select_n3A_536, %select_n3A_533 : vector<16xf32>
      %select_n3A_542 = arith.select %gt3A_541, %select_n3A_536, %select_n3A_533 : vector<16xi1>, vector<16xf32>
      %select_n3A_543 = arith.select %gt3A_541, %select_n3A_537, %select_n3A_534 : vector<16xi1>, vector<16xi32>
      %gt3A_544 = arith.cmpf ogt, %select_n3A_542, %select_n3A_539 : vector<16xf32>
      %select_n3A_545 = arith.select %gt3A_544, %select_n3A_542, %select_n3A_539 : vector<16xi1>, vector<16xf32>
      %select_n3A_546 = arith.select %gt3A_544, %select_n3A_543, %select_n3A_540 : vector<16xi1>, vector<16xi32>
      %broadcast_in_dim3A_547 = arith.constant 32 : i32
      %broadcast_in_dim3A_548 = vector.broadcast %broadcast_in_dim3A_547 : i32 to vector<16xi32>
      %gather3A_549 = tpu.vector_load_idx %arg5[%broadcast_in_dim3A_548, %add3A_17] : memref<64x256xf32, #tpu.memory_space<vmem>>[vector<16xi32>, vector<16xi32>], vector<16xf32>,
      %broadcast_in_dim3A_550 = arith.constant 33 : i32
      %broadcast_in_dim3A_551 = vector.broadcast %broadcast_in_dim3A_550 : i32 to vector<16xi32>
      %gather3A_552 = tpu.vector_load_idx %arg5[%broadcast_in_dim3A_551, %add3A_17] : memref<64x256xf32, #tpu.memory_space<vmem>>[vector<16xi32>, vector<16xi32>], vector<16xf32>,
      %broadcast_in_dim3A_553 = arith.constant 34 : i32
      %broadcast_in_dim3A_554 = vector.broadcast %broadcast_in_dim3A_553 : i32 to vector<16xi32>
      %gather3A_555 = tpu.vector_load_idx %arg5[%broadcast_in_dim3A_554, %add3A_17] : memref<64x256xf32, #tpu.memory_space<vmem>>[vector<16xi32>, vector<16xi32>], vector<16xf32>,
      %broadcast_in_dim3A_556 = arith.constant 35 : i32
      %broadcast_in_dim3A_557 = vector.broadcast %broadcast_in_dim3A_556 : i32 to vector<16xi32>
      %gather3A_558 = tpu.vector_load_idx %arg5[%broadcast_in_dim3A_557, %add3A_17] : memref<64x256xf32, #tpu.memory_space<vmem>>[vector<16xi32>, vector<16xi32>], vector<16xf32>,
      %broadcast_in_dim3A_559 = arith.constant 36 : i32
      %broadcast_in_dim3A_560 = vector.broadcast %broadcast_in_dim3A_559 : i32 to vector<16xi32>
      %gather3A_561 = tpu.vector_load_idx %arg5[%broadcast_in_dim3A_560, %add3A_17] : memref<64x256xf32, #tpu.memory_space<vmem>>[vector<16xi32>, vector<16xi32>], vector<16xf32>,
      %broadcast_in_dim3A_562 = arith.constant 37 : i32
      %broadcast_in_dim3A_563 = vector.broadcast %broadcast_in_dim3A_562 : i32 to vector<16xi32>
      %gather3A_564 = tpu.vector_load_idx %arg5[%broadcast_in_dim3A_563, %add3A_17] : memref<64x256xf32, #tpu.memory_space<vmem>>[vector<16xi32>, vector<16xi32>], vector<16xf32>,
      %broadcast_in_dim3A_565 = arith.constant 38 : i32
      %broadcast_in_dim3A_566 = vector.broadcast %broadcast_in_dim3A_565 : i32 to vector<16xi32>
      %gather3A_567 = tpu.vector_load_idx %arg5[%broadcast_in_dim3A_566, %add3A_17] : memref<64x256xf32, #tpu.memory_space<vmem>>[vector<16xi32>, vector<16xi32>], vector<16xf32>,
      %broadcast_in_dim3A_568 = arith.constant 39 : i32
      %broadcast_in_dim3A_569 = vector.broadcast %broadcast_in_dim3A_568 : i32 to vector<16xi32>
      %gather3A_570 = tpu.vector_load_idx %arg5[%broadcast_in_dim3A_569, %add3A_17] : memref<64x256xf32, #tpu.memory_space<vmem>>[vector<16xi32>, vector<16xi32>], vector<16xf32>,
      %broadcast_in_dim3A_571 = arith.constant 32 : i32
      %broadcast_in_dim3A_572 = vector.broadcast %broadcast_in_dim3A_571 : i32 to vector<16xi32>
      %broadcast_in_dim3A_573 = arith.constant 33 : i32
      %broadcast_in_dim3A_574 = vector.broadcast %broadcast_in_dim3A_573 : i32 to vector<16xi32>
      %broadcast_in_dim3A_575 = arith.constant 34 : i32
      %broadcast_in_dim3A_576 = vector.broadcast %broadcast_in_dim3A_575 : i32 to vector<16xi32>
      %broadcast_in_dim3A_577 = arith.constant 35 : i32
      %broadcast_in_dim3A_578 = vector.broadcast %broadcast_in_dim3A_577 : i32 to vector<16xi32>
      %broadcast_in_dim3A_579 = arith.constant 36 : i32
      %broadcast_in_dim3A_580 = vector.broadcast %broadcast_in_dim3A_579 : i32 to vector<16xi32>
      %broadcast_in_dim3A_581 = arith.constant 37 : i32
      %broadcast_in_dim3A_582 = vector.broadcast %broadcast_in_dim3A_581 : i32 to vector<16xi32>
      %broadcast_in_dim3A_583 = arith.constant 38 : i32
      %broadcast_in_dim3A_584 = vector.broadcast %broadcast_in_dim3A_583 : i32 to vector<16xi32>
      %broadcast_in_dim3A_585 = arith.constant 39 : i32
      %broadcast_in_dim3A_586 = vector.broadcast %broadcast_in_dim3A_585 : i32 to vector<16xi32>
      %gt3A_587 = arith.cmpf ogt, %gather3A_552, %gather3A_549 : vector<16xf32>
      %select_n3A_588 = arith.select %gt3A_587, %gather3A_552, %gather3A_549 : vector<16xi1>, vector<16xf32>
      %select_n3A_589 = arith.select %gt3A_587, %broadcast_in_dim3A_574, %broadcast_in_dim3A_572 : vector<16xi1>, vector<16xi32>
      %gt3A_590 = arith.cmpf ogt, %gather3A_558, %gather3A_555 : vector<16xf32>
      %select_n3A_591 = arith.select %gt3A_590, %gather3A_558, %gather3A_555 : vector<16xi1>, vector<16xf32>
      %select_n3A_592 = arith.select %gt3A_590, %broadcast_in_dim3A_578, %broadcast_in_dim3A_576 : vector<16xi1>, vector<16xi32>
      %gt3A_593 = arith.cmpf ogt, %gather3A_564, %gather3A_561 : vector<16xf32>
      %select_n3A_594 = arith.select %gt3A_593, %gather3A_564, %gather3A_561 : vector<16xi1>, vector<16xf32>
      %select_n3A_595 = arith.select %gt3A_593, %broadcast_in_dim3A_582, %broadcast_in_dim3A_580 : vector<16xi1>, vector<16xi32>
      %gt3A_596 = arith.cmpf ogt, %gather3A_570, %gather3A_567 : vector<16xf32>
      %select_n3A_597 = arith.select %gt3A_596, %gather3A_570, %gather3A_567 : vector<16xi1>, vector<16xf32>
      %select_n3A_598 = arith.select %gt3A_596, %broadcast_in_dim3A_586, %broadcast_in_dim3A_584 : vector<16xi1>, vector<16xi32>
      %gt3A_599 = arith.cmpf ogt, %select_n3A_591, %select_n3A_588 : vector<16xf32>
      %select_n3A_600 = arith.select %gt3A_599, %select_n3A_591, %select_n3A_588 : vector<16xi1>, vector<16xf32>
      %select_n3A_601 = arith.select %gt3A_599, %select_n3A_592, %select_n3A_589 : vector<16xi1>, vector<16xi32>
      %gt3A_602 = arith.cmpf ogt, %select_n3A_597, %select_n3A_594 : vector<16xf32>
      %select_n3A_603 = arith.select %gt3A_602, %select_n3A_597, %select_n3A_594 : vector<16xi1>, vector<16xf32>
      %select_n3A_604 = arith.select %gt3A_602, %select_n3A_598, %select_n3A_595 : vector<16xi1>, vector<16xi32>
      %gt3A_605 = arith.cmpf ogt, %select_n3A_603, %select_n3A_600 : vector<16xf32>
      %select_n3A_606 = arith.select %gt3A_605, %select_n3A_603, %select_n3A_600 : vector<16xi1>, vector<16xf32>
      %select_n3A_607 = arith.select %gt3A_605, %select_n3A_604, %select_n3A_601 : vector<16xi1>, vector<16xi32>
      %broadcast_in_dim3A_608 = arith.constant 40 : i32
      %broadcast_in_dim3A_609 = vector.broadcast %broadcast_in_dim3A_608 : i32 to vector<16xi32>
      %gather3A_610 = tpu.vector_load_idx %arg5[%broadcast_in_dim3A_609, %add3A_17] : memref<64x256xf32, #tpu.memory_space<vmem>>[vector<16xi32>, vector<16xi32>], vector<16xf32>,
      %broadcast_in_dim3A_611 = arith.constant 41 : i32
      %broadcast_in_dim3A_612 = vector.broadcast %broadcast_in_dim3A_611 : i32 to vector<16xi32>
      %gather3A_613 = tpu.vector_load_idx %arg5[%broadcast_in_dim3A_612, %add3A_17] : memref<64x256xf32, #tpu.memory_space<vmem>>[vector<16xi32>, vector<16xi32>], vector<16xf32>,
      %broadcast_in_dim3A_614 = arith.constant 42 : i32
      %broadcast_in_dim3A_615 = vector.broadcast %broadcast_in_dim3A_614 : i32 to vector<16xi32>
      %gather3A_616 = tpu.vector_load_idx %arg5[%broadcast_in_dim3A_615, %add3A_17] : memref<64x256xf32, #tpu.memory_space<vmem>>[vector<16xi32>, vector<16xi32>], vector<16xf32>,
      %broadcast_in_dim3A_617 = arith.constant 43 : i32
      %broadcast_in_dim3A_618 = vector.broadcast %broadcast_in_dim3A_617 : i32 to vector<16xi32>
      %gather3A_619 = tpu.vector_load_idx %arg5[%broadcast_in_dim3A_618, %add3A_17] : memref<64x256xf32, #tpu.memory_space<vmem>>[vector<16xi32>, vector<16xi32>], vector<16xf32>,
      %broadcast_in_dim3A_620 = arith.constant 44 : i32
      %broadcast_in_dim3A_621 = vector.broadcast %broadcast_in_dim3A_620 : i32 to vector<16xi32>
      %gather3A_622 = tpu.vector_load_idx %arg5[%broadcast_in_dim3A_621, %add3A_17] : memref<64x256xf32, #tpu.memory_space<vmem>>[vector<16xi32>, vector<16xi32>], vector<16xf32>,
      %broadcast_in_dim3A_623 = arith.constant 45 : i32
      %broadcast_in_dim3A_624 = vector.broadcast %broadcast_in_dim3A_623 : i32 to vector<16xi32>
      %gather3A_625 = tpu.vector_load_idx %arg5[%broadcast_in_dim3A_624, %add3A_17] : memref<64x256xf32, #tpu.memory_space<vmem>>[vector<16xi32>, vector<16xi32>], vector<16xf32>,
      %broadcast_in_dim3A_626 = arith.constant 46 : i32
      %broadcast_in_dim3A_627 = vector.broadcast %broadcast_in_dim3A_626 : i32 to vector<16xi32>
      %gather3A_628 = tpu.vector_load_idx %arg5[%broadcast_in_dim3A_627, %add3A_17] : memref<64x256xf32, #tpu.memory_space<vmem>>[vector<16xi32>, vector<16xi32>], vector<16xf32>,
      %broadcast_in_dim3A_629 = arith.constant 47 : i32
      %broadcast_in_dim3A_630 = vector.broadcast %broadcast_in_dim3A_629 : i32 to vector<16xi32>
      %gather3A_631 = tpu.vector_load_idx %arg5[%broadcast_in_dim3A_630, %add3A_17] : memref<64x256xf32, #tpu.memory_space<vmem>>[vector<16xi32>, vector<16xi32>], vector<16xf32>,
      %broadcast_in_dim3A_632 = arith.constant 40 : i32
      %broadcast_in_dim3A_633 = vector.broadcast %broadcast_in_dim3A_632 : i32 to vector<16xi32>
      %broadcast_in_dim3A_634 = arith.constant 41 : i32
      %broadcast_in_dim3A_635 = vector.broadcast %broadcast_in_dim3A_634 : i32 to vector<16xi32>
      %broadcast_in_dim3A_636 = arith.constant 42 : i32
      %broadcast_in_dim3A_637 = vector.broadcast %broadcast_in_dim3A_636 : i32 to vector<16xi32>
      %broadcast_in_dim3A_638 = arith.constant 43 : i32
      %broadcast_in_dim3A_639 = vector.broadcast %broadcast_in_dim3A_638 : i32 to vector<16xi32>
      %broadcast_in_dim3A_640 = arith.constant 44 : i32
      %broadcast_in_dim3A_641 = vector.broadcast %broadcast_in_dim3A_640 : i32 to vector<16xi32>
      %broadcast_in_dim3A_642 = arith.constant 45 : i32
      %broadcast_in_dim3A_643 = vector.broadcast %broadcast_in_dim3A_642 : i32 to vector<16xi32>
      %broadcast_in_dim3A_644 = arith.constant 46 : i32
      %broadcast_in_dim3A_645 = vector.broadcast %broadcast_in_dim3A_644 : i32 to vector<16xi32>
      %broadcast_in_dim3A_646 = arith.constant 47 : i32
      %broadcast_in_dim3A_647 = vector.broadcast %broadcast_in_dim3A_646 : i32 to vector<16xi32>
      %gt3A_648 = arith.cmpf ogt, %gather3A_613, %gather3A_610 : vector<16xf32>
      %select_n3A_649 = arith.select %gt3A_648, %gather3A_613, %gather3A_610 : vector<16xi1>, vector<16xf32>
      %select_n3A_650 = arith.select %gt3A_648, %broadcast_in_dim3A_635, %broadcast_in_dim3A_633 : vector<16xi1>, vector<16xi32>
      %gt3A_651 = arith.cmpf ogt, %gather3A_619, %gather3A_616 : vector<16xf32>
      %select_n3A_652 = arith.select %gt3A_651, %gather3A_619, %gather3A_616 : vector<16xi1>, vector<16xf32>
      %select_n3A_653 = arith.select %gt3A_651, %broadcast_in_dim3A_639, %broadcast_in_dim3A_637 : vector<16xi1>, vector<16xi32>
      %gt3A_654 = arith.cmpf ogt, %gather3A_625, %gather3A_622 : vector<16xf32>
      %select_n3A_655 = arith.select %gt3A_654, %gather3A_625, %gather3A_622 : vector<16xi1>, vector<16xf32>
      %select_n3A_656 = arith.select %gt3A_654, %broadcast_in_dim3A_643, %broadcast_in_dim3A_641 : vector<16xi1>, vector<16xi32>
      %gt3A_657 = arith.cmpf ogt, %gather3A_631, %gather3A_628 : vector<16xf32>
      %select_n3A_658 = arith.select %gt3A_657, %gather3A_631, %gather3A_628 : vector<16xi1>, vector<16xf32>
      %select_n3A_659 = arith.select %gt3A_657, %broadcast_in_dim3A_647, %broadcast_in_dim3A_645 : vector<16xi1>, vector<16xi32>
      %gt3A_660 = arith.cmpf ogt, %select_n3A_652, %select_n3A_649 : vector<16xf32>
      %select_n3A_661 = arith.select %gt3A_660, %select_n3A_652, %select_n3A_649 : vector<16xi1>, vector<16xf32>
      %select_n3A_662 = arith.select %gt3A_660, %select_n3A_653, %select_n3A_650 : vector<16xi1>, vector<16xi32>
      %gt3A_663 = arith.cmpf ogt, %select_n3A_658, %select_n3A_655 : vector<16xf32>
      %select_n3A_664 = arith.select %gt3A_663, %select_n3A_658, %select_n3A_655 : vector<16xi1>, vector<16xf32>
      %select_n3A_665 = arith.select %gt3A_663, %select_n3A_659, %select_n3A_656 : vector<16xi1>, vector<16xi32>
      %gt3A_666 = arith.cmpf ogt, %select_n3A_664, %select_n3A_661 : vector<16xf32>
      %select_n3A_667 = arith.select %gt3A_666, %select_n3A_664, %select_n3A_661 : vector<16xi1>, vector<16xf32>
      %select_n3A_668 = arith.select %gt3A_666, %select_n3A_665, %select_n3A_662 : vector<16xi1>, vector<16xi32>
      %broadcast_in_dim3A_669 = arith.constant 48 : i32
      %broadcast_in_dim3A_670 = vector.broadcast %broadcast_in_dim3A_669 : i32 to vector<16xi32>
      %gather3A_671 = tpu.vector_load_idx %arg5[%broadcast_in_dim3A_670, %add3A_17] : memref<64x256xf32, #tpu.memory_space<vmem>>[vector<16xi32>, vector<16xi32>], vector<16xf32>,
      %broadcast_in_dim3A_672 = arith.constant 49 : i32
      %broadcast_in_dim3A_673 = vector.broadcast %broadcast_in_dim3A_672 : i32 to vector<16xi32>
      %gather3A_674 = tpu.vector_load_idx %arg5[%broadcast_in_dim3A_673, %add3A_17] : memref<64x256xf32, #tpu.memory_space<vmem>>[vector<16xi32>, vector<16xi32>], vector<16xf32>,
      %broadcast_in_dim3A_675 = arith.constant 50 : i32
      %broadcast_in_dim3A_676 = vector.broadcast %broadcast_in_dim3A_675 : i32 to vector<16xi32>
      %gather3A_677 = tpu.vector_load_idx %arg5[%broadcast_in_dim3A_676, %add3A_17] : memref<64x256xf32, #tpu.memory_space<vmem>>[vector<16xi32>, vector<16xi32>], vector<16xf32>,
      %broadcast_in_dim3A_678 = arith.constant 51 : i32
      %broadcast_in_dim3A_679 = vector.broadcast %broadcast_in_dim3A_678 : i32 to vector<16xi32>
      %gather3A_680 = tpu.vector_load_idx %arg5[%broadcast_in_dim3A_679, %add3A_17] : memref<64x256xf32, #tpu.memory_space<vmem>>[vector<16xi32>, vector<16xi32>], vector<16xf32>,
      %broadcast_in_dim3A_681 = arith.constant 52 : i32
      %broadcast_in_dim3A_682 = vector.broadcast %broadcast_in_dim3A_681 : i32 to vector<16xi32>
      %gather3A_683 = tpu.vector_load_idx %arg5[%broadcast_in_dim3A_682, %add3A_17] : memref<64x256xf32, #tpu.memory_space<vmem>>[vector<16xi32>, vector<16xi32>], vector<16xf32>,
      %broadcast_in_dim3A_684 = arith.constant 53 : i32
      %broadcast_in_dim3A_685 = vector.broadcast %broadcast_in_dim3A_684 : i32 to vector<16xi32>
      %gather3A_686 = tpu.vector_load_idx %arg5[%broadcast_in_dim3A_685, %add3A_17] : memref<64x256xf32, #tpu.memory_space<vmem>>[vector<16xi32>, vector<16xi32>], vector<16xf32>,
      %broadcast_in_dim3A_687 = arith.constant 54 : i32
      %broadcast_in_dim3A_688 = vector.broadcast %broadcast_in_dim3A_687 : i32 to vector<16xi32>
      %gather3A_689 = tpu.vector_load_idx %arg5[%broadcast_in_dim3A_688, %add3A_17] : memref<64x256xf32, #tpu.memory_space<vmem>>[vector<16xi32>, vector<16xi32>], vector<16xf32>,
      %broadcast_in_dim3A_690 = arith.constant 55 : i32
      %broadcast_in_dim3A_691 = vector.broadcast %broadcast_in_dim3A_690 : i32 to vector<16xi32>
      %gather3A_692 = tpu.vector_load_idx %arg5[%broadcast_in_dim3A_691, %add3A_17] : memref<64x256xf32, #tpu.memory_space<vmem>>[vector<16xi32>, vector<16xi32>], vector<16xf32>,
      %broadcast_in_dim3A_693 = arith.constant 48 : i32
      %broadcast_in_dim3A_694 = vector.broadcast %broadcast_in_dim3A_693 : i32 to vector<16xi32>
      %broadcast_in_dim3A_695 = arith.constant 49 : i32
      %broadcast_in_dim3A_696 = vector.broadcast %broadcast_in_dim3A_695 : i32 to vector<16xi32>
      %broadcast_in_dim3A_697 = arith.constant 50 : i32
      %broadcast_in_dim3A_698 = vector.broadcast %broadcast_in_dim3A_697 : i32 to vector<16xi32>
      %broadcast_in_dim3A_699 = arith.constant 51 : i32
      %broadcast_in_dim3A_700 = vector.broadcast %broadcast_in_dim3A_699 : i32 to vector<16xi32>
      %broadcast_in_dim3A_701 = arith.constant 52 : i32
      %broadcast_in_dim3A_702 = vector.broadcast %broadcast_in_dim3A_701 : i32 to vector<16xi32>
      %broadcast_in_dim3A_703 = arith.constant 53 : i32
      %broadcast_in_dim3A_704 = vector.broadcast %broadcast_in_dim3A_703 : i32 to vector<16xi32>
      %broadcast_in_dim3A_705 = arith.constant 54 : i32
      %broadcast_in_dim3A_706 = vector.broadcast %broadcast_in_dim3A_705 : i32 to vector<16xi32>
      %broadcast_in_dim3A_707 = arith.constant 55 : i32
      %broadcast_in_dim3A_708 = vector.broadcast %broadcast_in_dim3A_707 : i32 to vector<16xi32>
      %gt3A_709 = arith.cmpf ogt, %gather3A_674, %gather3A_671 : vector<16xf32>
      %select_n3A_710 = arith.select %gt3A_709, %gather3A_674, %gather3A_671 : vector<16xi1>, vector<16xf32>
      %select_n3A_711 = arith.select %gt3A_709, %broadcast_in_dim3A_696, %broadcast_in_dim3A_694 : vector<16xi1>, vector<16xi32>
      %gt3A_712 = arith.cmpf ogt, %gather3A_680, %gather3A_677 : vector<16xf32>
      %select_n3A_713 = arith.select %gt3A_712, %gather3A_680, %gather3A_677 : vector<16xi1>, vector<16xf32>
      %select_n3A_714 = arith.select %gt3A_712, %broadcast_in_dim3A_700, %broadcast_in_dim3A_698 : vector<16xi1>, vector<16xi32>
      %gt3A_715 = arith.cmpf ogt, %gather3A_686, %gather3A_683 : vector<16xf32>
      %select_n3A_716 = arith.select %gt3A_715, %gather3A_686, %gather3A_683 : vector<16xi1>, vector<16xf32>
      %select_n3A_717 = arith.select %gt3A_715, %broadcast_in_dim3A_704, %broadcast_in_dim3A_702 : vector<16xi1>, vector<16xi32>
      %gt3A_718 = arith.cmpf ogt, %gather3A_692, %gather3A_689 : vector<16xf32>
      %select_n3A_719 = arith.select %gt3A_718, %gather3A_692, %gather3A_689 : vector<16xi1>, vector<16xf32>
      %select_n3A_720 = arith.select %gt3A_718, %broadcast_in_dim3A_708, %broadcast_in_dim3A_706 : vector<16xi1>, vector<16xi32>
      %gt3A_721 = arith.cmpf ogt, %select_n3A_713, %select_n3A_710 : vector<16xf32>
      %select_n3A_722 = arith.select %gt3A_721, %select_n3A_713, %select_n3A_710 : vector<16xi1>, vector<16xf32>
      %select_n3A_723 = arith.select %gt3A_721, %select_n3A_714, %select_n3A_711 : vector<16xi1>, vector<16xi32>
      %gt3A_724 = arith.cmpf ogt, %select_n3A_719, %select_n3A_716 : vector<16xf32>
      %select_n3A_725 = arith.select %gt3A_724, %select_n3A_719, %select_n3A_716 : vector<16xi1>, vector<16xf32>
      %select_n3A_726 = arith.select %gt3A_724, %select_n3A_720, %select_n3A_717 : vector<16xi1>, vector<16xi32>
      %gt3A_727 = arith.cmpf ogt, %select_n3A_725, %select_n3A_722 : vector<16xf32>
      %select_n3A_728 = arith.select %gt3A_727, %select_n3A_725, %select_n3A_722 : vector<16xi1>, vector<16xf32>
      %select_n3A_729 = arith.select %gt3A_727, %select_n3A_726, %select_n3A_723 : vector<16xi1>, vector<16xi32>
      %broadcast_in_dim3A_730 = arith.constant 56 : i32
      %broadcast_in_dim3A_731 = vector.broadcast %broadcast_in_dim3A_730 : i32 to vector<16xi32>
      %gather3A_732 = tpu.vector_load_idx %arg5[%broadcast_in_dim3A_731, %add3A_17] : memref<64x256xf32, #tpu.memory_space<vmem>>[vector<16xi32>, vector<16xi32>], vector<16xf32>,
      %broadcast_in_dim3A_733 = arith.constant 57 : i32
      %broadcast_in_dim3A_734 = vector.broadcast %broadcast_in_dim3A_733 : i32 to vector<16xi32>
      %gather3A_735 = tpu.vector_load_idx %arg5[%broadcast_in_dim3A_734, %add3A_17] : memref<64x256xf32, #tpu.memory_space<vmem>>[vector<16xi32>, vector<16xi32>], vector<16xf32>,
      %broadcast_in_dim3A_736 = arith.constant 58 : i32
      %broadcast_in_dim3A_737 = vector.broadcast %broadcast_in_dim3A_736 : i32 to vector<16xi32>
      %gather3A_738 = tpu.vector_load_idx %arg5[%broadcast_in_dim3A_737, %add3A_17] : memref<64x256xf32, #tpu.memory_space<vmem>>[vector<16xi32>, vector<16xi32>], vector<16xf32>,
      %broadcast_in_dim3A_739 = arith.constant 59 : i32
      %broadcast_in_dim3A_740 = vector.broadcast %broadcast_in_dim3A_739 : i32 to vector<16xi32>
      %gather3A_741 = tpu.vector_load_idx %arg5[%broadcast_in_dim3A_740, %add3A_17] : memref<64x256xf32, #tpu.memory_space<vmem>>[vector<16xi32>, vector<16xi32>], vector<16xf32>,
      %broadcast_in_dim3A_742 = arith.constant 60 : i32
      %broadcast_in_dim3A_743 = vector.broadcast %broadcast_in_dim3A_742 : i32 to vector<16xi32>
      %gather3A_744 = tpu.vector_load_idx %arg5[%broadcast_in_dim3A_743, %add3A_17] : memref<64x256xf32, #tpu.memory_space<vmem>>[vector<16xi32>, vector<16xi32>], vector<16xf32>,
      %broadcast_in_dim3A_745 = arith.constant 61 : i32
      %broadcast_in_dim3A_746 = vector.broadcast %broadcast_in_dim3A_745 : i32 to vector<16xi32>
      %gather3A_747 = tpu.vector_load_idx %arg5[%broadcast_in_dim3A_746, %add3A_17] : memref<64x256xf32, #tpu.memory_space<vmem>>[vector<16xi32>, vector<16xi32>], vector<16xf32>,
      %broadcast_in_dim3A_748 = arith.constant 62 : i32
      %broadcast_in_dim3A_749 = vector.broadcast %broadcast_in_dim3A_748 : i32 to vector<16xi32>
      %gather3A_750 = tpu.vector_load_idx %arg5[%broadcast_in_dim3A_749, %add3A_17] : memref<64x256xf32, #tpu.memory_space<vmem>>[vector<16xi32>, vector<16xi32>], vector<16xf32>,
      %broadcast_in_dim3A_751 = arith.constant 63 : i32
      %broadcast_in_dim3A_752 = vector.broadcast %broadcast_in_dim3A_751 : i32 to vector<16xi32>
      %gather3A_753 = tpu.vector_load_idx %arg5[%broadcast_in_dim3A_752, %add3A_17] : memref<64x256xf32, #tpu.memory_space<vmem>>[vector<16xi32>, vector<16xi32>], vector<16xf32>,
      %broadcast_in_dim3A_754 = arith.constant 56 : i32
      %broadcast_in_dim3A_755 = vector.broadcast %broadcast_in_dim3A_754 : i32 to vector<16xi32>
      %broadcast_in_dim3A_756 = arith.constant 57 : i32
      %broadcast_in_dim3A_757 = vector.broadcast %broadcast_in_dim3A_756 : i32 to vector<16xi32>
      %broadcast_in_dim3A_758 = arith.constant 58 : i32
      %broadcast_in_dim3A_759 = vector.broadcast %broadcast_in_dim3A_758 : i32 to vector<16xi32>
      %broadcast_in_dim3A_760 = arith.constant 59 : i32
      %broadcast_in_dim3A_761 = vector.broadcast %broadcast_in_dim3A_760 : i32 to vector<16xi32>
      %broadcast_in_dim3A_762 = arith.constant 60 : i32
      %broadcast_in_dim3A_763 = vector.broadcast %broadcast_in_dim3A_762 : i32 to vector<16xi32>
      %broadcast_in_dim3A_764 = arith.constant 61 : i32
      %broadcast_in_dim3A_765 = vector.broadcast %broadcast_in_dim3A_764 : i32 to vector<16xi32>
      %broadcast_in_dim3A_766 = arith.constant 62 : i32
      %broadcast_in_dim3A_767 = vector.broadcast %broadcast_in_dim3A_766 : i32 to vector<16xi32>
      %broadcast_in_dim3A_768 = arith.constant 63 : i32
      %broadcast_in_dim3A_769 = vector.broadcast %broadcast_in_dim3A_768 : i32 to vector<16xi32>
      %gt3A_770 = arith.cmpf ogt, %gather3A_735, %gather3A_732 : vector<16xf32>
      %select_n3A_771 = arith.select %gt3A_770, %gather3A_735, %gather3A_732 : vector<16xi1>, vector<16xf32>
      %select_n3A_772 = arith.select %gt3A_770, %broadcast_in_dim3A_757, %broadcast_in_dim3A_755 : vector<16xi1>, vector<16xi32>
      %gt3A_773 = arith.cmpf ogt, %gather3A_741, %gather3A_738 : vector<16xf32>
      %select_n3A_774 = arith.select %gt3A_773, %gather3A_741, %gather3A_738 : vector<16xi1>, vector<16xf32>
      %select_n3A_775 = arith.select %gt3A_773, %broadcast_in_dim3A_761, %broadcast_in_dim3A_759 : vector<16xi1>, vector<16xi32>
      %gt3A_776 = arith.cmpf ogt, %gather3A_747, %gather3A_744 : vector<16xf32>
      %select_n3A_777 = arith.select %gt3A_776, %gather3A_747, %gather3A_744 : vector<16xi1>, vector<16xf32>
      %select_n3A_778 = arith.select %gt3A_776, %broadcast_in_dim3A_765, %broadcast_in_dim3A_763 : vector<16xi1>, vector<16xi32>
      %gt3A_779 = arith.cmpf ogt, %gather3A_753, %gather3A_750 : vector<16xf32>
      %select_n3A_780 = arith.select %gt3A_779, %gather3A_753, %gather3A_750 : vector<16xi1>, vector<16xf32>
      %select_n3A_781 = arith.select %gt3A_779, %broadcast_in_dim3A_769, %broadcast_in_dim3A_767 : vector<16xi1>, vector<16xi32>
      %gt3A_782 = arith.cmpf ogt, %select_n3A_774, %select_n3A_771 : vector<16xf32>
      %select_n3A_783 = arith.select %gt3A_782, %select_n3A_774, %select_n3A_771 : vector<16xi1>, vector<16xf32>
      %select_n3A_784 = arith.select %gt3A_782, %select_n3A_775, %select_n3A_772 : vector<16xi1>, vector<16xi32>
      %gt3A_785 = arith.cmpf ogt, %select_n3A_780, %select_n3A_777 : vector<16xf32>
      %select_n3A_786 = arith.select %gt3A_785, %select_n3A_780, %select_n3A_777 : vector<16xi1>, vector<16xf32>
      %select_n3A_787 = arith.select %gt3A_785, %select_n3A_781, %select_n3A_778 : vector<16xi1>, vector<16xi32>
      %gt3A_788 = arith.cmpf ogt, %select_n3A_786, %select_n3A_783 : vector<16xf32>
      %select_n3A_789 = arith.select %gt3A_788, %select_n3A_786, %select_n3A_783 : vector<16xi1>, vector<16xf32>
      %select_n3A_790 = arith.select %gt3A_788, %select_n3A_787, %select_n3A_784 : vector<16xi1>, vector<16xi32>
      %broadcast_in_dim3A_791 = arith.constant 0 : i32
      %broadcast_in_dim3A_792 = vector.broadcast %broadcast_in_dim3A_791 : i32 to vector<16xi32>
      %broadcast_in_dim3A_793 = arith.constant 1 : i32
      %broadcast_in_dim3A_794 = vector.broadcast %broadcast_in_dim3A_793 : i32 to vector<16xi32>
      %broadcast_in_dim3A_795 = arith.constant 2 : i32
      %broadcast_in_dim3A_796 = vector.broadcast %broadcast_in_dim3A_795 : i32 to vector<16xi32>
      %broadcast_in_dim3A_797 = arith.constant 3 : i32
      %broadcast_in_dim3A_798 = vector.broadcast %broadcast_in_dim3A_797 : i32 to vector<16xi32>
      %broadcast_in_dim3A_799 = arith.constant 4 : i32
      %broadcast_in_dim3A_800 = vector.broadcast %broadcast_in_dim3A_799 : i32 to vector<16xi32>
      %broadcast_in_dim3A_801 = arith.constant 5 : i32
      %broadcast_in_dim3A_802 = vector.broadcast %broadcast_in_dim3A_801 : i32 to vector<16xi32>
      %broadcast_in_dim3A_803 = arith.constant 6 : i32
      %broadcast_in_dim3A_804 = vector.broadcast %broadcast_in_dim3A_803 : i32 to vector<16xi32>
      %broadcast_in_dim3A_805 = arith.constant 7 : i32
      %broadcast_in_dim3A_806 = vector.broadcast %broadcast_in_dim3A_805 : i32 to vector<16xi32>
      %gt3A_807 = arith.cmpf ogt, %select_n3A_423, %select_n3A_362 : vector<16xf32>
      %select_n3A_808 = arith.select %gt3A_807, %select_n3A_423, %select_n3A_362 : vector<16xi1>, vector<16xf32>
      %select_n3A_809 = arith.select %gt3A_807, %broadcast_in_dim3A_794, %broadcast_in_dim3A_792 : vector<16xi1>, vector<16xi32>
      %gt3A_810 = arith.cmpf ogt, %select_n3A_545, %select_n3A_484 : vector<16xf32>
      %select_n3A_811 = arith.select %gt3A_810, %select_n3A_545, %select_n3A_484 : vector<16xi1>, vector<16xf32>
      %select_n3A_812 = arith.select %gt3A_810, %broadcast_in_dim3A_798, %broadcast_in_dim3A_796 : vector<16xi1>, vector<16xi32>
      %gt3A_813 = arith.cmpf ogt, %select_n3A_667, %select_n3A_606 : vector<16xf32>
      %select_n3A_814 = arith.select %gt3A_813, %select_n3A_667, %select_n3A_606 : vector<16xi1>, vector<16xf32>
      %select_n3A_815 = arith.select %gt3A_813, %broadcast_in_dim3A_802, %broadcast_in_dim3A_800 : vector<16xi1>, vector<16xi32>
      %gt3A_816 = arith.cmpf ogt, %select_n3A_789, %select_n3A_728 : vector<16xf32>
      %select_n3A_817 = arith.select %gt3A_816, %select_n3A_789, %select_n3A_728 : vector<16xi1>, vector<16xf32>
      %select_n3A_818 = arith.select %gt3A_816, %broadcast_in_dim3A_806, %broadcast_in_dim3A_804 : vector<16xi1>, vector<16xi32>
      %gt3A_819 = arith.cmpf ogt, %select_n3A_811, %select_n3A_808 : vector<16xf32>
      %select_n3A_820 = arith.select %gt3A_819, %select_n3A_811, %select_n3A_808 : vector<16xi1>, vector<16xf32>
      %select_n3A_821 = arith.select %gt3A_819, %select_n3A_812, %select_n3A_809 : vector<16xi1>, vector<16xi32>
      %gt3A_822 = arith.cmpf ogt, %select_n3A_817, %select_n3A_814 : vector<16xf32>
      %select_n3A_823 = arith.select %gt3A_822, %select_n3A_817, %select_n3A_814 : vector<16xi1>, vector<16xf32>
      %select_n3A_824 = arith.select %gt3A_822, %select_n3A_818, %select_n3A_815 : vector<16xi1>, vector<16xi32>
      %gt3A_825 = arith.cmpf ogt, %select_n3A_823, %select_n3A_820 : vector<16xf32>
      %select_n3A_826 = arith.select %gt3A_825, %select_n3A_823, %select_n3A_820 : vector<16xi1>, vector<16xf32>
      %select_n3A_827 = arith.select %gt3A_825, %select_n3A_824, %select_n3A_821 : vector<16xi1>, vector<16xi32>
      %eq3A = arith.constant 1 : i32
      %eq3A_828 = vector.broadcast %eq3A : i32 to vector<16xi32>
      %eq3A_829 = arith.cmpi eq, %select_n3A_827, %eq3A_828 : vector<16xi32>
      %select_n3A_830 = arith.select %eq3A_829, %select_n3A_424, %select_n3A_363 : vector<16xi1>, vector<16xi32>
      %eq3A_831 = arith.constant 2 : i32
      %eq3A_832 = vector.broadcast %eq3A_831 : i32 to vector<16xi32>
      %eq3A_833 = arith.cmpi eq, %select_n3A_827, %eq3A_832 : vector<16xi32>
      %select_n3A_834 = arith.select %eq3A_833, %select_n3A_485, %select_n3A_830 : vector<16xi1>, vector<16xi32>
      %eq3A_835 = arith.constant 3 : i32
      %eq3A_836 = vector.broadcast %eq3A_835 : i32 to vector<16xi32>
      %eq3A_837 = arith.cmpi eq, %select_n3A_827, %eq3A_836 : vector<16xi32>
      %select_n3A_838 = arith.select %eq3A_837, %select_n3A_546, %select_n3A_834 : vector<16xi1>, vector<16xi32>
      %eq3A_839 = arith.constant 4 : i32
      %eq3A_840 = vector.broadcast %eq3A_839 : i32 to vector<16xi32>
      %eq3A_841 = arith.cmpi eq, %select_n3A_827, %eq3A_840 : vector<16xi32>
      %select_n3A_842 = arith.select %eq3A_841, %select_n3A_607, %select_n3A_838 : vector<16xi1>, vector<16xi32>
      %eq3A_843 = arith.constant 5 : i32
      %eq3A_844 = vector.broadcast %eq3A_843 : i32 to vector<16xi32>
      %eq3A_845 = arith.cmpi eq, %select_n3A_827, %eq3A_844 : vector<16xi32>
      %select_n3A_846 = arith.select %eq3A_845, %select_n3A_668, %select_n3A_842 : vector<16xi1>, vector<16xi32>
      %eq3A_847 = arith.constant 6 : i32
      %eq3A_848 = vector.broadcast %eq3A_847 : i32 to vector<16xi32>
      %eq3A_849 = arith.cmpi eq, %select_n3A_827, %eq3A_848 : vector<16xi32>
      %select_n3A_850 = arith.select %eq3A_849, %select_n3A_729, %select_n3A_846 : vector<16xi1>, vector<16xi32>
      %eq3A_851 = arith.constant 7 : i32
      %eq3A_852 = vector.broadcast %eq3A_851 : i32 to vector<16xi32>
      %eq3A_853 = arith.cmpi eq, %select_n3A_827, %eq3A_852 : vector<16xi32>
      %select_n3A_854 = arith.select %eq3A_853, %select_n3A_790, %select_n3A_850 : vector<16xi1>, vector<16xi32>
      tpu.vector_store_idx %arg5[%select_n3A_854, %add3A_17], %broadcast_in_dim3A_3 : memref<64x256xf32, #tpu.memory_space<vmem>>[vector<16xi32>, vector<16xi32>], vector<16xf32>,
      %mul3A_855 = arith.constant 8 : i32
      %mul3A_856 = vector.broadcast %mul3A_855 : i32 to vector<16xi32>
      %mul3A_857 = arith.muli %select_n3A_827, %mul3A_856 : vector<16xi32>
      %add3A_858 = arith.constant 0 : i32
      %add3A_859 = vector.broadcast %add3A_858 : i32 to vector<16xi32>
      %add3A_860 = arith.addi %mul3A_857, %add3A_859 : vector<16xi32>
      %gather3A_861 = tpu.vector_load_idx %arg5[%add3A_860, %add3A_17] : memref<64x256xf32, #tpu.memory_space<vmem>>[vector<16xi32>, vector<16xi32>], vector<16xf32>,
      %add3A_862 = arith.constant 1 : i32
      %add3A_863 = vector.broadcast %add3A_862 : i32 to vector<16xi32>
      %add3A_864 = arith.addi %mul3A_857, %add3A_863 : vector<16xi32>
      %gather3A_865 = tpu.vector_load_idx %arg5[%add3A_864, %add3A_17] : memref<64x256xf32, #tpu.memory_space<vmem>>[vector<16xi32>, vector<16xi32>], vector<16xf32>,
      %add3A_866 = arith.constant 2 : i32
      %add3A_867 = vector.broadcast %add3A_866 : i32 to vector<16xi32>
      %add3A_868 = arith.addi %mul3A_857, %add3A_867 : vector<16xi32>
      %gather3A_869 = tpu.vector_load_idx %arg5[%add3A_868, %add3A_17] : memref<64x256xf32, #tpu.memory_space<vmem>>[vector<16xi32>, vector<16xi32>], vector<16xf32>,
      %add3A_870 = arith.constant 3 : i32
      %add3A_871 = vector.broadcast %add3A_870 : i32 to vector<16xi32>
      %add3A_872 = arith.addi %mul3A_857, %add3A_871 : vector<16xi32>
      %gather3A_873 = tpu.vector_load_idx %arg5[%add3A_872, %add3A_17] : memref<64x256xf32, #tpu.memory_space<vmem>>[vector<16xi32>, vector<16xi32>], vector<16xf32>,
      %add3A_874 = arith.constant 4 : i32
      %add3A_875 = vector.broadcast %add3A_874 : i32 to vector<16xi32>
      %add3A_876 = arith.addi %mul3A_857, %add3A_875 : vector<16xi32>
      %gather3A_877 = tpu.vector_load_idx %arg5[%add3A_876, %add3A_17] : memref<64x256xf32, #tpu.memory_space<vmem>>[vector<16xi32>, vector<16xi32>], vector<16xf32>,
      %add3A_878 = arith.constant 5 : i32
      %add3A_879 = vector.broadcast %add3A_878 : i32 to vector<16xi32>
      %add3A_880 = arith.addi %mul3A_857, %add3A_879 : vector<16xi32>
      %gather3A_881 = tpu.vector_load_idx %arg5[%add3A_880, %add3A_17] : memref<64x256xf32, #tpu.memory_space<vmem>>[vector<16xi32>, vector<16xi32>], vector<16xf32>,
      %add3A_882 = arith.constant 6 : i32
      %add3A_883 = vector.broadcast %add3A_882 : i32 to vector<16xi32>
      %add3A_884 = arith.addi %mul3A_857, %add3A_883 : vector<16xi32>
      %gather3A_885 = tpu.vector_load_idx %arg5[%add3A_884, %add3A_17] : memref<64x256xf32, #tpu.memory_space<vmem>>[vector<16xi32>, vector<16xi32>], vector<16xf32>,
      %add3A_886 = arith.constant 7 : i32
      %add3A_887 = vector.broadcast %add3A_886 : i32 to vector<16xi32>
      %add3A_888 = arith.addi %mul3A_857, %add3A_887 : vector<16xi32>
      %gather3A_889 = tpu.vector_load_idx %arg5[%add3A_888, %add3A_17] : memref<64x256xf32, #tpu.memory_space<vmem>>[vector<16xi32>, vector<16xi32>], vector<16xf32>,
      %add3A_890 = arith.constant 0 : i32
      %add3A_891 = vector.broadcast %add3A_890 : i32 to vector<16xi32>
      %add3A_892 = arith.addi %mul3A_857, %add3A_891 : vector<16xi32>
      %add3A_893 = arith.constant 1 : i32
      %add3A_894 = vector.broadcast %add3A_893 : i32 to vector<16xi32>
      %add3A_895 = arith.addi %mul3A_857, %add3A_894 : vector<16xi32>
      %add3A_896 = arith.constant 2 : i32
      %add3A_897 = vector.broadcast %add3A_896 : i32 to vector<16xi32>
      %add3A_898 = arith.addi %mul3A_857, %add3A_897 : vector<16xi32>
      %add3A_899 = arith.constant 3 : i32
      %add3A_900 = vector.broadcast %add3A_899 : i32 to vector<16xi32>
      %add3A_901 = arith.addi %mul3A_857, %add3A_900 : vector<16xi32>
      %add3A_902 = arith.constant 4 : i32
      %add3A_903 = vector.broadcast %add3A_902 : i32 to vector<16xi32>
      %add3A_904 = arith.addi %mul3A_857, %add3A_903 : vector<16xi32>
      %add3A_905 = arith.constant 5 : i32
      %add3A_906 = vector.broadcast %add3A_905 : i32 to vector<16xi32>
      %add3A_907 = arith.addi %mul3A_857, %add3A_906 : vector<16xi32>
      %add3A_908 = arith.constant 6 : i32
      %add3A_909 = vector.broadcast %add3A_908 : i32 to vector<16xi32>
      %add3A_910 = arith.addi %mul3A_857, %add3A_909 : vector<16xi32>
      %add3A_911 = arith.constant 7 : i32
      %add3A_912 = vector.broadcast %add3A_911 : i32 to vector<16xi32>
      %add3A_913 = arith.addi %mul3A_857, %add3A_912 : vector<16xi32>
      %gt3A_914 = arith.cmpf ogt, %gather3A_865, %gather3A_861 : vector<16xf32>
      %select_n3A_915 = arith.select %gt3A_914, %gather3A_865, %gather3A_861 : vector<16xi1>, vector<16xf32>
      %select_n3A_916 = arith.select %gt3A_914, %add3A_895, %add3A_892 : vector<16xi1>, vector<16xi32>
      %gt3A_917 = arith.cmpf ogt, %gather3A_873, %gather3A_869 : vector<16xf32>
      %select_n3A_918 = arith.select %gt3A_917, %gather3A_873, %gather3A_869 : vector<16xi1>, vector<16xf32>
      %select_n3A_919 = arith.select %gt3A_917, %add3A_901, %add3A_898 : vector<16xi1>, vector<16xi32>
      %gt3A_920 = arith.cmpf ogt, %gather3A_881, %gather3A_877 : vector<16xf32>
      %select_n3A_921 = arith.select %gt3A_920, %gather3A_881, %gather3A_877 : vector<16xi1>, vector<16xf32>
      %select_n3A_922 = arith.select %gt3A_920, %add3A_907, %add3A_904 : vector<16xi1>, vector<16xi32>
      %gt3A_923 = arith.cmpf ogt, %gather3A_889, %gather3A_885 : vector<16xf32>
      %select_n3A_924 = arith.select %gt3A_923, %gather3A_889, %gather3A_885 : vector<16xi1>, vector<16xf32>
      %select_n3A_925 = arith.select %gt3A_923, %add3A_913, %add3A_910 : vector<16xi1>, vector<16xi32>
      %gt3A_926 = arith.cmpf ogt, %select_n3A_918, %select_n3A_915 : vector<16xf32>
      %select_n3A_927 = arith.select %gt3A_926, %select_n3A_918, %select_n3A_915 : vector<16xi1>, vector<16xf32>
      %select_n3A_928 = arith.select %gt3A_926, %select_n3A_919, %select_n3A_916 : vector<16xi1>, vector<16xi32>
      %gt3A_929 = arith.cmpf ogt, %select_n3A_924, %select_n3A_921 : vector<16xf32>
      %select_n3A_930 = arith.select %gt3A_929, %select_n3A_924, %select_n3A_921 : vector<16xi1>, vector<16xf32>
      %select_n3A_931 = arith.select %gt3A_929, %select_n3A_925, %select_n3A_922 : vector<16xi1>, vector<16xi32>
      %gt3A_932 = arith.cmpf ogt, %select_n3A_930, %select_n3A_927 : vector<16xf32>
      %select_n3A_933 = arith.select %gt3A_932, %select_n3A_930, %select_n3A_927 : vector<16xi1>, vector<16xf32>
      %select_n3A_934 = arith.select %gt3A_932, %select_n3A_931, %select_n3A_928 : vector<16xi1>, vector<16xi32>
      %eq3A_935 = arith.constant 0 : i32
      %eq3A_936 = vector.broadcast %eq3A_935 : i32 to vector<16xi32>
      %eq3A_937 = arith.cmpi eq, %select_n3A_827, %eq3A_936 : vector<16xi32>
      %select_n3A_938 = arith.select %eq3A_937, %select_n3A_933, %select_n3A_362 : vector<16xi1>, vector<16xf32>
      %select_n3A_939 = arith.select %eq3A_937, %select_n3A_934, %select_n3A_363 : vector<16xi1>, vector<16xi32>
      %eq3A_940 = arith.constant 1 : i32
      %eq3A_941 = vector.broadcast %eq3A_940 : i32 to vector<16xi32>
      %eq3A_942 = arith.cmpi eq, %select_n3A_827, %eq3A_941 : vector<16xi32>
      %select_n3A_943 = arith.select %eq3A_942, %select_n3A_933, %select_n3A_423 : vector<16xi1>, vector<16xf32>
      %select_n3A_944 = arith.select %eq3A_942, %select_n3A_934, %select_n3A_424 : vector<16xi1>, vector<16xi32>
      %eq3A_945 = arith.constant 2 : i32
      %eq3A_946 = vector.broadcast %eq3A_945 : i32 to vector<16xi32>
      %eq3A_947 = arith.cmpi eq, %select_n3A_827, %eq3A_946 : vector<16xi32>
      %select_n3A_948 = arith.select %eq3A_947, %select_n3A_933, %select_n3A_484 : vector<16xi1>, vector<16xf32>
      %select_n3A_949 = arith.select %eq3A_947, %select_n3A_934, %select_n3A_485 : vector<16xi1>, vector<16xi32>
      %eq3A_950 = arith.constant 3 : i32
      %eq3A_951 = vector.broadcast %eq3A_950 : i32 to vector<16xi32>
      %eq3A_952 = arith.cmpi eq, %select_n3A_827, %eq3A_951 : vector<16xi32>
      %select_n3A_953 = arith.select %eq3A_952, %select_n3A_933, %select_n3A_545 : vector<16xi1>, vector<16xf32>
      %select_n3A_954 = arith.select %eq3A_952, %select_n3A_934, %select_n3A_546 : vector<16xi1>, vector<16xi32>
      %eq3A_955 = arith.constant 4 : i32
      %eq3A_956 = vector.broadcast %eq3A_955 : i32 to vector<16xi32>
      %eq3A_957 = arith.cmpi eq, %select_n3A_827, %eq3A_956 : vector<16xi32>
      %select_n3A_958 = arith.select %eq3A_957, %select_n3A_933, %select_n3A_606 : vector<16xi1>, vector<16xf32>
      %select_n3A_959 = arith.select %eq3A_957, %select_n3A_934, %select_n3A_607 : vector<16xi1>, vector<16xi32>
      %eq3A_960 = arith.constant 5 : i32
      %eq3A_961 = vector.broadcast %eq3A_960 : i32 to vector<16xi32>
      %eq3A_962 = arith.cmpi eq, %select_n3A_827, %eq3A_961 : vector<16xi32>
      %select_n3A_963 = arith.select %eq3A_962, %select_n3A_933, %select_n3A_667 : vector<16xi1>, vector<16xf32>
      %select_n3A_964 = arith.select %eq3A_962, %select_n3A_934, %select_n3A_668 : vector<16xi1>, vector<16xi32>
      %eq3A_965 = arith.constant 6 : i32
      %eq3A_966 = vector.broadcast %eq3A_965 : i32 to vector<16xi32>
      %eq3A_967 = arith.cmpi eq, %select_n3A_827, %eq3A_966 : vector<16xi32>
      %select_n3A_968 = arith.select %eq3A_967, %select_n3A_933, %select_n3A_728 : vector<16xi1>, vector<16xf32>
      %select_n3A_969 = arith.select %eq3A_967, %select_n3A_934, %select_n3A_729 : vector<16xi1>, vector<16xi32>
      %eq3A_970 = arith.constant 7 : i32
      %eq3A_971 = vector.broadcast %eq3A_970 : i32 to vector<16xi32>
      %eq3A_972 = arith.cmpi eq, %select_n3A_827, %eq3A_971 : vector<16xi32>
      %select_n3A_973 = arith.select %eq3A_972, %select_n3A_933, %select_n3A_789 : vector<16xi1>, vector<16xf32>
      %select_n3A_974 = arith.select %eq3A_972, %select_n3A_934, %select_n3A_790 : vector<16xi1>, vector<16xi32>
      %broadcast_in_dim3A_975 = arith.constant 0 : i32
      %broadcast_in_dim3A_976 = vector.broadcast %broadcast_in_dim3A_975 : i32 to vector<16xi32>
      %broadcast_in_dim3A_977 = arith.constant 1 : i32
      %broadcast_in_dim3A_978 = vector.broadcast %broadcast_in_dim3A_977 : i32 to vector<16xi32>
      %broadcast_in_dim3A_979 = arith.constant 2 : i32
      %broadcast_in_dim3A_980 = vector.broadcast %broadcast_in_dim3A_979 : i32 to vector<16xi32>
      %broadcast_in_dim3A_981 = arith.constant 3 : i32
      %broadcast_in_dim3A_982 = vector.broadcast %broadcast_in_dim3A_981 : i32 to vector<16xi32>
      %broadcast_in_dim3A_983 = arith.constant 4 : i32
      %broadcast_in_dim3A_984 = vector.broadcast %broadcast_in_dim3A_983 : i32 to vector<16xi32>
      %broadcast_in_dim3A_985 = arith.constant 5 : i32
      %broadcast_in_dim3A_986 = vector.broadcast %broadcast_in_dim3A_985 : i32 to vector<16xi32>
      %broadcast_in_dim3A_987 = arith.constant 6 : i32
      %broadcast_in_dim3A_988 = vector.broadcast %broadcast_in_dim3A_987 : i32 to vector<16xi32>
      %broadcast_in_dim3A_989 = arith.constant 7 : i32
      %broadcast_in_dim3A_990 = vector.broadcast %broadcast_in_dim3A_989 : i32 to vector<16xi32>
      %gt3A_991 = arith.cmpf ogt, %select_n3A_943, %select_n3A_938 : vector<16xf32>
      %select_n3A_992 = arith.select %gt3A_991, %select_n3A_943, %select_n3A_938 : vector<16xi1>, vector<16xf32>
      %select_n3A_993 = arith.select %gt3A_991, %broadcast_in_dim3A_978, %broadcast_in_dim3A_976 : vector<16xi1>, vector<16xi32>
      %gt3A_994 = arith.cmpf ogt, %select_n3A_953, %select_n3A_948 : vector<16xf32>
      %select_n3A_995 = arith.select %gt3A_994, %select_n3A_953, %select_n3A_948 : vector<16xi1>, vector<16xf32>
      %select_n3A_996 = arith.select %gt3A_994, %broadcast_in_dim3A_982, %broadcast_in_dim3A_980 : vector<16xi1>, vector<16xi32>
      %gt3A_997 = arith.cmpf ogt, %select_n3A_963, %select_n3A_958 : vector<16xf32>
      %select_n3A_998 = arith.select %gt3A_997, %select_n3A_963, %select_n3A_958 : vector<16xi1>, vector<16xf32>
      %select_n3A_999 = arith.select %gt3A_997, %broadcast_in_dim3A_986, %broadcast_in_dim3A_984 : vector<16xi1>, vector<16xi32>
      %gt3A_1000 = arith.cmpf ogt, %select_n3A_973, %select_n3A_968 : vector<16xf32>
      %select_n3A_1001 = arith.select %gt3A_1000, %select_n3A_973, %select_n3A_968 : vector<16xi1>, vector<16xf32>
      %select_n3A_1002 = arith.select %gt3A_1000, %broadcast_in_dim3A_990, %broadcast_in_dim3A_988 : vector<16xi1>, vector<16xi32>
      %gt3A_1003 = arith.cmpf ogt, %select_n3A_995, %select_n3A_992 : vector<16xf32>
      %select_n3A_1004 = arith.select %gt3A_1003, %select_n3A_995, %select_n3A_992 : vector<16xi1>, vector<16xf32>
      %select_n3A_1005 = arith.select %gt3A_1003, %select_n3A_996, %select_n3A_993 : vector<16xi1>, vector<16xi32>
      %gt3A_1006 = arith.cmpf ogt, %select_n3A_1001, %select_n3A_998 : vector<16xf32>
      %select_n3A_1007 = arith.select %gt3A_1006, %select_n3A_1001, %select_n3A_998 : vector<16xi1>, vector<16xf32>
      %select_n3A_1008 = arith.select %gt3A_1006, %select_n3A_1002, %select_n3A_999 : vector<16xi1>, vector<16xi32>
      %gt3A_1009 = arith.cmpf ogt, %select_n3A_1007, %select_n3A_1004 : vector<16xf32>
      %select_n3A_1010 = arith.select %gt3A_1009, %select_n3A_1007, %select_n3A_1004 : vector<16xi1>, vector<16xf32>
      %select_n3A_1011 = arith.select %gt3A_1009, %select_n3A_1008, %select_n3A_1005 : vector<16xi1>, vector<16xi32>
      %eq3A_1012 = arith.constant 1 : i32
      %eq3A_1013 = vector.broadcast %eq3A_1012 : i32 to vector<16xi32>
      %eq3A_1014 = arith.cmpi eq, %select_n3A_1011, %eq3A_1013 : vector<16xi32>
      %select_n3A_1015 = arith.select %eq3A_1014, %select_n3A_944, %select_n3A_939 : vector<16xi1>, vector<16xi32>
      %eq3A_1016 = arith.constant 2 : i32
      %eq3A_1017 = vector.broadcast %eq3A_1016 : i32 to vector<16xi32>
      %eq3A_1018 = arith.cmpi eq, %select_n3A_1011, %eq3A_1017 : vector<16xi32>
      %select_n3A_1019 = arith.select %eq3A_1018, %select_n3A_949, %select_n3A_1015 : vector<16xi1>, vector<16xi32>
      %eq3A_1020 = arith.constant 3 : i32
      %eq3A_1021 = vector.broadcast %eq3A_1020 : i32 to vector<16xi32>
      %eq3A_1022 = arith.cmpi eq, %select_n3A_1011, %eq3A_1021 : vector<16xi32>
      %select_n3A_1023 = arith.select %eq3A_1022, %select_n3A_954, %select_n3A_1019 : vector<16xi1>, vector<16xi32>
      %eq3A_1024 = arith.constant 4 : i32
      %eq3A_1025 = vector.broadcast %eq3A_1024 : i32 to vector<16xi32>
      %eq3A_1026 = arith.cmpi eq, %select_n3A_1011, %eq3A_1025 : vector<16xi32>
      %select_n3A_1027 = arith.select %eq3A_1026, %select_n3A_959, %select_n3A_1023 : vector<16xi1>, vector<16xi32>
      %eq3A_1028 = arith.constant 5 : i32
      %eq3A_1029 = vector.broadcast %eq3A_1028 : i32 to vector<16xi32>
      %eq3A_1030 = arith.cmpi eq, %select_n3A_1011, %eq3A_1029 : vector<16xi32>
      %select_n3A_1031 = arith.select %eq3A_1030, %select_n3A_964, %select_n3A_1027 : vector<16xi1>, vector<16xi32>
      %eq3A_1032 = arith.constant 6 : i32
      %eq3A_1033 = vector.broadcast %eq3A_1032 : i32 to vector<16xi32>
      %eq3A_1034 = arith.cmpi eq, %select_n3A_1011, %eq3A_1033 : vector<16xi32>
      %select_n3A_1035 = arith.select %eq3A_1034, %select_n3A_969, %select_n3A_1031 : vector<16xi1>, vector<16xi32>
      %eq3A_1036 = arith.constant 7 : i32
      %eq3A_1037 = vector.broadcast %eq3A_1036 : i32 to vector<16xi32>
      %eq3A_1038 = arith.cmpi eq, %select_n3A_1011, %eq3A_1037 : vector<16xi32>
      %select_n3A_1039 = arith.select %eq3A_1038, %select_n3A_974, %select_n3A_1035 : vector<16xi1>, vector<16xi32>
      tpu.vector_store_idx %arg5[%select_n3A_1039, %add3A_17], %broadcast_in_dim3A_3 : memref<64x256xf32, #tpu.memory_space<vmem>>[vector<16xi32>, vector<16xi32>], vector<16xf32>,
      %mul3A_1040 = arith.constant 8 : i32
      %mul3A_1041 = vector.broadcast %mul3A_1040 : i32 to vector<16xi32>
      %mul3A_1042 = arith.muli %select_n3A_1011, %mul3A_1041 : vector<16xi32>
      %add3A_1043 = arith.constant 0 : i32
      %add3A_1044 = vector.broadcast %add3A_1043 : i32 to vector<16xi32>
      %add3A_1045 = arith.addi %mul3A_1042, %add3A_1044 : vector<16xi32>
      %gather3A_1046 = tpu.vector_load_idx %arg5[%add3A_1045, %add3A_17] : memref<64x256xf32, #tpu.memory_space<vmem>>[vector<16xi32>, vector<16xi32>], vector<16xf32>,
      %add3A_1047 = arith.constant 1 : i32
      %add3A_1048 = vector.broadcast %add3A_1047 : i32 to vector<16xi32>
      %add3A_1049 = arith.addi %mul3A_1042, %add3A_1048 : vector<16xi32>
      %gather3A_1050 = tpu.vector_load_idx %arg5[%add3A_1049, %add3A_17] : memref<64x256xf32, #tpu.memory_space<vmem>>[vector<16xi32>, vector<16xi32>], vector<16xf32>,
      %add3A_1051 = arith.constant 2 : i32
      %add3A_1052 = vector.broadcast %add3A_1051 : i32 to vector<16xi32>
      %add3A_1053 = arith.addi %mul3A_1042, %add3A_1052 : vector<16xi32>
      %gather3A_1054 = tpu.vector_load_idx %arg5[%add3A_1053, %add3A_17] : memref<64x256xf32, #tpu.memory_space<vmem>>[vector<16xi32>, vector<16xi32>], vector<16xf32>,
      %add3A_1055 = arith.constant 3 : i32
      %add3A_1056 = vector.broadcast %add3A_1055 : i32 to vector<16xi32>
      %add3A_1057 = arith.addi %mul3A_1042, %add3A_1056 : vector<16xi32>
      %gather3A_1058 = tpu.vector_load_idx %arg5[%add3A_1057, %add3A_17] : memref<64x256xf32, #tpu.memory_space<vmem>>[vector<16xi32>, vector<16xi32>], vector<16xf32>,
      %add3A_1059 = arith.constant 4 : i32
      %add3A_1060 = vector.broadcast %add3A_1059 : i32 to vector<16xi32>
      %add3A_1061 = arith.addi %mul3A_1042, %add3A_1060 : vector<16xi32>
      %gather3A_1062 = tpu.vector_load_idx %arg5[%add3A_1061, %add3A_17] : memref<64x256xf32, #tpu.memory_space<vmem>>[vector<16xi32>, vector<16xi32>], vector<16xf32>,
      %add3A_1063 = arith.constant 5 : i32
      %add3A_1064 = vector.broadcast %add3A_1063 : i32 to vector<16xi32>
      %add3A_1065 = arith.addi %mul3A_1042, %add3A_1064 : vector<16xi32>
      %gather3A_1066 = tpu.vector_load_idx %arg5[%add3A_1065, %add3A_17] : memref<64x256xf32, #tpu.memory_space<vmem>>[vector<16xi32>, vector<16xi32>], vector<16xf32>,
      %add3A_1067 = arith.constant 6 : i32
      %add3A_1068 = vector.broadcast %add3A_1067 : i32 to vector<16xi32>
      %add3A_1069 = arith.addi %mul3A_1042, %add3A_1068 : vector<16xi32>
      %gather3A_1070 = tpu.vector_load_idx %arg5[%add3A_1069, %add3A_17] : memref<64x256xf32, #tpu.memory_space<vmem>>[vector<16xi32>, vector<16xi32>], vector<16xf32>,
      %add3A_1071 = arith.constant 7 : i32
      %add3A_1072 = vector.broadcast %add3A_1071 : i32 to vector<16xi32>
      %add3A_1073 = arith.addi %mul3A_1042, %add3A_1072 : vector<16xi32>
      %gather3A_1074 = tpu.vector_load_idx %arg5[%add3A_1073, %add3A_17] : memref<64x256xf32, #tpu.memory_space<vmem>>[vector<16xi32>, vector<16xi32>], vector<16xf32>,
      %add3A_1075 = arith.constant 0 : i32
      %add3A_1076 = vector.broadcast %add3A_1075 : i32 to vector<16xi32>
      %add3A_1077 = arith.addi %mul3A_1042, %add3A_1076 : vector<16xi32>
      %add3A_1078 = arith.constant 1 : i32
      %add3A_1079 = vector.broadcast %add3A_1078 : i32 to vector<16xi32>
      %add3A_1080 = arith.addi %mul3A_1042, %add3A_1079 : vector<16xi32>
      %add3A_1081 = arith.constant 2 : i32
      %add3A_1082 = vector.broadcast %add3A_1081 : i32 to vector<16xi32>
      %add3A_1083 = arith.addi %mul3A_1042, %add3A_1082 : vector<16xi32>
      %add3A_1084 = arith.constant 3 : i32
      %add3A_1085 = vector.broadcast %add3A_1084 : i32 to vector<16xi32>
      %add3A_1086 = arith.addi %mul3A_1042, %add3A_1085 : vector<16xi32>
      %add3A_1087 = arith.constant 4 : i32
      %add3A_1088 = vector.broadcast %add3A_1087 : i32 to vector<16xi32>
      %add3A_1089 = arith.addi %mul3A_1042, %add3A_1088 : vector<16xi32>
      %add3A_1090 = arith.constant 5 : i32
      %add3A_1091 = vector.broadcast %add3A_1090 : i32 to vector<16xi32>
      %add3A_1092 = arith.addi %mul3A_1042, %add3A_1091 : vector<16xi32>
      %add3A_1093 = arith.constant 6 : i32
      %add3A_1094 = vector.broadcast %add3A_1093 : i32 to vector<16xi32>
      %add3A_1095 = arith.addi %mul3A_1042, %add3A_1094 : vector<16xi32>
      %add3A_1096 = arith.constant 7 : i32
      %add3A_1097 = vector.broadcast %add3A_1096 : i32 to vector<16xi32>
      %add3A_1098 = arith.addi %mul3A_1042, %add3A_1097 : vector<16xi32>
      %gt3A_1099 = arith.cmpf ogt, %gather3A_1050, %gather3A_1046 : vector<16xf32>
      %select_n3A_1100 = arith.select %gt3A_1099, %gather3A_1050, %gather3A_1046 : vector<16xi1>, vector<16xf32>
      %select_n3A_1101 = arith.select %gt3A_1099, %add3A_1080, %add3A_1077 : vector<16xi1>, vector<16xi32>
      %gt3A_1102 = arith.cmpf ogt, %gather3A_1058, %gather3A_1054 : vector<16xf32>
      %select_n3A_1103 = arith.select %gt3A_1102, %gather3A_1058, %gather3A_1054 : vector<16xi1>, vector<16xf32>
      %select_n3A_1104 = arith.select %gt3A_1102, %add3A_1086, %add3A_1083 : vector<16xi1>, vector<16xi32>
      %gt3A_1105 = arith.cmpf ogt, %gather3A_1066, %gather3A_1062 : vector<16xf32>
      %select_n3A_1106 = arith.select %gt3A_1105, %gather3A_1066, %gather3A_1062 : vector<16xi1>, vector<16xf32>
      %select_n3A_1107 = arith.select %gt3A_1105, %add3A_1092, %add3A_1089 : vector<16xi1>, vector<16xi32>
      %gt3A_1108 = arith.cmpf ogt, %gather3A_1074, %gather3A_1070 : vector<16xf32>
      %select_n3A_1109 = arith.select %gt3A_1108, %gather3A_1074, %gather3A_1070 : vector<16xi1>, vector<16xf32>
      %select_n3A_1110 = arith.select %gt3A_1108, %add3A_1098, %add3A_1095 : vector<16xi1>, vector<16xi32>
      %gt3A_1111 = arith.cmpf ogt, %select_n3A_1103, %select_n3A_1100 : vector<16xf32>
      %select_n3A_1112 = arith.select %gt3A_1111, %select_n3A_1103, %select_n3A_1100 : vector<16xi1>, vector<16xf32>
      %select_n3A_1113 = arith.select %gt3A_1111, %select_n3A_1104, %select_n3A_1101 : vector<16xi1>, vector<16xi32>
      %gt3A_1114 = arith.cmpf ogt, %select_n3A_1109, %select_n3A_1106 : vector<16xf32>
      %select_n3A_1115 = arith.select %gt3A_1114, %select_n3A_1109, %select_n3A_1106 : vector<16xi1>, vector<16xf32>
      %select_n3A_1116 = arith.select %gt3A_1114, %select_n3A_1110, %select_n3A_1107 : vector<16xi1>, vector<16xi32>
      %gt3A_1117 = arith.cmpf ogt, %select_n3A_1115, %select_n3A_1112 : vector<16xf32>
      %select_n3A_1118 = arith.select %gt3A_1117, %select_n3A_1115, %select_n3A_1112 : vector<16xi1>, vector<16xf32>
      %select_n3A_1119 = arith.select %gt3A_1117, %select_n3A_1116, %select_n3A_1113 : vector<16xi1>, vector<16xi32>
      %eq3A_1120 = arith.constant 0 : i32
      %eq3A_1121 = vector.broadcast %eq3A_1120 : i32 to vector<16xi32>
      %eq3A_1122 = arith.cmpi eq, %select_n3A_1011, %eq3A_1121 : vector<16xi32>
      %select_n3A_1123 = arith.select %eq3A_1122, %select_n3A_1118, %select_n3A_938 : vector<16xi1>, vector<16xf32>
      %select_n3A_1124 = arith.select %eq3A_1122, %select_n3A_1119, %select_n3A_939 : vector<16xi1>, vector<16xi32>
      %eq3A_1125 = arith.constant 1 : i32
      %eq3A_1126 = vector.broadcast %eq3A_1125 : i32 to vector<16xi32>
      %eq3A_1127 = arith.cmpi eq, %select_n3A_1011, %eq3A_1126 : vector<16xi32>
      %select_n3A_1128 = arith.select %eq3A_1127, %select_n3A_1118, %select_n3A_943 : vector<16xi1>, vector<16xf32>
      %select_n3A_1129 = arith.select %eq3A_1127, %select_n3A_1119, %select_n3A_944 : vector<16xi1>, vector<16xi32>
      %eq3A_1130 = arith.constant 2 : i32
      %eq3A_1131 = vector.broadcast %eq3A_1130 : i32 to vector<16xi32>
      %eq3A_1132 = arith.cmpi eq, %select_n3A_1011, %eq3A_1131 : vector<16xi32>
      %select_n3A_1133 = arith.select %eq3A_1132, %select_n3A_1118, %select_n3A_948 : vector<16xi1>, vector<16xf32>
      %select_n3A_1134 = arith.select %eq3A_1132, %select_n3A_1119, %select_n3A_949 : vector<16xi1>, vector<16xi32>
      %eq3A_1135 = arith.constant 3 : i32
      %eq3A_1136 = vector.broadcast %eq3A_1135 : i32 to vector<16xi32>
      %eq3A_1137 = arith.cmpi eq, %select_n3A_1011, %eq3A_1136 : vector<16xi32>
      %select_n3A_1138 = arith.select %eq3A_1137, %select_n3A_1118, %select_n3A_953 : vector<16xi1>, vector<16xf32>
      %select_n3A_1139 = arith.select %eq3A_1137, %select_n3A_1119, %select_n3A_954 : vector<16xi1>, vector<16xi32>
      %eq3A_1140 = arith.constant 4 : i32
      %eq3A_1141 = vector.broadcast %eq3A_1140 : i32 to vector<16xi32>
      %eq3A_1142 = arith.cmpi eq, %select_n3A_1011, %eq3A_1141 : vector<16xi32>
      %select_n3A_1143 = arith.select %eq3A_1142, %select_n3A_1118, %select_n3A_958 : vector<16xi1>, vector<16xf32>
      %select_n3A_1144 = arith.select %eq3A_1142, %select_n3A_1119, %select_n3A_959 : vector<16xi1>, vector<16xi32>
      %eq3A_1145 = arith.constant 5 : i32
      %eq3A_1146 = vector.broadcast %eq3A_1145 : i32 to vector<16xi32>
      %eq3A_1147 = arith.cmpi eq, %select_n3A_1011, %eq3A_1146 : vector<16xi32>
      %select_n3A_1148 = arith.select %eq3A_1147, %select_n3A_1118, %select_n3A_963 : vector<16xi1>, vector<16xf32>
      %select_n3A_1149 = arith.select %eq3A_1147, %select_n3A_1119, %select_n3A_964 : vector<16xi1>, vector<16xi32>
      %eq3A_1150 = arith.constant 6 : i32
      %eq3A_1151 = vector.broadcast %eq3A_1150 : i32 to vector<16xi32>
      %eq3A_1152 = arith.cmpi eq, %select_n3A_1011, %eq3A_1151 : vector<16xi32>
      %select_n3A_1153 = arith.select %eq3A_1152, %select_n3A_1118, %select_n3A_968 : vector<16xi1>, vector<16xf32>
      %select_n3A_1154 = arith.select %eq3A_1152, %select_n3A_1119, %select_n3A_969 : vector<16xi1>, vector<16xi32>
      %eq3A_1155 = arith.constant 7 : i32
      %eq3A_1156 = vector.broadcast %eq3A_1155 : i32 to vector<16xi32>
      %eq3A_1157 = arith.cmpi eq, %select_n3A_1011, %eq3A_1156 : vector<16xi32>
      %select_n3A_1158 = arith.select %eq3A_1157, %select_n3A_1118, %select_n3A_973 : vector<16xi1>, vector<16xf32>
      %select_n3A_1159 = arith.select %eq3A_1157, %select_n3A_1119, %select_n3A_974 : vector<16xi1>, vector<16xi32>
      %broadcast_in_dim3A_1160 = arith.constant 0 : i32
      %broadcast_in_dim3A_1161 = vector.broadcast %broadcast_in_dim3A_1160 : i32 to vector<16xi32>
      %broadcast_in_dim3A_1162 = arith.constant 1 : i32
      %broadcast_in_dim3A_1163 = vector.broadcast %broadcast_in_dim3A_1162 : i32 to vector<16xi32>
      %broadcast_in_dim3A_1164 = arith.constant 2 : i32
      %broadcast_in_dim3A_1165 = vector.broadcast %broadcast_in_dim3A_1164 : i32 to vector<16xi32>
      %broadcast_in_dim3A_1166 = arith.constant 3 : i32
      %broadcast_in_dim3A_1167 = vector.broadcast %broadcast_in_dim3A_1166 : i32 to vector<16xi32>
      %broadcast_in_dim3A_1168 = arith.constant 4 : i32
      %broadcast_in_dim3A_1169 = vector.broadcast %broadcast_in_dim3A_1168 : i32 to vector<16xi32>
      %broadcast_in_dim3A_1170 = arith.constant 5 : i32
      %broadcast_in_dim3A_1171 = vector.broadcast %broadcast_in_dim3A_1170 : i32 to vector<16xi32>
      %broadcast_in_dim3A_1172 = arith.constant 6 : i32
      %broadcast_in_dim3A_1173 = vector.broadcast %broadcast_in_dim3A_1172 : i32 to vector<16xi32>
      %broadcast_in_dim3A_1174 = arith.constant 7 : i32
      %broadcast_in_dim3A_1175 = vector.broadcast %broadcast_in_dim3A_1174 : i32 to vector<16xi32>
      %gt3A_1176 = arith.cmpf ogt, %select_n3A_1128, %select_n3A_1123 : vector<16xf32>
      %select_n3A_1177 = arith.select %gt3A_1176, %select_n3A_1128, %select_n3A_1123 : vector<16xi1>, vector<16xf32>
      %select_n3A_1178 = arith.select %gt3A_1176, %broadcast_in_dim3A_1163, %broadcast_in_dim3A_1161 : vector<16xi1>, vector<16xi32>
      %gt3A_1179 = arith.cmpf ogt, %select_n3A_1138, %select_n3A_1133 : vector<16xf32>
      %select_n3A_1180 = arith.select %gt3A_1179, %select_n3A_1138, %select_n3A_1133 : vector<16xi1>, vector<16xf32>
      %select_n3A_1181 = arith.select %gt3A_1179, %broadcast_in_dim3A_1167, %broadcast_in_dim3A_1165 : vector<16xi1>, vector<16xi32>
      %gt3A_1182 = arith.cmpf ogt, %select_n3A_1148, %select_n3A_1143 : vector<16xf32>
      %select_n3A_1183 = arith.select %gt3A_1182, %select_n3A_1148, %select_n3A_1143 : vector<16xi1>, vector<16xf32>
      %select_n3A_1184 = arith.select %gt3A_1182, %broadcast_in_dim3A_1171, %broadcast_in_dim3A_1169 : vector<16xi1>, vector<16xi32>
      %gt3A_1185 = arith.cmpf ogt, %select_n3A_1158, %select_n3A_1153 : vector<16xf32>
      %select_n3A_1186 = arith.select %gt3A_1185, %select_n3A_1158, %select_n3A_1153 : vector<16xi1>, vector<16xf32>
      %select_n3A_1187 = arith.select %gt3A_1185, %broadcast_in_dim3A_1175, %broadcast_in_dim3A_1173 : vector<16xi1>, vector<16xi32>
      %gt3A_1188 = arith.cmpf ogt, %select_n3A_1180, %select_n3A_1177 : vector<16xf32>
      %select_n3A_1189 = arith.select %gt3A_1188, %select_n3A_1180, %select_n3A_1177 : vector<16xi1>, vector<16xf32>
      %select_n3A_1190 = arith.select %gt3A_1188, %select_n3A_1181, %select_n3A_1178 : vector<16xi1>, vector<16xi32>
      %gt3A_1191 = arith.cmpf ogt, %select_n3A_1186, %select_n3A_1183 : vector<16xf32>
      %select_n3A_1192 = arith.select %gt3A_1191, %select_n3A_1186, %select_n3A_1183 : vector<16xi1>, vector<16xf32>
      %select_n3A_1193 = arith.select %gt3A_1191, %select_n3A_1187, %select_n3A_1184 : vector<16xi1>, vector<16xi32>
      %gt3A_1194 = arith.cmpf ogt, %select_n3A_1192, %select_n3A_1189 : vector<16xf32>
      %select_n3A_1195 = arith.select %gt3A_1194, %select_n3A_1192, %select_n3A_1189 : vector<16xi1>, vector<16xf32>
      %select_n3A_1196 = arith.select %gt3A_1194, %select_n3A_1193, %select_n3A_1190 : vector<16xi1>, vector<16xi32>
      %eq3A_1197 = arith.constant 1 : i32
      %eq3A_1198 = vector.broadcast %eq3A_1197 : i32 to vector<16xi32>
      %eq3A_1199 = arith.cmpi eq, %select_n3A_1196, %eq3A_1198 : vector<16xi32>
      %select_n3A_1200 = arith.select %eq3A_1199, %select_n3A_1129, %select_n3A_1124 : vector<16xi1>, vector<16xi32>
      %eq3A_1201 = arith.constant 2 : i32
      %eq3A_1202 = vector.broadcast %eq3A_1201 : i32 to vector<16xi32>
      %eq3A_1203 = arith.cmpi eq, %select_n3A_1196, %eq3A_1202 : vector<16xi32>
      %select_n3A_1204 = arith.select %eq3A_1203, %select_n3A_1134, %select_n3A_1200 : vector<16xi1>, vector<16xi32>
      %eq3A_1205 = arith.constant 3 : i32
      %eq3A_1206 = vector.broadcast %eq3A_1205 : i32 to vector<16xi32>
      %eq3A_1207 = arith.cmpi eq, %select_n3A_1196, %eq3A_1206 : vector<16xi32>
      %select_n3A_1208 = arith.select %eq3A_1207, %select_n3A_1139, %select_n3A_1204 : vector<16xi1>, vector<16xi32>
      %eq3A_1209 = arith.constant 4 : i32
      %eq3A_1210 = vector.broadcast %eq3A_1209 : i32 to vector<16xi32>
      %eq3A_1211 = arith.cmpi eq, %select_n3A_1196, %eq3A_1210 : vector<16xi32>
      %select_n3A_1212 = arith.select %eq3A_1211, %select_n3A_1144, %select_n3A_1208 : vector<16xi1>, vector<16xi32>
      %eq3A_1213 = arith.constant 5 : i32
      %eq3A_1214 = vector.broadcast %eq3A_1213 : i32 to vector<16xi32>
      %eq3A_1215 = arith.cmpi eq, %select_n3A_1196, %eq3A_1214 : vector<16xi32>
      %select_n3A_1216 = arith.select %eq3A_1215, %select_n3A_1149, %select_n3A_1212 : vector<16xi1>, vector<16xi32>
      %eq3A_1217 = arith.constant 6 : i32
      %eq3A_1218 = vector.broadcast %eq3A_1217 : i32 to vector<16xi32>
      %eq3A_1219 = arith.cmpi eq, %select_n3A_1196, %eq3A_1218 : vector<16xi32>
      %select_n3A_1220 = arith.select %eq3A_1219, %select_n3A_1154, %select_n3A_1216 : vector<16xi1>, vector<16xi32>
      %eq3A_1221 = arith.constant 7 : i32
      %eq3A_1222 = vector.broadcast %eq3A_1221 : i32 to vector<16xi32>
      %eq3A_1223 = arith.cmpi eq, %select_n3A_1196, %eq3A_1222 : vector<16xi32>
      %select_n3A_1224 = arith.select %eq3A_1223, %select_n3A_1159, %select_n3A_1220 : vector<16xi1>, vector<16xi32>
      tpu.vector_store_idx %arg5[%select_n3A_1224, %add3A_17], %broadcast_in_dim3A_3 : memref<64x256xf32, #tpu.memory_space<vmem>>[vector<16xi32>, vector<16xi32>], vector<16xf32>,
      %mul3A_1225 = arith.constant 8 : i32
      %mul3A_1226 = vector.broadcast %mul3A_1225 : i32 to vector<16xi32>
      %mul3A_1227 = arith.muli %select_n3A_1196, %mul3A_1226 : vector<16xi32>
      %add3A_1228 = arith.constant 0 : i32
      %add3A_1229 = vector.broadcast %add3A_1228 : i32 to vector<16xi32>
      %add3A_1230 = arith.addi %mul3A_1227, %add3A_1229 : vector<16xi32>
      %gather3A_1231 = tpu.vector_load_idx %arg5[%add3A_1230, %add3A_17] : memref<64x256xf32, #tpu.memory_space<vmem>>[vector<16xi32>, vector<16xi32>], vector<16xf32>,
      %add3A_1232 = arith.constant 1 : i32
      %add3A_1233 = vector.broadcast %add3A_1232 : i32 to vector<16xi32>
      %add3A_1234 = arith.addi %mul3A_1227, %add3A_1233 : vector<16xi32>
      %gather3A_1235 = tpu.vector_load_idx %arg5[%add3A_1234, %add3A_17] : memref<64x256xf32, #tpu.memory_space<vmem>>[vector<16xi32>, vector<16xi32>], vector<16xf32>,
      %add3A_1236 = arith.constant 2 : i32
      %add3A_1237 = vector.broadcast %add3A_1236 : i32 to vector<16xi32>
      %add3A_1238 = arith.addi %mul3A_1227, %add3A_1237 : vector<16xi32>
      %gather3A_1239 = tpu.vector_load_idx %arg5[%add3A_1238, %add3A_17] : memref<64x256xf32, #tpu.memory_space<vmem>>[vector<16xi32>, vector<16xi32>], vector<16xf32>,
      %add3A_1240 = arith.constant 3 : i32
      %add3A_1241 = vector.broadcast %add3A_1240 : i32 to vector<16xi32>
      %add3A_1242 = arith.addi %mul3A_1227, %add3A_1241 : vector<16xi32>
      %gather3A_1243 = tpu.vector_load_idx %arg5[%add3A_1242, %add3A_17] : memref<64x256xf32, #tpu.memory_space<vmem>>[vector<16xi32>, vector<16xi32>], vector<16xf32>,
      %add3A_1244 = arith.constant 4 : i32
      %add3A_1245 = vector.broadcast %add3A_1244 : i32 to vector<16xi32>
      %add3A_1246 = arith.addi %mul3A_1227, %add3A_1245 : vector<16xi32>
      %gather3A_1247 = tpu.vector_load_idx %arg5[%add3A_1246, %add3A_17] : memref<64x256xf32, #tpu.memory_space<vmem>>[vector<16xi32>, vector<16xi32>], vector<16xf32>,
      %add3A_1248 = arith.constant 5 : i32
      %add3A_1249 = vector.broadcast %add3A_1248 : i32 to vector<16xi32>
      %add3A_1250 = arith.addi %mul3A_1227, %add3A_1249 : vector<16xi32>
      %gather3A_1251 = tpu.vector_load_idx %arg5[%add3A_1250, %add3A_17] : memref<64x256xf32, #tpu.memory_space<vmem>>[vector<16xi32>, vector<16xi32>], vector<16xf32>,
      %add3A_1252 = arith.constant 6 : i32
      %add3A_1253 = vector.broadcast %add3A_1252 : i32 to vector<16xi32>
      %add3A_1254 = arith.addi %mul3A_1227, %add3A_1253 : vector<16xi32>
      %gather3A_1255 = tpu.vector_load_idx %arg5[%add3A_1254, %add3A_17] : memref<64x256xf32, #tpu.memory_space<vmem>>[vector<16xi32>, vector<16xi32>], vector<16xf32>,
      %add3A_1256 = arith.constant 7 : i32
      %add3A_1257 = vector.broadcast %add3A_1256 : i32 to vector<16xi32>
      %add3A_1258 = arith.addi %mul3A_1227, %add3A_1257 : vector<16xi32>
      %gather3A_1259 = tpu.vector_load_idx %arg5[%add3A_1258, %add3A_17] : memref<64x256xf32, #tpu.memory_space<vmem>>[vector<16xi32>, vector<16xi32>], vector<16xf32>,
      %add3A_1260 = arith.constant 0 : i32
      %add3A_1261 = vector.broadcast %add3A_1260 : i32 to vector<16xi32>
      %add3A_1262 = arith.addi %mul3A_1227, %add3A_1261 : vector<16xi32>
      %add3A_1263 = arith.constant 1 : i32
      %add3A_1264 = vector.broadcast %add3A_1263 : i32 to vector<16xi32>
      %add3A_1265 = arith.addi %mul3A_1227, %add3A_1264 : vector<16xi32>
      %add3A_1266 = arith.constant 2 : i32
      %add3A_1267 = vector.broadcast %add3A_1266 : i32 to vector<16xi32>
      %add3A_1268 = arith.addi %mul3A_1227, %add3A_1267 : vector<16xi32>
      %add3A_1269 = arith.constant 3 : i32
      %add3A_1270 = vector.broadcast %add3A_1269 : i32 to vector<16xi32>
      %add3A_1271 = arith.addi %mul3A_1227, %add3A_1270 : vector<16xi32>
      %add3A_1272 = arith.constant 4 : i32
      %add3A_1273 = vector.broadcast %add3A_1272 : i32 to vector<16xi32>
      %add3A_1274 = arith.addi %mul3A_1227, %add3A_1273 : vector<16xi32>
      %add3A_1275 = arith.constant 5 : i32
      %add3A_1276 = vector.broadcast %add3A_1275 : i32 to vector<16xi32>
      %add3A_1277 = arith.addi %mul3A_1227, %add3A_1276 : vector<16xi32>
      %add3A_1278 = arith.constant 6 : i32
      %add3A_1279 = vector.broadcast %add3A_1278 : i32 to vector<16xi32>
      %add3A_1280 = arith.addi %mul3A_1227, %add3A_1279 : vector<16xi32>
      %add3A_1281 = arith.constant 7 : i32
      %add3A_1282 = vector.broadcast %add3A_1281 : i32 to vector<16xi32>
      %add3A_1283 = arith.addi %mul3A_1227, %add3A_1282 : vector<16xi32>
      %gt3A_1284 = arith.cmpf ogt, %gather3A_1235, %gather3A_1231 : vector<16xf32>
      %select_n3A_1285 = arith.select %gt3A_1284, %gather3A_1235, %gather3A_1231 : vector<16xi1>, vector<16xf32>
      %select_n3A_1286 = arith.select %gt3A_1284, %add3A_1265, %add3A_1262 : vector<16xi1>, vector<16xi32>
      %gt3A_1287 = arith.cmpf ogt, %gather3A_1243, %gather3A_1239 : vector<16xf32>
      %select_n3A_1288 = arith.select %gt3A_1287, %gather3A_1243, %gather3A_1239 : vector<16xi1>, vector<16xf32>
      %select_n3A_1289 = arith.select %gt3A_1287, %add3A_1271, %add3A_1268 : vector<16xi1>, vector<16xi32>
      %gt3A_1290 = arith.cmpf ogt, %gather3A_1251, %gather3A_1247 : vector<16xf32>
      %select_n3A_1291 = arith.select %gt3A_1290, %gather3A_1251, %gather3A_1247 : vector<16xi1>, vector<16xf32>
      %select_n3A_1292 = arith.select %gt3A_1290, %add3A_1277, %add3A_1274 : vector<16xi1>, vector<16xi32>
      %gt3A_1293 = arith.cmpf ogt, %gather3A_1259, %gather3A_1255 : vector<16xf32>
      %select_n3A_1294 = arith.select %gt3A_1293, %gather3A_1259, %gather3A_1255 : vector<16xi1>, vector<16xf32>
      %select_n3A_1295 = arith.select %gt3A_1293, %add3A_1283, %add3A_1280 : vector<16xi1>, vector<16xi32>
      %gt3A_1296 = arith.cmpf ogt, %select_n3A_1288, %select_n3A_1285 : vector<16xf32>
      %select_n3A_1297 = arith.select %gt3A_1296, %select_n3A_1288, %select_n3A_1285 : vector<16xi1>, vector<16xf32>
      %select_n3A_1298 = arith.select %gt3A_1296, %select_n3A_1289, %select_n3A_1286 : vector<16xi1>, vector<16xi32>
      %gt3A_1299 = arith.cmpf ogt, %select_n3A_1294, %select_n3A_1291 : vector<16xf32>
      %select_n3A_1300 = arith.select %gt3A_1299, %select_n3A_1294, %select_n3A_1291 : vector<16xi1>, vector<16xf32>
      %select_n3A_1301 = arith.select %gt3A_1299, %select_n3A_1295, %select_n3A_1292 : vector<16xi1>, vector<16xi32>
      %gt3A_1302 = arith.cmpf ogt, %select_n3A_1300, %select_n3A_1297 : vector<16xf32>
      %select_n3A_1303 = arith.select %gt3A_1302, %select_n3A_1300, %select_n3A_1297 : vector<16xi1>, vector<16xf32>
      %select_n3A_1304 = arith.select %gt3A_1302, %select_n3A_1301, %select_n3A_1298 : vector<16xi1>, vector<16xi32>
      %eq3A_1305 = arith.constant 0 : i32
      %eq3A_1306 = vector.broadcast %eq3A_1305 : i32 to vector<16xi32>
      %eq3A_1307 = arith.cmpi eq, %select_n3A_1196, %eq3A_1306 : vector<16xi32>
      %select_n3A_1308 = arith.select %eq3A_1307, %select_n3A_1303, %select_n3A_1123 : vector<16xi1>, vector<16xf32>
      %select_n3A_1309 = arith.select %eq3A_1307, %select_n3A_1304, %select_n3A_1124 : vector<16xi1>, vector<16xi32>
      %eq3A_1310 = arith.constant 1 : i32
      %eq3A_1311 = vector.broadcast %eq3A_1310 : i32 to vector<16xi32>
      %eq3A_1312 = arith.cmpi eq, %select_n3A_1196, %eq3A_1311 : vector<16xi32>
      %select_n3A_1313 = arith.select %eq3A_1312, %select_n3A_1303, %select_n3A_1128 : vector<16xi1>, vector<16xf32>
      %select_n3A_1314 = arith.select %eq3A_1312, %select_n3A_1304, %select_n3A_1129 : vector<16xi1>, vector<16xi32>
      %eq3A_1315 = arith.constant 2 : i32
      %eq3A_1316 = vector.broadcast %eq3A_1315 : i32 to vector<16xi32>
      %eq3A_1317 = arith.cmpi eq, %select_n3A_1196, %eq3A_1316 : vector<16xi32>
      %select_n3A_1318 = arith.select %eq3A_1317, %select_n3A_1303, %select_n3A_1133 : vector<16xi1>, vector<16xf32>
      %select_n3A_1319 = arith.select %eq3A_1317, %select_n3A_1304, %select_n3A_1134 : vector<16xi1>, vector<16xi32>
      %eq3A_1320 = arith.constant 3 : i32
      %eq3A_1321 = vector.broadcast %eq3A_1320 : i32 to vector<16xi32>
      %eq3A_1322 = arith.cmpi eq, %select_n3A_1196, %eq3A_1321 : vector<16xi32>
      %select_n3A_1323 = arith.select %eq3A_1322, %select_n3A_1303, %select_n3A_1138 : vector<16xi1>, vector<16xf32>
      %select_n3A_1324 = arith.select %eq3A_1322, %select_n3A_1304, %select_n3A_1139 : vector<16xi1>, vector<16xi32>
      %eq3A_1325 = arith.constant 4 : i32
      %eq3A_1326 = vector.broadcast %eq3A_1325 : i32 to vector<16xi32>
      %eq3A_1327 = arith.cmpi eq, %select_n3A_1196, %eq3A_1326 : vector<16xi32>
      %select_n3A_1328 = arith.select %eq3A_1327, %select_n3A_1303, %select_n3A_1143 : vector<16xi1>, vector<16xf32>
      %select_n3A_1329 = arith.select %eq3A_1327, %select_n3A_1304, %select_n3A_1144 : vector<16xi1>, vector<16xi32>
      %eq3A_1330 = arith.constant 5 : i32
      %eq3A_1331 = vector.broadcast %eq3A_1330 : i32 to vector<16xi32>
      %eq3A_1332 = arith.cmpi eq, %select_n3A_1196, %eq3A_1331 : vector<16xi32>
      %select_n3A_1333 = arith.select %eq3A_1332, %select_n3A_1303, %select_n3A_1148 : vector<16xi1>, vector<16xf32>
      %select_n3A_1334 = arith.select %eq3A_1332, %select_n3A_1304, %select_n3A_1149 : vector<16xi1>, vector<16xi32>
      %eq3A_1335 = arith.constant 6 : i32
      %eq3A_1336 = vector.broadcast %eq3A_1335 : i32 to vector<16xi32>
      %eq3A_1337 = arith.cmpi eq, %select_n3A_1196, %eq3A_1336 : vector<16xi32>
      %select_n3A_1338 = arith.select %eq3A_1337, %select_n3A_1303, %select_n3A_1153 : vector<16xi1>, vector<16xf32>
      %select_n3A_1339 = arith.select %eq3A_1337, %select_n3A_1304, %select_n3A_1154 : vector<16xi1>, vector<16xi32>
      %eq3A_1340 = arith.constant 7 : i32
      %eq3A_1341 = vector.broadcast %eq3A_1340 : i32 to vector<16xi32>
      %eq3A_1342 = arith.cmpi eq, %select_n3A_1196, %eq3A_1341 : vector<16xi32>
      %select_n3A_1343 = arith.select %eq3A_1342, %select_n3A_1303, %select_n3A_1158 : vector<16xi1>, vector<16xf32>
      %select_n3A_1344 = arith.select %eq3A_1342, %select_n3A_1304, %select_n3A_1159 : vector<16xi1>, vector<16xi32>
      %broadcast_in_dim3A_1345 = arith.constant 0 : i32
      %broadcast_in_dim3A_1346 = vector.broadcast %broadcast_in_dim3A_1345 : i32 to vector<16xi32>
      %broadcast_in_dim3A_1347 = arith.constant 1 : i32
      %broadcast_in_dim3A_1348 = vector.broadcast %broadcast_in_dim3A_1347 : i32 to vector<16xi32>
      %broadcast_in_dim3A_1349 = arith.constant 2 : i32
      %broadcast_in_dim3A_1350 = vector.broadcast %broadcast_in_dim3A_1349 : i32 to vector<16xi32>
      %broadcast_in_dim3A_1351 = arith.constant 3 : i32
      %broadcast_in_dim3A_1352 = vector.broadcast %broadcast_in_dim3A_1351 : i32 to vector<16xi32>
      %broadcast_in_dim3A_1353 = arith.constant 4 : i32
      %broadcast_in_dim3A_1354 = vector.broadcast %broadcast_in_dim3A_1353 : i32 to vector<16xi32>
      %broadcast_in_dim3A_1355 = arith.constant 5 : i32
      %broadcast_in_dim3A_1356 = vector.broadcast %broadcast_in_dim3A_1355 : i32 to vector<16xi32>
      %broadcast_in_dim3A_1357 = arith.constant 6 : i32
      %broadcast_in_dim3A_1358 = vector.broadcast %broadcast_in_dim3A_1357 : i32 to vector<16xi32>
      %broadcast_in_dim3A_1359 = arith.constant 7 : i32
      %broadcast_in_dim3A_1360 = vector.broadcast %broadcast_in_dim3A_1359 : i32 to vector<16xi32>
      %gt3A_1361 = arith.cmpf ogt, %select_n3A_1313, %select_n3A_1308 : vector<16xf32>
      %select_n3A_1362 = arith.select %gt3A_1361, %select_n3A_1313, %select_n3A_1308 : vector<16xi1>, vector<16xf32>
      %select_n3A_1363 = arith.select %gt3A_1361, %broadcast_in_dim3A_1348, %broadcast_in_dim3A_1346 : vector<16xi1>, vector<16xi32>
      %gt3A_1364 = arith.cmpf ogt, %select_n3A_1323, %select_n3A_1318 : vector<16xf32>
      %select_n3A_1365 = arith.select %gt3A_1364, %select_n3A_1323, %select_n3A_1318 : vector<16xi1>, vector<16xf32>
      %select_n3A_1366 = arith.select %gt3A_1364, %broadcast_in_dim3A_1352, %broadcast_in_dim3A_1350 : vector<16xi1>, vector<16xi32>
      %gt3A_1367 = arith.cmpf ogt, %select_n3A_1333, %select_n3A_1328 : vector<16xf32>
      %select_n3A_1368 = arith.select %gt3A_1367, %select_n3A_1333, %select_n3A_1328 : vector<16xi1>, vector<16xf32>
      %select_n3A_1369 = arith.select %gt3A_1367, %broadcast_in_dim3A_1356, %broadcast_in_dim3A_1354 : vector<16xi1>, vector<16xi32>
      %gt3A_1370 = arith.cmpf ogt, %select_n3A_1343, %select_n3A_1338 : vector<16xf32>
      %select_n3A_1371 = arith.select %gt3A_1370, %select_n3A_1343, %select_n3A_1338 : vector<16xi1>, vector<16xf32>
      %select_n3A_1372 = arith.select %gt3A_1370, %broadcast_in_dim3A_1360, %broadcast_in_dim3A_1358 : vector<16xi1>, vector<16xi32>
      %gt3A_1373 = arith.cmpf ogt, %select_n3A_1365, %select_n3A_1362 : vector<16xf32>
      %select_n3A_1374 = arith.select %gt3A_1373, %select_n3A_1365, %select_n3A_1362 : vector<16xi1>, vector<16xf32>
      %select_n3A_1375 = arith.select %gt3A_1373, %select_n3A_1366, %select_n3A_1363 : vector<16xi1>, vector<16xi32>
      %gt3A_1376 = arith.cmpf ogt, %select_n3A_1371, %select_n3A_1368 : vector<16xf32>
      %select_n3A_1377 = arith.select %gt3A_1376, %select_n3A_1371, %select_n3A_1368 : vector<16xi1>, vector<16xf32>
      %select_n3A_1378 = arith.select %gt3A_1376, %select_n3A_1372, %select_n3A_1369 : vector<16xi1>, vector<16xi32>
      %gt3A_1379 = arith.cmpf ogt, %select_n3A_1377, %select_n3A_1374 : vector<16xf32>
      %select_n3A_1380 = arith.select %gt3A_1379, %select_n3A_1377, %select_n3A_1374 : vector<16xi1>, vector<16xf32>
      %select_n3A_1381 = arith.select %gt3A_1379, %select_n3A_1378, %select_n3A_1375 : vector<16xi1>, vector<16xi32>
      %eq3A_1382 = arith.constant 1 : i32
      %eq3A_1383 = vector.broadcast %eq3A_1382 : i32 to vector<16xi32>
      %eq3A_1384 = arith.cmpi eq, %select_n3A_1381, %eq3A_1383 : vector<16xi32>
      %select_n3A_1385 = arith.select %eq3A_1384, %select_n3A_1314, %select_n3A_1309 : vector<16xi1>, vector<16xi32>
      %eq3A_1386 = arith.constant 2 : i32
      %eq3A_1387 = vector.broadcast %eq3A_1386 : i32 to vector<16xi32>
      %eq3A_1388 = arith.cmpi eq, %select_n3A_1381, %eq3A_1387 : vector<16xi32>
      %select_n3A_1389 = arith.select %eq3A_1388, %select_n3A_1319, %select_n3A_1385 : vector<16xi1>, vector<16xi32>
      %eq3A_1390 = arith.constant 3 : i32
      %eq3A_1391 = vector.broadcast %eq3A_1390 : i32 to vector<16xi32>
      %eq3A_1392 = arith.cmpi eq, %select_n3A_1381, %eq3A_1391 : vector<16xi32>
      %select_n3A_1393 = arith.select %eq3A_1392, %select_n3A_1324, %select_n3A_1389 : vector<16xi1>, vector<16xi32>
      %eq3A_1394 = arith.constant 4 : i32
      %eq3A_1395 = vector.broadcast %eq3A_1394 : i32 to vector<16xi32>
      %eq3A_1396 = arith.cmpi eq, %select_n3A_1381, %eq3A_1395 : vector<16xi32>
      %select_n3A_1397 = arith.select %eq3A_1396, %select_n3A_1329, %select_n3A_1393 : vector<16xi1>, vector<16xi32>
      %eq3A_1398 = arith.constant 5 : i32
      %eq3A_1399 = vector.broadcast %eq3A_1398 : i32 to vector<16xi32>
      %eq3A_1400 = arith.cmpi eq, %select_n3A_1381, %eq3A_1399 : vector<16xi32>
      %select_n3A_1401 = arith.select %eq3A_1400, %select_n3A_1334, %select_n3A_1397 : vector<16xi1>, vector<16xi32>
      %eq3A_1402 = arith.constant 6 : i32
      %eq3A_1403 = vector.broadcast %eq3A_1402 : i32 to vector<16xi32>
      %eq3A_1404 = arith.cmpi eq, %select_n3A_1381, %eq3A_1403 : vector<16xi32>
      %select_n3A_1405 = arith.select %eq3A_1404, %select_n3A_1339, %select_n3A_1401 : vector<16xi1>, vector<16xi32>
      %eq3A_1406 = arith.constant 7 : i32
      %eq3A_1407 = vector.broadcast %eq3A_1406 : i32 to vector<16xi32>
      %eq3A_1408 = arith.cmpi eq, %select_n3A_1381, %eq3A_1407 : vector<16xi32>
      %select_n3A_1409 = arith.select %eq3A_1408, %select_n3A_1344, %select_n3A_1405 : vector<16xi1>, vector<16xi32>
      tpu.vector_store_idx %arg5[%select_n3A_1409, %add3A_17], %broadcast_in_dim3A_3 : memref<64x256xf32, #tpu.memory_space<vmem>>[vector<16xi32>, vector<16xi32>], vector<16xf32>,
      %mul3A_1410 = arith.constant 8 : i32
      %mul3A_1411 = vector.broadcast %mul3A_1410 : i32 to vector<16xi32>
      %mul3A_1412 = arith.muli %select_n3A_1381, %mul3A_1411 : vector<16xi32>
      %add3A_1413 = arith.constant 0 : i32
      %add3A_1414 = vector.broadcast %add3A_1413 : i32 to vector<16xi32>
      %add3A_1415 = arith.addi %mul3A_1412, %add3A_1414 : vector<16xi32>
      %gather3A_1416 = tpu.vector_load_idx %arg5[%add3A_1415, %add3A_17] : memref<64x256xf32, #tpu.memory_space<vmem>>[vector<16xi32>, vector<16xi32>], vector<16xf32>,
      %add3A_1417 = arith.constant 1 : i32
      %add3A_1418 = vector.broadcast %add3A_1417 : i32 to vector<16xi32>
      %add3A_1419 = arith.addi %mul3A_1412, %add3A_1418 : vector<16xi32>
      %gather3A_1420 = tpu.vector_load_idx %arg5[%add3A_1419, %add3A_17] : memref<64x256xf32, #tpu.memory_space<vmem>>[vector<16xi32>, vector<16xi32>], vector<16xf32>,
      %add3A_1421 = arith.constant 2 : i32
      %add3A_1422 = vector.broadcast %add3A_1421 : i32 to vector<16xi32>
      %add3A_1423 = arith.addi %mul3A_1412, %add3A_1422 : vector<16xi32>
      %gather3A_1424 = tpu.vector_load_idx %arg5[%add3A_1423, %add3A_17] : memref<64x256xf32, #tpu.memory_space<vmem>>[vector<16xi32>, vector<16xi32>], vector<16xf32>,
      %add3A_1425 = arith.constant 3 : i32
      %add3A_1426 = vector.broadcast %add3A_1425 : i32 to vector<16xi32>
      %add3A_1427 = arith.addi %mul3A_1412, %add3A_1426 : vector<16xi32>
      %gather3A_1428 = tpu.vector_load_idx %arg5[%add3A_1427, %add3A_17] : memref<64x256xf32, #tpu.memory_space<vmem>>[vector<16xi32>, vector<16xi32>], vector<16xf32>,
      %add3A_1429 = arith.constant 4 : i32
      %add3A_1430 = vector.broadcast %add3A_1429 : i32 to vector<16xi32>
      %add3A_1431 = arith.addi %mul3A_1412, %add3A_1430 : vector<16xi32>
      %gather3A_1432 = tpu.vector_load_idx %arg5[%add3A_1431, %add3A_17] : memref<64x256xf32, #tpu.memory_space<vmem>>[vector<16xi32>, vector<16xi32>], vector<16xf32>,
      %add3A_1433 = arith.constant 5 : i32
      %add3A_1434 = vector.broadcast %add3A_1433 : i32 to vector<16xi32>
      %add3A_1435 = arith.addi %mul3A_1412, %add3A_1434 : vector<16xi32>
      %gather3A_1436 = tpu.vector_load_idx %arg5[%add3A_1435, %add3A_17] : memref<64x256xf32, #tpu.memory_space<vmem>>[vector<16xi32>, vector<16xi32>], vector<16xf32>,
      %add3A_1437 = arith.constant 6 : i32
      %add3A_1438 = vector.broadcast %add3A_1437 : i32 to vector<16xi32>
      %add3A_1439 = arith.addi %mul3A_1412, %add3A_1438 : vector<16xi32>
      %gather3A_1440 = tpu.vector_load_idx %arg5[%add3A_1439, %add3A_17] : memref<64x256xf32, #tpu.memory_space<vmem>>[vector<16xi32>, vector<16xi32>], vector<16xf32>,
      %add3A_1441 = arith.constant 7 : i32
      %add3A_1442 = vector.broadcast %add3A_1441 : i32 to vector<16xi32>
      %add3A_1443 = arith.addi %mul3A_1412, %add3A_1442 : vector<16xi32>
      %gather3A_1444 = tpu.vector_load_idx %arg5[%add3A_1443, %add3A_17] : memref<64x256xf32, #tpu.memory_space<vmem>>[vector<16xi32>, vector<16xi32>], vector<16xf32>,
      %add3A_1445 = arith.constant 0 : i32
      %add3A_1446 = vector.broadcast %add3A_1445 : i32 to vector<16xi32>
      %add3A_1447 = arith.addi %mul3A_1412, %add3A_1446 : vector<16xi32>
      %add3A_1448 = arith.constant 1 : i32
      %add3A_1449 = vector.broadcast %add3A_1448 : i32 to vector<16xi32>
      %add3A_1450 = arith.addi %mul3A_1412, %add3A_1449 : vector<16xi32>
      %add3A_1451 = arith.constant 2 : i32
      %add3A_1452 = vector.broadcast %add3A_1451 : i32 to vector<16xi32>
      %add3A_1453 = arith.addi %mul3A_1412, %add3A_1452 : vector<16xi32>
      %add3A_1454 = arith.constant 3 : i32
      %add3A_1455 = vector.broadcast %add3A_1454 : i32 to vector<16xi32>
      %add3A_1456 = arith.addi %mul3A_1412, %add3A_1455 : vector<16xi32>
      %add3A_1457 = arith.constant 4 : i32
      %add3A_1458 = vector.broadcast %add3A_1457 : i32 to vector<16xi32>
      %add3A_1459 = arith.addi %mul3A_1412, %add3A_1458 : vector<16xi32>
      %add3A_1460 = arith.constant 5 : i32
      %add3A_1461 = vector.broadcast %add3A_1460 : i32 to vector<16xi32>
      %add3A_1462 = arith.addi %mul3A_1412, %add3A_1461 : vector<16xi32>
      %add3A_1463 = arith.constant 6 : i32
      %add3A_1464 = vector.broadcast %add3A_1463 : i32 to vector<16xi32>
      %add3A_1465 = arith.addi %mul3A_1412, %add3A_1464 : vector<16xi32>
      %add3A_1466 = arith.constant 7 : i32
      %add3A_1467 = vector.broadcast %add3A_1466 : i32 to vector<16xi32>
      %add3A_1468 = arith.addi %mul3A_1412, %add3A_1467 : vector<16xi32>
      %gt3A_1469 = arith.cmpf ogt, %gather3A_1420, %gather3A_1416 : vector<16xf32>
      %select_n3A_1470 = arith.select %gt3A_1469, %gather3A_1420, %gather3A_1416 : vector<16xi1>, vector<16xf32>
      %select_n3A_1471 = arith.select %gt3A_1469, %add3A_1450, %add3A_1447 : vector<16xi1>, vector<16xi32>
      %gt3A_1472 = arith.cmpf ogt, %gather3A_1428, %gather3A_1424 : vector<16xf32>
      %select_n3A_1473 = arith.select %gt3A_1472, %gather3A_1428, %gather3A_1424 : vector<16xi1>, vector<16xf32>
      %select_n3A_1474 = arith.select %gt3A_1472, %add3A_1456, %add3A_1453 : vector<16xi1>, vector<16xi32>
      %gt3A_1475 = arith.cmpf ogt, %gather3A_1436, %gather3A_1432 : vector<16xf32>
      %select_n3A_1476 = arith.select %gt3A_1475, %gather3A_1436, %gather3A_1432 : vector<16xi1>, vector<16xf32>
      %select_n3A_1477 = arith.select %gt3A_1475, %add3A_1462, %add3A_1459 : vector<16xi1>, vector<16xi32>
      %gt3A_1478 = arith.cmpf ogt, %gather3A_1444, %gather3A_1440 : vector<16xf32>
      %select_n3A_1479 = arith.select %gt3A_1478, %gather3A_1444, %gather3A_1440 : vector<16xi1>, vector<16xf32>
      %select_n3A_1480 = arith.select %gt3A_1478, %add3A_1468, %add3A_1465 : vector<16xi1>, vector<16xi32>
      %gt3A_1481 = arith.cmpf ogt, %select_n3A_1473, %select_n3A_1470 : vector<16xf32>
      %select_n3A_1482 = arith.select %gt3A_1481, %select_n3A_1473, %select_n3A_1470 : vector<16xi1>, vector<16xf32>
      %select_n3A_1483 = arith.select %gt3A_1481, %select_n3A_1474, %select_n3A_1471 : vector<16xi1>, vector<16xi32>
      %gt3A_1484 = arith.cmpf ogt, %select_n3A_1479, %select_n3A_1476 : vector<16xf32>
      %select_n3A_1485 = arith.select %gt3A_1484, %select_n3A_1479, %select_n3A_1476 : vector<16xi1>, vector<16xf32>
      %select_n3A_1486 = arith.select %gt3A_1484, %select_n3A_1480, %select_n3A_1477 : vector<16xi1>, vector<16xi32>
      %gt3A_1487 = arith.cmpf ogt, %select_n3A_1485, %select_n3A_1482 : vector<16xf32>
      %select_n3A_1488 = arith.select %gt3A_1487, %select_n3A_1485, %select_n3A_1482 : vector<16xi1>, vector<16xf32>
      %select_n3A_1489 = arith.select %gt3A_1487, %select_n3A_1486, %select_n3A_1483 : vector<16xi1>, vector<16xi32>
      %eq3A_1490 = arith.constant 0 : i32
      %eq3A_1491 = vector.broadcast %eq3A_1490 : i32 to vector<16xi32>
      %eq3A_1492 = arith.cmpi eq, %select_n3A_1381, %eq3A_1491 : vector<16xi32>
      %select_n3A_1493 = arith.select %eq3A_1492, %select_n3A_1488, %select_n3A_1308 : vector<16xi1>, vector<16xf32>
      %select_n3A_1494 = arith.select %eq3A_1492, %select_n3A_1489, %select_n3A_1309 : vector<16xi1>, vector<16xi32>
      %eq3A_1495 = arith.constant 1 : i32
      %eq3A_1496 = vector.broadcast %eq3A_1495 : i32 to vector<16xi32>
      %eq3A_1497 = arith.cmpi eq, %select_n3A_1381, %eq3A_1496 : vector<16xi32>
      %select_n3A_1498 = arith.select %eq3A_1497, %select_n3A_1488, %select_n3A_1313 : vector<16xi1>, vector<16xf32>
      %select_n3A_1499 = arith.select %eq3A_1497, %select_n3A_1489, %select_n3A_1314 : vector<16xi1>, vector<16xi32>
      %eq3A_1500 = arith.constant 2 : i32
      %eq3A_1501 = vector.broadcast %eq3A_1500 : i32 to vector<16xi32>
      %eq3A_1502 = arith.cmpi eq, %select_n3A_1381, %eq3A_1501 : vector<16xi32>
      %select_n3A_1503 = arith.select %eq3A_1502, %select_n3A_1488, %select_n3A_1318 : vector<16xi1>, vector<16xf32>
      %select_n3A_1504 = arith.select %eq3A_1502, %select_n3A_1489, %select_n3A_1319 : vector<16xi1>, vector<16xi32>
      %eq3A_1505 = arith.constant 3 : i32
      %eq3A_1506 = vector.broadcast %eq3A_1505 : i32 to vector<16xi32>
      %eq3A_1507 = arith.cmpi eq, %select_n3A_1381, %eq3A_1506 : vector<16xi32>
      %select_n3A_1508 = arith.select %eq3A_1507, %select_n3A_1488, %select_n3A_1323 : vector<16xi1>, vector<16xf32>
      %select_n3A_1509 = arith.select %eq3A_1507, %select_n3A_1489, %select_n3A_1324 : vector<16xi1>, vector<16xi32>
      %eq3A_1510 = arith.constant 4 : i32
      %eq3A_1511 = vector.broadcast %eq3A_1510 : i32 to vector<16xi32>
      %eq3A_1512 = arith.cmpi eq, %select_n3A_1381, %eq3A_1511 : vector<16xi32>
      %select_n3A_1513 = arith.select %eq3A_1512, %select_n3A_1488, %select_n3A_1328 : vector<16xi1>, vector<16xf32>
      %select_n3A_1514 = arith.select %eq3A_1512, %select_n3A_1489, %select_n3A_1329 : vector<16xi1>, vector<16xi32>
      %eq3A_1515 = arith.constant 5 : i32
      %eq3A_1516 = vector.broadcast %eq3A_1515 : i32 to vector<16xi32>
      %eq3A_1517 = arith.cmpi eq, %select_n3A_1381, %eq3A_1516 : vector<16xi32>
      %select_n3A_1518 = arith.select %eq3A_1517, %select_n3A_1488, %select_n3A_1333 : vector<16xi1>, vector<16xf32>
      %select_n3A_1519 = arith.select %eq3A_1517, %select_n3A_1489, %select_n3A_1334 : vector<16xi1>, vector<16xi32>
      %eq3A_1520 = arith.constant 6 : i32
      %eq3A_1521 = vector.broadcast %eq3A_1520 : i32 to vector<16xi32>
      %eq3A_1522 = arith.cmpi eq, %select_n3A_1381, %eq3A_1521 : vector<16xi32>
      %select_n3A_1523 = arith.select %eq3A_1522, %select_n3A_1488, %select_n3A_1338 : vector<16xi1>, vector<16xf32>
      %select_n3A_1524 = arith.select %eq3A_1522, %select_n3A_1489, %select_n3A_1339 : vector<16xi1>, vector<16xi32>
      %eq3A_1525 = arith.constant 7 : i32
      %eq3A_1526 = vector.broadcast %eq3A_1525 : i32 to vector<16xi32>
      %eq3A_1527 = arith.cmpi eq, %select_n3A_1381, %eq3A_1526 : vector<16xi32>
      %select_n3A_1528 = arith.select %eq3A_1527, %select_n3A_1488, %select_n3A_1343 : vector<16xi1>, vector<16xf32>
      %select_n3A_1529 = arith.select %eq3A_1527, %select_n3A_1489, %select_n3A_1344 : vector<16xi1>, vector<16xi32>
      %broadcast_in_dim3A_1530 = arith.constant 0 : i32
      %broadcast_in_dim3A_1531 = vector.broadcast %broadcast_in_dim3A_1530 : i32 to vector<16xi32>
      %broadcast_in_dim3A_1532 = arith.constant 1 : i32
      %broadcast_in_dim3A_1533 = vector.broadcast %broadcast_in_dim3A_1532 : i32 to vector<16xi32>
      %broadcast_in_dim3A_1534 = arith.constant 2 : i32
      %broadcast_in_dim3A_1535 = vector.broadcast %broadcast_in_dim3A_1534 : i32 to vector<16xi32>
      %broadcast_in_dim3A_1536 = arith.constant 3 : i32
      %broadcast_in_dim3A_1537 = vector.broadcast %broadcast_in_dim3A_1536 : i32 to vector<16xi32>
      %broadcast_in_dim3A_1538 = arith.constant 4 : i32
      %broadcast_in_dim3A_1539 = vector.broadcast %broadcast_in_dim3A_1538 : i32 to vector<16xi32>
      %broadcast_in_dim3A_1540 = arith.constant 5 : i32
      %broadcast_in_dim3A_1541 = vector.broadcast %broadcast_in_dim3A_1540 : i32 to vector<16xi32>
      %broadcast_in_dim3A_1542 = arith.constant 6 : i32
      %broadcast_in_dim3A_1543 = vector.broadcast %broadcast_in_dim3A_1542 : i32 to vector<16xi32>
      %broadcast_in_dim3A_1544 = arith.constant 7 : i32
      %broadcast_in_dim3A_1545 = vector.broadcast %broadcast_in_dim3A_1544 : i32 to vector<16xi32>
      %gt3A_1546 = arith.cmpf ogt, %select_n3A_1498, %select_n3A_1493 : vector<16xf32>
      %select_n3A_1547 = arith.select %gt3A_1546, %select_n3A_1498, %select_n3A_1493 : vector<16xi1>, vector<16xf32>
      %select_n3A_1548 = arith.select %gt3A_1546, %broadcast_in_dim3A_1533, %broadcast_in_dim3A_1531 : vector<16xi1>, vector<16xi32>
      %gt3A_1549 = arith.cmpf ogt, %select_n3A_1508, %select_n3A_1503 : vector<16xf32>
      %select_n3A_1550 = arith.select %gt3A_1549, %select_n3A_1508, %select_n3A_1503 : vector<16xi1>, vector<16xf32>
      %select_n3A_1551 = arith.select %gt3A_1549, %broadcast_in_dim3A_1537, %broadcast_in_dim3A_1535 : vector<16xi1>, vector<16xi32>
      %gt3A_1552 = arith.cmpf ogt, %select_n3A_1518, %select_n3A_1513 : vector<16xf32>
      %select_n3A_1553 = arith.select %gt3A_1552, %select_n3A_1518, %select_n3A_1513 : vector<16xi1>, vector<16xf32>
      %select_n3A_1554 = arith.select %gt3A_1552, %broadcast_in_dim3A_1541, %broadcast_in_dim3A_1539 : vector<16xi1>, vector<16xi32>
      %gt3A_1555 = arith.cmpf ogt, %select_n3A_1528, %select_n3A_1523 : vector<16xf32>
      %select_n3A_1556 = arith.select %gt3A_1555, %select_n3A_1528, %select_n3A_1523 : vector<16xi1>, vector<16xf32>
      %select_n3A_1557 = arith.select %gt3A_1555, %broadcast_in_dim3A_1545, %broadcast_in_dim3A_1543 : vector<16xi1>, vector<16xi32>
      %gt3A_1558 = arith.cmpf ogt, %select_n3A_1550, %select_n3A_1547 : vector<16xf32>
      %select_n3A_1559 = arith.select %gt3A_1558, %select_n3A_1550, %select_n3A_1547 : vector<16xi1>, vector<16xf32>
      %select_n3A_1560 = arith.select %gt3A_1558, %select_n3A_1551, %select_n3A_1548 : vector<16xi1>, vector<16xi32>
      %gt3A_1561 = arith.cmpf ogt, %select_n3A_1556, %select_n3A_1553 : vector<16xf32>
      %select_n3A_1562 = arith.select %gt3A_1561, %select_n3A_1556, %select_n3A_1553 : vector<16xi1>, vector<16xf32>
      %select_n3A_1563 = arith.select %gt3A_1561, %select_n3A_1557, %select_n3A_1554 : vector<16xi1>, vector<16xi32>
      %gt3A_1564 = arith.cmpf ogt, %select_n3A_1562, %select_n3A_1559 : vector<16xf32>
      %select_n3A_1565 = arith.select %gt3A_1564, %select_n3A_1562, %select_n3A_1559 : vector<16xi1>, vector<16xf32>
      %select_n3A_1566 = arith.select %gt3A_1564, %select_n3A_1563, %select_n3A_1560 : vector<16xi1>, vector<16xi32>
      %eq3A_1567 = arith.constant 1 : i32
      %eq3A_1568 = vector.broadcast %eq3A_1567 : i32 to vector<16xi32>
      %eq3A_1569 = arith.cmpi eq, %select_n3A_1566, %eq3A_1568 : vector<16xi32>
      %select_n3A_1570 = arith.select %eq3A_1569, %select_n3A_1499, %select_n3A_1494 : vector<16xi1>, vector<16xi32>
      %eq3A_1571 = arith.constant 2 : i32
      %eq3A_1572 = vector.broadcast %eq3A_1571 : i32 to vector<16xi32>
      %eq3A_1573 = arith.cmpi eq, %select_n3A_1566, %eq3A_1572 : vector<16xi32>
      %select_n3A_1574 = arith.select %eq3A_1573, %select_n3A_1504, %select_n3A_1570 : vector<16xi1>, vector<16xi32>
      %eq3A_1575 = arith.constant 3 : i32
      %eq3A_1576 = vector.broadcast %eq3A_1575 : i32 to vector<16xi32>
      %eq3A_1577 = arith.cmpi eq, %select_n3A_1566, %eq3A_1576 : vector<16xi32>
      %select_n3A_1578 = arith.select %eq3A_1577, %select_n3A_1509, %select_n3A_1574 : vector<16xi1>, vector<16xi32>
      %eq3A_1579 = arith.constant 4 : i32
      %eq3A_1580 = vector.broadcast %eq3A_1579 : i32 to vector<16xi32>
      %eq3A_1581 = arith.cmpi eq, %select_n3A_1566, %eq3A_1580 : vector<16xi32>
      %select_n3A_1582 = arith.select %eq3A_1581, %select_n3A_1514, %select_n3A_1578 : vector<16xi1>, vector<16xi32>
      %eq3A_1583 = arith.constant 5 : i32
      %eq3A_1584 = vector.broadcast %eq3A_1583 : i32 to vector<16xi32>
      %eq3A_1585 = arith.cmpi eq, %select_n3A_1566, %eq3A_1584 : vector<16xi32>
      %select_n3A_1586 = arith.select %eq3A_1585, %select_n3A_1519, %select_n3A_1582 : vector<16xi1>, vector<16xi32>
      %eq3A_1587 = arith.constant 6 : i32
      %eq3A_1588 = vector.broadcast %eq3A_1587 : i32 to vector<16xi32>
      %eq3A_1589 = arith.cmpi eq, %select_n3A_1566, %eq3A_1588 : vector<16xi32>
      %select_n3A_1590 = arith.select %eq3A_1589, %select_n3A_1524, %select_n3A_1586 : vector<16xi1>, vector<16xi32>
      %eq3A_1591 = arith.constant 7 : i32
      %eq3A_1592 = vector.broadcast %eq3A_1591 : i32 to vector<16xi32>
      %eq3A_1593 = arith.cmpi eq, %select_n3A_1566, %eq3A_1592 : vector<16xi32>
      %select_n3A_1594 = arith.select %eq3A_1593, %select_n3A_1529, %select_n3A_1590 : vector<16xi1>, vector<16xi32>
      tpu.vector_store_idx %arg5[%select_n3A_1594, %add3A_17], %broadcast_in_dim3A_3 : memref<64x256xf32, #tpu.memory_space<vmem>>[vector<16xi32>, vector<16xi32>], vector<16xf32>,
      %mul3A_1595 = arith.constant 8 : i32
      %mul3A_1596 = vector.broadcast %mul3A_1595 : i32 to vector<16xi32>
      %mul3A_1597 = arith.muli %select_n3A_1566, %mul3A_1596 : vector<16xi32>
      %add3A_1598 = arith.constant 0 : i32
      %add3A_1599 = vector.broadcast %add3A_1598 : i32 to vector<16xi32>
      %add3A_1600 = arith.addi %mul3A_1597, %add3A_1599 : vector<16xi32>
      %gather3A_1601 = tpu.vector_load_idx %arg5[%add3A_1600, %add3A_17] : memref<64x256xf32, #tpu.memory_space<vmem>>[vector<16xi32>, vector<16xi32>], vector<16xf32>,
      %add3A_1602 = arith.constant 1 : i32
      %add3A_1603 = vector.broadcast %add3A_1602 : i32 to vector<16xi32>
      %add3A_1604 = arith.addi %mul3A_1597, %add3A_1603 : vector<16xi32>
      %gather3A_1605 = tpu.vector_load_idx %arg5[%add3A_1604, %add3A_17] : memref<64x256xf32, #tpu.memory_space<vmem>>[vector<16xi32>, vector<16xi32>], vector<16xf32>,
      %add3A_1606 = arith.constant 2 : i32
      %add3A_1607 = vector.broadcast %add3A_1606 : i32 to vector<16xi32>
      %add3A_1608 = arith.addi %mul3A_1597, %add3A_1607 : vector<16xi32>
      %gather3A_1609 = tpu.vector_load_idx %arg5[%add3A_1608, %add3A_17] : memref<64x256xf32, #tpu.memory_space<vmem>>[vector<16xi32>, vector<16xi32>], vector<16xf32>,
      %add3A_1610 = arith.constant 3 : i32
      %add3A_1611 = vector.broadcast %add3A_1610 : i32 to vector<16xi32>
      %add3A_1612 = arith.addi %mul3A_1597, %add3A_1611 : vector<16xi32>
      %gather3A_1613 = tpu.vector_load_idx %arg5[%add3A_1612, %add3A_17] : memref<64x256xf32, #tpu.memory_space<vmem>>[vector<16xi32>, vector<16xi32>], vector<16xf32>,
      %add3A_1614 = arith.constant 4 : i32
      %add3A_1615 = vector.broadcast %add3A_1614 : i32 to vector<16xi32>
      %add3A_1616 = arith.addi %mul3A_1597, %add3A_1615 : vector<16xi32>
      %gather3A_1617 = tpu.vector_load_idx %arg5[%add3A_1616, %add3A_17] : memref<64x256xf32, #tpu.memory_space<vmem>>[vector<16xi32>, vector<16xi32>], vector<16xf32>,
      %add3A_1618 = arith.constant 5 : i32
      %add3A_1619 = vector.broadcast %add3A_1618 : i32 to vector<16xi32>
      %add3A_1620 = arith.addi %mul3A_1597, %add3A_1619 : vector<16xi32>
      %gather3A_1621 = tpu.vector_load_idx %arg5[%add3A_1620, %add3A_17] : memref<64x256xf32, #tpu.memory_space<vmem>>[vector<16xi32>, vector<16xi32>], vector<16xf32>,
      %add3A_1622 = arith.constant 6 : i32
      %add3A_1623 = vector.broadcast %add3A_1622 : i32 to vector<16xi32>
      %add3A_1624 = arith.addi %mul3A_1597, %add3A_1623 : vector<16xi32>
      %gather3A_1625 = tpu.vector_load_idx %arg5[%add3A_1624, %add3A_17] : memref<64x256xf32, #tpu.memory_space<vmem>>[vector<16xi32>, vector<16xi32>], vector<16xf32>,
      %add3A_1626 = arith.constant 7 : i32
      %add3A_1627 = vector.broadcast %add3A_1626 : i32 to vector<16xi32>
      %add3A_1628 = arith.addi %mul3A_1597, %add3A_1627 : vector<16xi32>
      %gather3A_1629 = tpu.vector_load_idx %arg5[%add3A_1628, %add3A_17] : memref<64x256xf32, #tpu.memory_space<vmem>>[vector<16xi32>, vector<16xi32>], vector<16xf32>,
      %add3A_1630 = arith.constant 0 : i32
      %add3A_1631 = vector.broadcast %add3A_1630 : i32 to vector<16xi32>
      %add3A_1632 = arith.addi %mul3A_1597, %add3A_1631 : vector<16xi32>
      %add3A_1633 = arith.constant 1 : i32
      %add3A_1634 = vector.broadcast %add3A_1633 : i32 to vector<16xi32>
      %add3A_1635 = arith.addi %mul3A_1597, %add3A_1634 : vector<16xi32>
      %add3A_1636 = arith.constant 2 : i32
      %add3A_1637 = vector.broadcast %add3A_1636 : i32 to vector<16xi32>
      %add3A_1638 = arith.addi %mul3A_1597, %add3A_1637 : vector<16xi32>
      %add3A_1639 = arith.constant 3 : i32
      %add3A_1640 = vector.broadcast %add3A_1639 : i32 to vector<16xi32>
      %add3A_1641 = arith.addi %mul3A_1597, %add3A_1640 : vector<16xi32>
      %add3A_1642 = arith.constant 4 : i32
      %add3A_1643 = vector.broadcast %add3A_1642 : i32 to vector<16xi32>
      %add3A_1644 = arith.addi %mul3A_1597, %add3A_1643 : vector<16xi32>
      %add3A_1645 = arith.constant 5 : i32
      %add3A_1646 = vector.broadcast %add3A_1645 : i32 to vector<16xi32>
      %add3A_1647 = arith.addi %mul3A_1597, %add3A_1646 : vector<16xi32>
      %add3A_1648 = arith.constant 6 : i32
      %add3A_1649 = vector.broadcast %add3A_1648 : i32 to vector<16xi32>
      %add3A_1650 = arith.addi %mul3A_1597, %add3A_1649 : vector<16xi32>
      %add3A_1651 = arith.constant 7 : i32
      %add3A_1652 = vector.broadcast %add3A_1651 : i32 to vector<16xi32>
      %add3A_1653 = arith.addi %mul3A_1597, %add3A_1652 : vector<16xi32>
      %gt3A_1654 = arith.cmpf ogt, %gather3A_1605, %gather3A_1601 : vector<16xf32>
      %select_n3A_1655 = arith.select %gt3A_1654, %gather3A_1605, %gather3A_1601 : vector<16xi1>, vector<16xf32>
      %select_n3A_1656 = arith.select %gt3A_1654, %add3A_1635, %add3A_1632 : vector<16xi1>, vector<16xi32>
      %gt3A_1657 = arith.cmpf ogt, %gather3A_1613, %gather3A_1609 : vector<16xf32>
      %select_n3A_1658 = arith.select %gt3A_1657, %gather3A_1613, %gather3A_1609 : vector<16xi1>, vector<16xf32>
      %select_n3A_1659 = arith.select %gt3A_1657, %add3A_1641, %add3A_1638 : vector<16xi1>, vector<16xi32>
      %gt3A_1660 = arith.cmpf ogt, %gather3A_1621, %gather3A_1617 : vector<16xf32>
      %select_n3A_1661 = arith.select %gt3A_1660, %gather3A_1621, %gather3A_1617 : vector<16xi1>, vector<16xf32>
      %select_n3A_1662 = arith.select %gt3A_1660, %add3A_1647, %add3A_1644 : vector<16xi1>, vector<16xi32>
      %gt3A_1663 = arith.cmpf ogt, %gather3A_1629, %gather3A_1625 : vector<16xf32>
      %select_n3A_1664 = arith.select %gt3A_1663, %gather3A_1629, %gather3A_1625 : vector<16xi1>, vector<16xf32>
      %select_n3A_1665 = arith.select %gt3A_1663, %add3A_1653, %add3A_1650 : vector<16xi1>, vector<16xi32>
      %gt3A_1666 = arith.cmpf ogt, %select_n3A_1658, %select_n3A_1655 : vector<16xf32>
      %select_n3A_1667 = arith.select %gt3A_1666, %select_n3A_1658, %select_n3A_1655 : vector<16xi1>, vector<16xf32>
      %select_n3A_1668 = arith.select %gt3A_1666, %select_n3A_1659, %select_n3A_1656 : vector<16xi1>, vector<16xi32>
      %gt3A_1669 = arith.cmpf ogt, %select_n3A_1664, %select_n3A_1661 : vector<16xf32>
      %select_n3A_1670 = arith.select %gt3A_1669, %select_n3A_1664, %select_n3A_1661 : vector<16xi1>, vector<16xf32>
      %select_n3A_1671 = arith.select %gt3A_1669, %select_n3A_1665, %select_n3A_1662 : vector<16xi1>, vector<16xi32>
      %gt3A_1672 = arith.cmpf ogt, %select_n3A_1670, %select_n3A_1667 : vector<16xf32>
      %select_n3A_1673 = arith.select %gt3A_1672, %select_n3A_1670, %select_n3A_1667 : vector<16xi1>, vector<16xf32>
      %select_n3A_1674 = arith.select %gt3A_1672, %select_n3A_1671, %select_n3A_1668 : vector<16xi1>, vector<16xi32>
      %eq3A_1675 = arith.constant 0 : i32
      %eq3A_1676 = vector.broadcast %eq3A_1675 : i32 to vector<16xi32>
      %eq3A_1677 = arith.cmpi eq, %select_n3A_1566, %eq3A_1676 : vector<16xi32>
      %select_n3A_1678 = arith.select %eq3A_1677, %select_n3A_1673, %select_n3A_1493 : vector<16xi1>, vector<16xf32>
      %select_n3A_1679 = arith.select %eq3A_1677, %select_n3A_1674, %select_n3A_1494 : vector<16xi1>, vector<16xi32>
      %eq3A_1680 = arith.constant 1 : i32
      %eq3A_1681 = vector.broadcast %eq3A_1680 : i32 to vector<16xi32>
      %eq3A_1682 = arith.cmpi eq, %select_n3A_1566, %eq3A_1681 : vector<16xi32>
      %select_n3A_1683 = arith.select %eq3A_1682, %select_n3A_1673, %select_n3A_1498 : vector<16xi1>, vector<16xf32>
      %select_n3A_1684 = arith.select %eq3A_1682, %select_n3A_1674, %select_n3A_1499 : vector<16xi1>, vector<16xi32>
      %eq3A_1685 = arith.constant 2 : i32
      %eq3A_1686 = vector.broadcast %eq3A_1685 : i32 to vector<16xi32>
      %eq3A_1687 = arith.cmpi eq, %select_n3A_1566, %eq3A_1686 : vector<16xi32>
      %select_n3A_1688 = arith.select %eq3A_1687, %select_n3A_1673, %select_n3A_1503 : vector<16xi1>, vector<16xf32>
      %select_n3A_1689 = arith.select %eq3A_1687, %select_n3A_1674, %select_n3A_1504 : vector<16xi1>, vector<16xi32>
      %eq3A_1690 = arith.constant 3 : i32
      %eq3A_1691 = vector.broadcast %eq3A_1690 : i32 to vector<16xi32>
      %eq3A_1692 = arith.cmpi eq, %select_n3A_1566, %eq3A_1691 : vector<16xi32>
      %select_n3A_1693 = arith.select %eq3A_1692, %select_n3A_1673, %select_n3A_1508 : vector<16xi1>, vector<16xf32>
      %select_n3A_1694 = arith.select %eq3A_1692, %select_n3A_1674, %select_n3A_1509 : vector<16xi1>, vector<16xi32>
      %eq3A_1695 = arith.constant 4 : i32
      %eq3A_1696 = vector.broadcast %eq3A_1695 : i32 to vector<16xi32>
      %eq3A_1697 = arith.cmpi eq, %select_n3A_1566, %eq3A_1696 : vector<16xi32>
      %select_n3A_1698 = arith.select %eq3A_1697, %select_n3A_1673, %select_n3A_1513 : vector<16xi1>, vector<16xf32>
      %select_n3A_1699 = arith.select %eq3A_1697, %select_n3A_1674, %select_n3A_1514 : vector<16xi1>, vector<16xi32>
      %eq3A_1700 = arith.constant 5 : i32
      %eq3A_1701 = vector.broadcast %eq3A_1700 : i32 to vector<16xi32>
      %eq3A_1702 = arith.cmpi eq, %select_n3A_1566, %eq3A_1701 : vector<16xi32>
      %select_n3A_1703 = arith.select %eq3A_1702, %select_n3A_1673, %select_n3A_1518 : vector<16xi1>, vector<16xf32>
      %select_n3A_1704 = arith.select %eq3A_1702, %select_n3A_1674, %select_n3A_1519 : vector<16xi1>, vector<16xi32>
      %eq3A_1705 = arith.constant 6 : i32
      %eq3A_1706 = vector.broadcast %eq3A_1705 : i32 to vector<16xi32>
      %eq3A_1707 = arith.cmpi eq, %select_n3A_1566, %eq3A_1706 : vector<16xi32>
      %select_n3A_1708 = arith.select %eq3A_1707, %select_n3A_1673, %select_n3A_1523 : vector<16xi1>, vector<16xf32>
      %select_n3A_1709 = arith.select %eq3A_1707, %select_n3A_1674, %select_n3A_1524 : vector<16xi1>, vector<16xi32>
      %eq3A_1710 = arith.constant 7 : i32
      %eq3A_1711 = vector.broadcast %eq3A_1710 : i32 to vector<16xi32>
      %eq3A_1712 = arith.cmpi eq, %select_n3A_1566, %eq3A_1711 : vector<16xi32>
      %select_n3A_1713 = arith.select %eq3A_1712, %select_n3A_1673, %select_n3A_1528 : vector<16xi1>, vector<16xf32>
      %select_n3A_1714 = arith.select %eq3A_1712, %select_n3A_1674, %select_n3A_1529 : vector<16xi1>, vector<16xi32>
      %broadcast_in_dim3A_1715 = arith.constant 0 : i32
      %broadcast_in_dim3A_1716 = vector.broadcast %broadcast_in_dim3A_1715 : i32 to vector<16xi32>
      %broadcast_in_dim3A_1717 = arith.constant 1 : i32
      %broadcast_in_dim3A_1718 = vector.broadcast %broadcast_in_dim3A_1717 : i32 to vector<16xi32>
      %broadcast_in_dim3A_1719 = arith.constant 2 : i32
      %broadcast_in_dim3A_1720 = vector.broadcast %broadcast_in_dim3A_1719 : i32 to vector<16xi32>
      %broadcast_in_dim3A_1721 = arith.constant 3 : i32
      %broadcast_in_dim3A_1722 = vector.broadcast %broadcast_in_dim3A_1721 : i32 to vector<16xi32>
      %broadcast_in_dim3A_1723 = arith.constant 4 : i32
      %broadcast_in_dim3A_1724 = vector.broadcast %broadcast_in_dim3A_1723 : i32 to vector<16xi32>
      %broadcast_in_dim3A_1725 = arith.constant 5 : i32
      %broadcast_in_dim3A_1726 = vector.broadcast %broadcast_in_dim3A_1725 : i32 to vector<16xi32>
      %broadcast_in_dim3A_1727 = arith.constant 6 : i32
      %broadcast_in_dim3A_1728 = vector.broadcast %broadcast_in_dim3A_1727 : i32 to vector<16xi32>
      %broadcast_in_dim3A_1729 = arith.constant 7 : i32
      %broadcast_in_dim3A_1730 = vector.broadcast %broadcast_in_dim3A_1729 : i32 to vector<16xi32>
      %gt3A_1731 = arith.cmpf ogt, %select_n3A_1683, %select_n3A_1678 : vector<16xf32>
      %select_n3A_1732 = arith.select %gt3A_1731, %select_n3A_1683, %select_n3A_1678 : vector<16xi1>, vector<16xf32>
      %select_n3A_1733 = arith.select %gt3A_1731, %broadcast_in_dim3A_1718, %broadcast_in_dim3A_1716 : vector<16xi1>, vector<16xi32>
      %gt3A_1734 = arith.cmpf ogt, %select_n3A_1693, %select_n3A_1688 : vector<16xf32>
      %select_n3A_1735 = arith.select %gt3A_1734, %select_n3A_1693, %select_n3A_1688 : vector<16xi1>, vector<16xf32>
      %select_n3A_1736 = arith.select %gt3A_1734, %broadcast_in_dim3A_1722, %broadcast_in_dim3A_1720 : vector<16xi1>, vector<16xi32>
      %gt3A_1737 = arith.cmpf ogt, %select_n3A_1703, %select_n3A_1698 : vector<16xf32>
      %select_n3A_1738 = arith.select %gt3A_1737, %select_n3A_1703, %select_n3A_1698 : vector<16xi1>, vector<16xf32>
      %select_n3A_1739 = arith.select %gt3A_1737, %broadcast_in_dim3A_1726, %broadcast_in_dim3A_1724 : vector<16xi1>, vector<16xi32>
      %gt3A_1740 = arith.cmpf ogt, %select_n3A_1713, %select_n3A_1708 : vector<16xf32>
      %select_n3A_1741 = arith.select %gt3A_1740, %select_n3A_1713, %select_n3A_1708 : vector<16xi1>, vector<16xf32>
      %select_n3A_1742 = arith.select %gt3A_1740, %broadcast_in_dim3A_1730, %broadcast_in_dim3A_1728 : vector<16xi1>, vector<16xi32>
      %gt3A_1743 = arith.cmpf ogt, %select_n3A_1735, %select_n3A_1732 : vector<16xf32>
      %select_n3A_1744 = arith.select %gt3A_1743, %select_n3A_1735, %select_n3A_1732 : vector<16xi1>, vector<16xf32>
      %select_n3A_1745 = arith.select %gt3A_1743, %select_n3A_1736, %select_n3A_1733 : vector<16xi1>, vector<16xi32>
      %gt3A_1746 = arith.cmpf ogt, %select_n3A_1741, %select_n3A_1738 : vector<16xf32>
      %select_n3A_1747 = arith.select %gt3A_1746, %select_n3A_1741, %select_n3A_1738 : vector<16xi1>, vector<16xf32>
      %select_n3A_1748 = arith.select %gt3A_1746, %select_n3A_1742, %select_n3A_1739 : vector<16xi1>, vector<16xi32>
      %gt3A_1749 = arith.cmpf ogt, %select_n3A_1747, %select_n3A_1744 : vector<16xf32>
      %select_n3A_1750 = arith.select %gt3A_1749, %select_n3A_1747, %select_n3A_1744 : vector<16xi1>, vector<16xf32>
      %select_n3A_1751 = arith.select %gt3A_1749, %select_n3A_1748, %select_n3A_1745 : vector<16xi1>, vector<16xi32>
      %eq3A_1752 = arith.constant 1 : i32
      %eq3A_1753 = vector.broadcast %eq3A_1752 : i32 to vector<16xi32>
      %eq3A_1754 = arith.cmpi eq, %select_n3A_1751, %eq3A_1753 : vector<16xi32>
      %select_n3A_1755 = arith.select %eq3A_1754, %select_n3A_1684, %select_n3A_1679 : vector<16xi1>, vector<16xi32>
      %eq3A_1756 = arith.constant 2 : i32
      %eq3A_1757 = vector.broadcast %eq3A_1756 : i32 to vector<16xi32>
      %eq3A_1758 = arith.cmpi eq, %select_n3A_1751, %eq3A_1757 : vector<16xi32>
      %select_n3A_1759 = arith.select %eq3A_1758, %select_n3A_1689, %select_n3A_1755 : vector<16xi1>, vector<16xi32>
      %eq3A_1760 = arith.constant 3 : i32
      %eq3A_1761 = vector.broadcast %eq3A_1760 : i32 to vector<16xi32>
      %eq3A_1762 = arith.cmpi eq, %select_n3A_1751, %eq3A_1761 : vector<16xi32>
      %select_n3A_1763 = arith.select %eq3A_1762, %select_n3A_1694, %select_n3A_1759 : vector<16xi1>, vector<16xi32>
      %eq3A_1764 = arith.constant 4 : i32
      %eq3A_1765 = vector.broadcast %eq3A_1764 : i32 to vector<16xi32>
      %eq3A_1766 = arith.cmpi eq, %select_n3A_1751, %eq3A_1765 : vector<16xi32>
      %select_n3A_1767 = arith.select %eq3A_1766, %select_n3A_1699, %select_n3A_1763 : vector<16xi1>, vector<16xi32>
      %eq3A_1768 = arith.constant 5 : i32
      %eq3A_1769 = vector.broadcast %eq3A_1768 : i32 to vector<16xi32>
      %eq3A_1770 = arith.cmpi eq, %select_n3A_1751, %eq3A_1769 : vector<16xi32>
      %select_n3A_1771 = arith.select %eq3A_1770, %select_n3A_1704, %select_n3A_1767 : vector<16xi1>, vector<16xi32>
      %eq3A_1772 = arith.constant 6 : i32
      %eq3A_1773 = vector.broadcast %eq3A_1772 : i32 to vector<16xi32>
      %eq3A_1774 = arith.cmpi eq, %select_n3A_1751, %eq3A_1773 : vector<16xi32>
      %select_n3A_1775 = arith.select %eq3A_1774, %select_n3A_1709, %select_n3A_1771 : vector<16xi1>, vector<16xi32>
      %eq3A_1776 = arith.constant 7 : i32
      %eq3A_1777 = vector.broadcast %eq3A_1776 : i32 to vector<16xi32>
      %eq3A_1778 = arith.cmpi eq, %select_n3A_1751, %eq3A_1777 : vector<16xi32>
      %select_n3A_1779 = arith.select %eq3A_1778, %select_n3A_1714, %select_n3A_1775 : vector<16xi1>, vector<16xi32>
      tpu.vector_store_idx %arg5[%select_n3A_1779, %add3A_17], %broadcast_in_dim3A_3 : memref<64x256xf32, #tpu.memory_space<vmem>>[vector<16xi32>, vector<16xi32>], vector<16xf32>,
      %mul3A_1780 = arith.constant 8 : i32
      %mul3A_1781 = vector.broadcast %mul3A_1780 : i32 to vector<16xi32>
      %mul3A_1782 = arith.muli %select_n3A_1751, %mul3A_1781 : vector<16xi32>
      %add3A_1783 = arith.constant 0 : i32
      %add3A_1784 = vector.broadcast %add3A_1783 : i32 to vector<16xi32>
      %add3A_1785 = arith.addi %mul3A_1782, %add3A_1784 : vector<16xi32>
      %gather3A_1786 = tpu.vector_load_idx %arg5[%add3A_1785, %add3A_17] : memref<64x256xf32, #tpu.memory_space<vmem>>[vector<16xi32>, vector<16xi32>], vector<16xf32>,
      %add3A_1787 = arith.constant 1 : i32
      %add3A_1788 = vector.broadcast %add3A_1787 : i32 to vector<16xi32>
      %add3A_1789 = arith.addi %mul3A_1782, %add3A_1788 : vector<16xi32>
      %gather3A_1790 = tpu.vector_load_idx %arg5[%add3A_1789, %add3A_17] : memref<64x256xf32, #tpu.memory_space<vmem>>[vector<16xi32>, vector<16xi32>], vector<16xf32>,
      %add3A_1791 = arith.constant 2 : i32
      %add3A_1792 = vector.broadcast %add3A_1791 : i32 to vector<16xi32>
      %add3A_1793 = arith.addi %mul3A_1782, %add3A_1792 : vector<16xi32>
      %gather3A_1794 = tpu.vector_load_idx %arg5[%add3A_1793, %add3A_17] : memref<64x256xf32, #tpu.memory_space<vmem>>[vector<16xi32>, vector<16xi32>], vector<16xf32>,
      %add3A_1795 = arith.constant 3 : i32
      %add3A_1796 = vector.broadcast %add3A_1795 : i32 to vector<16xi32>
      %add3A_1797 = arith.addi %mul3A_1782, %add3A_1796 : vector<16xi32>
      %gather3A_1798 = tpu.vector_load_idx %arg5[%add3A_1797, %add3A_17] : memref<64x256xf32, #tpu.memory_space<vmem>>[vector<16xi32>, vector<16xi32>], vector<16xf32>,
      %add3A_1799 = arith.constant 4 : i32
      %add3A_1800 = vector.broadcast %add3A_1799 : i32 to vector<16xi32>
      %add3A_1801 = arith.addi %mul3A_1782, %add3A_1800 : vector<16xi32>
      %gather3A_1802 = tpu.vector_load_idx %arg5[%add3A_1801, %add3A_17] : memref<64x256xf32, #tpu.memory_space<vmem>>[vector<16xi32>, vector<16xi32>], vector<16xf32>,
      %add3A_1803 = arith.constant 5 : i32
      %add3A_1804 = vector.broadcast %add3A_1803 : i32 to vector<16xi32>
      %add3A_1805 = arith.addi %mul3A_1782, %add3A_1804 : vector<16xi32>
      %gather3A_1806 = tpu.vector_load_idx %arg5[%add3A_1805, %add3A_17] : memref<64x256xf32, #tpu.memory_space<vmem>>[vector<16xi32>, vector<16xi32>], vector<16xf32>,
      %add3A_1807 = arith.constant 6 : i32
      %add3A_1808 = vector.broadcast %add3A_1807 : i32 to vector<16xi32>
      %add3A_1809 = arith.addi %mul3A_1782, %add3A_1808 : vector<16xi32>
      %gather3A_1810 = tpu.vector_load_idx %arg5[%add3A_1809, %add3A_17] : memref<64x256xf32, #tpu.memory_space<vmem>>[vector<16xi32>, vector<16xi32>], vector<16xf32>,
      %add3A_1811 = arith.constant 7 : i32
      %add3A_1812 = vector.broadcast %add3A_1811 : i32 to vector<16xi32>
      %add3A_1813 = arith.addi %mul3A_1782, %add3A_1812 : vector<16xi32>
      %gather3A_1814 = tpu.vector_load_idx %arg5[%add3A_1813, %add3A_17] : memref<64x256xf32, #tpu.memory_space<vmem>>[vector<16xi32>, vector<16xi32>], vector<16xf32>,
      %add3A_1815 = arith.constant 0 : i32
      %add3A_1816 = vector.broadcast %add3A_1815 : i32 to vector<16xi32>
      %add3A_1817 = arith.addi %mul3A_1782, %add3A_1816 : vector<16xi32>
      %add3A_1818 = arith.constant 1 : i32
      %add3A_1819 = vector.broadcast %add3A_1818 : i32 to vector<16xi32>
      %add3A_1820 = arith.addi %mul3A_1782, %add3A_1819 : vector<16xi32>
      %add3A_1821 = arith.constant 2 : i32
      %add3A_1822 = vector.broadcast %add3A_1821 : i32 to vector<16xi32>
      %add3A_1823 = arith.addi %mul3A_1782, %add3A_1822 : vector<16xi32>
      %add3A_1824 = arith.constant 3 : i32
      %add3A_1825 = vector.broadcast %add3A_1824 : i32 to vector<16xi32>
      %add3A_1826 = arith.addi %mul3A_1782, %add3A_1825 : vector<16xi32>
      %add3A_1827 = arith.constant 4 : i32
      %add3A_1828 = vector.broadcast %add3A_1827 : i32 to vector<16xi32>
      %add3A_1829 = arith.addi %mul3A_1782, %add3A_1828 : vector<16xi32>
      %add3A_1830 = arith.constant 5 : i32
      %add3A_1831 = vector.broadcast %add3A_1830 : i32 to vector<16xi32>
      %add3A_1832 = arith.addi %mul3A_1782, %add3A_1831 : vector<16xi32>
      %add3A_1833 = arith.constant 6 : i32
      %add3A_1834 = vector.broadcast %add3A_1833 : i32 to vector<16xi32>
      %add3A_1835 = arith.addi %mul3A_1782, %add3A_1834 : vector<16xi32>
      %add3A_1836 = arith.constant 7 : i32
      %add3A_1837 = vector.broadcast %add3A_1836 : i32 to vector<16xi32>
      %add3A_1838 = arith.addi %mul3A_1782, %add3A_1837 : vector<16xi32>
      %gt3A_1839 = arith.cmpf ogt, %gather3A_1790, %gather3A_1786 : vector<16xf32>
      %select_n3A_1840 = arith.select %gt3A_1839, %gather3A_1790, %gather3A_1786 : vector<16xi1>, vector<16xf32>
      %select_n3A_1841 = arith.select %gt3A_1839, %add3A_1820, %add3A_1817 : vector<16xi1>, vector<16xi32>
      %gt3A_1842 = arith.cmpf ogt, %gather3A_1798, %gather3A_1794 : vector<16xf32>
      %select_n3A_1843 = arith.select %gt3A_1842, %gather3A_1798, %gather3A_1794 : vector<16xi1>, vector<16xf32>
      %select_n3A_1844 = arith.select %gt3A_1842, %add3A_1826, %add3A_1823 : vector<16xi1>, vector<16xi32>
      %gt3A_1845 = arith.cmpf ogt, %gather3A_1806, %gather3A_1802 : vector<16xf32>
      %select_n3A_1846 = arith.select %gt3A_1845, %gather3A_1806, %gather3A_1802 : vector<16xi1>, vector<16xf32>
      %select_n3A_1847 = arith.select %gt3A_1845, %add3A_1832, %add3A_1829 : vector<16xi1>, vector<16xi32>
      %gt3A_1848 = arith.cmpf ogt, %gather3A_1814, %gather3A_1810 : vector<16xf32>
      %select_n3A_1849 = arith.select %gt3A_1848, %gather3A_1814, %gather3A_1810 : vector<16xi1>, vector<16xf32>
      %select_n3A_1850 = arith.select %gt3A_1848, %add3A_1838, %add3A_1835 : vector<16xi1>, vector<16xi32>
      %gt3A_1851 = arith.cmpf ogt, %select_n3A_1843, %select_n3A_1840 : vector<16xf32>
      %select_n3A_1852 = arith.select %gt3A_1851, %select_n3A_1843, %select_n3A_1840 : vector<16xi1>, vector<16xf32>
      %select_n3A_1853 = arith.select %gt3A_1851, %select_n3A_1844, %select_n3A_1841 : vector<16xi1>, vector<16xi32>
      %gt3A_1854 = arith.cmpf ogt, %select_n3A_1849, %select_n3A_1846 : vector<16xf32>
      %select_n3A_1855 = arith.select %gt3A_1854, %select_n3A_1849, %select_n3A_1846 : vector<16xi1>, vector<16xf32>
      %select_n3A_1856 = arith.select %gt3A_1854, %select_n3A_1850, %select_n3A_1847 : vector<16xi1>, vector<16xi32>
      %gt3A_1857 = arith.cmpf ogt, %select_n3A_1855, %select_n3A_1852 : vector<16xf32>
      %select_n3A_1858 = arith.select %gt3A_1857, %select_n3A_1855, %select_n3A_1852 : vector<16xi1>, vector<16xf32>
      %select_n3A_1859 = arith.select %gt3A_1857, %select_n3A_1856, %select_n3A_1853 : vector<16xi1>, vector<16xi32>
      %eq3A_1860 = arith.constant 0 : i32
      %eq3A_1861 = vector.broadcast %eq3A_1860 : i32 to vector<16xi32>
      %eq3A_1862 = arith.cmpi eq, %select_n3A_1751, %eq3A_1861 : vector<16xi32>
      %select_n3A_1863 = arith.select %eq3A_1862, %select_n3A_1858, %select_n3A_1678 : vector<16xi1>, vector<16xf32>
      %select_n3A_1864 = arith.select %eq3A_1862, %select_n3A_1859, %select_n3A_1679 : vector<16xi1>, vector<16xi32>
      %eq3A_1865 = arith.constant 1 : i32
      %eq3A_1866 = vector.broadcast %eq3A_1865 : i32 to vector<16xi32>
      %eq3A_1867 = arith.cmpi eq, %select_n3A_1751, %eq3A_1866 : vector<16xi32>
      %select_n3A_1868 = arith.select %eq3A_1867, %select_n3A_1858, %select_n3A_1683 : vector<16xi1>, vector<16xf32>
      %select_n3A_1869 = arith.select %eq3A_1867, %select_n3A_1859, %select_n3A_1684 : vector<16xi1>, vector<16xi32>
      %eq3A_1870 = arith.constant 2 : i32
      %eq3A_1871 = vector.broadcast %eq3A_1870 : i32 to vector<16xi32>
      %eq3A_1872 = arith.cmpi eq, %select_n3A_1751, %eq3A_1871 : vector<16xi32>
      %select_n3A_1873 = arith.select %eq3A_1872, %select_n3A_1858, %select_n3A_1688 : vector<16xi1>, vector<16xf32>
      %select_n3A_1874 = arith.select %eq3A_1872, %select_n3A_1859, %select_n3A_1689 : vector<16xi1>, vector<16xi32>
      %eq3A_1875 = arith.constant 3 : i32
      %eq3A_1876 = vector.broadcast %eq3A_1875 : i32 to vector<16xi32>
      %eq3A_1877 = arith.cmpi eq, %select_n3A_1751, %eq3A_1876 : vector<16xi32>
      %select_n3A_1878 = arith.select %eq3A_1877, %select_n3A_1858, %select_n3A_1693 : vector<16xi1>, vector<16xf32>
      %select_n3A_1879 = arith.select %eq3A_1877, %select_n3A_1859, %select_n3A_1694 : vector<16xi1>, vector<16xi32>
      %eq3A_1880 = arith.constant 4 : i32
      %eq3A_1881 = vector.broadcast %eq3A_1880 : i32 to vector<16xi32>
      %eq3A_1882 = arith.cmpi eq, %select_n3A_1751, %eq3A_1881 : vector<16xi32>
      %select_n3A_1883 = arith.select %eq3A_1882, %select_n3A_1858, %select_n3A_1698 : vector<16xi1>, vector<16xf32>
      %select_n3A_1884 = arith.select %eq3A_1882, %select_n3A_1859, %select_n3A_1699 : vector<16xi1>, vector<16xi32>
      %eq3A_1885 = arith.constant 5 : i32
      %eq3A_1886 = vector.broadcast %eq3A_1885 : i32 to vector<16xi32>
      %eq3A_1887 = arith.cmpi eq, %select_n3A_1751, %eq3A_1886 : vector<16xi32>
      %select_n3A_1888 = arith.select %eq3A_1887, %select_n3A_1858, %select_n3A_1703 : vector<16xi1>, vector<16xf32>
      %select_n3A_1889 = arith.select %eq3A_1887, %select_n3A_1859, %select_n3A_1704 : vector<16xi1>, vector<16xi32>
      %eq3A_1890 = arith.constant 6 : i32
      %eq3A_1891 = vector.broadcast %eq3A_1890 : i32 to vector<16xi32>
      %eq3A_1892 = arith.cmpi eq, %select_n3A_1751, %eq3A_1891 : vector<16xi32>
      %select_n3A_1893 = arith.select %eq3A_1892, %select_n3A_1858, %select_n3A_1708 : vector<16xi1>, vector<16xf32>
      %select_n3A_1894 = arith.select %eq3A_1892, %select_n3A_1859, %select_n3A_1709 : vector<16xi1>, vector<16xi32>
      %eq3A_1895 = arith.constant 7 : i32
      %eq3A_1896 = vector.broadcast %eq3A_1895 : i32 to vector<16xi32>
      %eq3A_1897 = arith.cmpi eq, %select_n3A_1751, %eq3A_1896 : vector<16xi32>
      %select_n3A_1898 = arith.select %eq3A_1897, %select_n3A_1858, %select_n3A_1713 : vector<16xi1>, vector<16xf32>
      %select_n3A_1899 = arith.select %eq3A_1897, %select_n3A_1859, %select_n3A_1714 : vector<16xi1>, vector<16xi32>
      %broadcast_in_dim3A_1900 = arith.constant 0 : i32
      %broadcast_in_dim3A_1901 = vector.broadcast %broadcast_in_dim3A_1900 : i32 to vector<16xi32>
      %broadcast_in_dim3A_1902 = arith.constant 1 : i32
      %broadcast_in_dim3A_1903 = vector.broadcast %broadcast_in_dim3A_1902 : i32 to vector<16xi32>
      %broadcast_in_dim3A_1904 = arith.constant 2 : i32
      %broadcast_in_dim3A_1905 = vector.broadcast %broadcast_in_dim3A_1904 : i32 to vector<16xi32>
      %broadcast_in_dim3A_1906 = arith.constant 3 : i32
      %broadcast_in_dim3A_1907 = vector.broadcast %broadcast_in_dim3A_1906 : i32 to vector<16xi32>
      %broadcast_in_dim3A_1908 = arith.constant 4 : i32
      %broadcast_in_dim3A_1909 = vector.broadcast %broadcast_in_dim3A_1908 : i32 to vector<16xi32>
      %broadcast_in_dim3A_1910 = arith.constant 5 : i32
      %broadcast_in_dim3A_1911 = vector.broadcast %broadcast_in_dim3A_1910 : i32 to vector<16xi32>
      %broadcast_in_dim3A_1912 = arith.constant 6 : i32
      %broadcast_in_dim3A_1913 = vector.broadcast %broadcast_in_dim3A_1912 : i32 to vector<16xi32>
      %broadcast_in_dim3A_1914 = arith.constant 7 : i32
      %broadcast_in_dim3A_1915 = vector.broadcast %broadcast_in_dim3A_1914 : i32 to vector<16xi32>
      %gt3A_1916 = arith.cmpf ogt, %select_n3A_1868, %select_n3A_1863 : vector<16xf32>
      %select_n3A_1917 = arith.select %gt3A_1916, %select_n3A_1868, %select_n3A_1863 : vector<16xi1>, vector<16xf32>
      %select_n3A_1918 = arith.select %gt3A_1916, %broadcast_in_dim3A_1903, %broadcast_in_dim3A_1901 : vector<16xi1>, vector<16xi32>
      %gt3A_1919 = arith.cmpf ogt, %select_n3A_1878, %select_n3A_1873 : vector<16xf32>
      %select_n3A_1920 = arith.select %gt3A_1919, %select_n3A_1878, %select_n3A_1873 : vector<16xi1>, vector<16xf32>
      %select_n3A_1921 = arith.select %gt3A_1919, %broadcast_in_dim3A_1907, %broadcast_in_dim3A_1905 : vector<16xi1>, vector<16xi32>
      %gt3A_1922 = arith.cmpf ogt, %select_n3A_1888, %select_n3A_1883 : vector<16xf32>
      %select_n3A_1923 = arith.select %gt3A_1922, %select_n3A_1888, %select_n3A_1883 : vector<16xi1>, vector<16xf32>
      %select_n3A_1924 = arith.select %gt3A_1922, %broadcast_in_dim3A_1911, %broadcast_in_dim3A_1909 : vector<16xi1>, vector<16xi32>
      %gt3A_1925 = arith.cmpf ogt, %select_n3A_1898, %select_n3A_1893 : vector<16xf32>
      %select_n3A_1926 = arith.select %gt3A_1925, %select_n3A_1898, %select_n3A_1893 : vector<16xi1>, vector<16xf32>
      %select_n3A_1927 = arith.select %gt3A_1925, %broadcast_in_dim3A_1915, %broadcast_in_dim3A_1913 : vector<16xi1>, vector<16xi32>
      %gt3A_1928 = arith.cmpf ogt, %select_n3A_1920, %select_n3A_1917 : vector<16xf32>
      %select_n3A_1929 = arith.select %gt3A_1928, %select_n3A_1920, %select_n3A_1917 : vector<16xi1>, vector<16xf32>
      %select_n3A_1930 = arith.select %gt3A_1928, %select_n3A_1921, %select_n3A_1918 : vector<16xi1>, vector<16xi32>
      %gt3A_1931 = arith.cmpf ogt, %select_n3A_1926, %select_n3A_1923 : vector<16xf32>
      %select_n3A_1932 = arith.select %gt3A_1931, %select_n3A_1926, %select_n3A_1923 : vector<16xi1>, vector<16xf32>
      %select_n3A_1933 = arith.select %gt3A_1931, %select_n3A_1927, %select_n3A_1924 : vector<16xi1>, vector<16xi32>
      %gt3A_1934 = arith.cmpf ogt, %select_n3A_1932, %select_n3A_1929 : vector<16xf32>
      %select_n3A_1935 = arith.select %gt3A_1934, %select_n3A_1932, %select_n3A_1929 : vector<16xi1>, vector<16xf32>
      %select_n3A_1936 = arith.select %gt3A_1934, %select_n3A_1933, %select_n3A_1930 : vector<16xi1>, vector<16xi32>
      %eq3A_1937 = arith.constant 1 : i32
      %eq3A_1938 = vector.broadcast %eq3A_1937 : i32 to vector<16xi32>
      %eq3A_1939 = arith.cmpi eq, %select_n3A_1936, %eq3A_1938 : vector<16xi32>
      %select_n3A_1940 = arith.select %eq3A_1939, %select_n3A_1869, %select_n3A_1864 : vector<16xi1>, vector<16xi32>
      %eq3A_1941 = arith.constant 2 : i32
      %eq3A_1942 = vector.broadcast %eq3A_1941 : i32 to vector<16xi32>
      %eq3A_1943 = arith.cmpi eq, %select_n3A_1936, %eq3A_1942 : vector<16xi32>
      %select_n3A_1944 = arith.select %eq3A_1943, %select_n3A_1874, %select_n3A_1940 : vector<16xi1>, vector<16xi32>
      %eq3A_1945 = arith.constant 3 : i32
      %eq3A_1946 = vector.broadcast %eq3A_1945 : i32 to vector<16xi32>
      %eq3A_1947 = arith.cmpi eq, %select_n3A_1936, %eq3A_1946 : vector<16xi32>
      %select_n3A_1948 = arith.select %eq3A_1947, %select_n3A_1879, %select_n3A_1944 : vector<16xi1>, vector<16xi32>
      %eq3A_1949 = arith.constant 4 : i32
      %eq3A_1950 = vector.broadcast %eq3A_1949 : i32 to vector<16xi32>
      %eq3A_1951 = arith.cmpi eq, %select_n3A_1936, %eq3A_1950 : vector<16xi32>
      %select_n3A_1952 = arith.select %eq3A_1951, %select_n3A_1884, %select_n3A_1948 : vector<16xi1>, vector<16xi32>
      %eq3A_1953 = arith.constant 5 : i32
      %eq3A_1954 = vector.broadcast %eq3A_1953 : i32 to vector<16xi32>
      %eq3A_1955 = arith.cmpi eq, %select_n3A_1936, %eq3A_1954 : vector<16xi32>
      %select_n3A_1956 = arith.select %eq3A_1955, %select_n3A_1889, %select_n3A_1952 : vector<16xi1>, vector<16xi32>
      %eq3A_1957 = arith.constant 6 : i32
      %eq3A_1958 = vector.broadcast %eq3A_1957 : i32 to vector<16xi32>
      %eq3A_1959 = arith.cmpi eq, %select_n3A_1936, %eq3A_1958 : vector<16xi32>
      %select_n3A_1960 = arith.select %eq3A_1959, %select_n3A_1894, %select_n3A_1956 : vector<16xi1>, vector<16xi32>
      %eq3A_1961 = arith.constant 7 : i32
      %eq3A_1962 = vector.broadcast %eq3A_1961 : i32 to vector<16xi32>
      %eq3A_1963 = arith.cmpi eq, %select_n3A_1936, %eq3A_1962 : vector<16xi32>
      %select_n3A_1964 = arith.select %eq3A_1963, %select_n3A_1899, %select_n3A_1960 : vector<16xi1>, vector<16xi32>
      tpu.vector_store_idx %arg5[%select_n3A_1964, %add3A_17], %broadcast_in_dim3A_3 : memref<64x256xf32, #tpu.memory_space<vmem>>[vector<16xi32>, vector<16xi32>], vector<16xf32>,
      %mul3A_1965 = arith.constant 8 : i32
      %mul3A_1966 = vector.broadcast %mul3A_1965 : i32 to vector<16xi32>
      %mul3A_1967 = arith.muli %select_n3A_1936, %mul3A_1966 : vector<16xi32>
      %add3A_1968 = arith.constant 0 : i32
      %add3A_1969 = vector.broadcast %add3A_1968 : i32 to vector<16xi32>
      %add3A_1970 = arith.addi %mul3A_1967, %add3A_1969 : vector<16xi32>
      %gather3A_1971 = tpu.vector_load_idx %arg5[%add3A_1970, %add3A_17] : memref<64x256xf32, #tpu.memory_space<vmem>>[vector<16xi32>, vector<16xi32>], vector<16xf32>,
      %add3A_1972 = arith.constant 1 : i32
      %add3A_1973 = vector.broadcast %add3A_1972 : i32 to vector<16xi32>
      %add3A_1974 = arith.addi %mul3A_1967, %add3A_1973 : vector<16xi32>
      %gather3A_1975 = tpu.vector_load_idx %arg5[%add3A_1974, %add3A_17] : memref<64x256xf32, #tpu.memory_space<vmem>>[vector<16xi32>, vector<16xi32>], vector<16xf32>,
      %add3A_1976 = arith.constant 2 : i32
      %add3A_1977 = vector.broadcast %add3A_1976 : i32 to vector<16xi32>
      %add3A_1978 = arith.addi %mul3A_1967, %add3A_1977 : vector<16xi32>
      %gather3A_1979 = tpu.vector_load_idx %arg5[%add3A_1978, %add3A_17] : memref<64x256xf32, #tpu.memory_space<vmem>>[vector<16xi32>, vector<16xi32>], vector<16xf32>,
      %add3A_1980 = arith.constant 3 : i32
      %add3A_1981 = vector.broadcast %add3A_1980 : i32 to vector<16xi32>
      %add3A_1982 = arith.addi %mul3A_1967, %add3A_1981 : vector<16xi32>
      %gather3A_1983 = tpu.vector_load_idx %arg5[%add3A_1982, %add3A_17] : memref<64x256xf32, #tpu.memory_space<vmem>>[vector<16xi32>, vector<16xi32>], vector<16xf32>,
      %add3A_1984 = arith.constant 4 : i32
      %add3A_1985 = vector.broadcast %add3A_1984 : i32 to vector<16xi32>
      %add3A_1986 = arith.addi %mul3A_1967, %add3A_1985 : vector<16xi32>
      %gather3A_1987 = tpu.vector_load_idx %arg5[%add3A_1986, %add3A_17] : memref<64x256xf32, #tpu.memory_space<vmem>>[vector<16xi32>, vector<16xi32>], vector<16xf32>,
      %add3A_1988 = arith.constant 5 : i32
      %add3A_1989 = vector.broadcast %add3A_1988 : i32 to vector<16xi32>
      %add3A_1990 = arith.addi %mul3A_1967, %add3A_1989 : vector<16xi32>
      %gather3A_1991 = tpu.vector_load_idx %arg5[%add3A_1990, %add3A_17] : memref<64x256xf32, #tpu.memory_space<vmem>>[vector<16xi32>, vector<16xi32>], vector<16xf32>,
      %add3A_1992 = arith.constant 6 : i32
      %add3A_1993 = vector.broadcast %add3A_1992 : i32 to vector<16xi32>
      %add3A_1994 = arith.addi %mul3A_1967, %add3A_1993 : vector<16xi32>
      %gather3A_1995 = tpu.vector_load_idx %arg5[%add3A_1994, %add3A_17] : memref<64x256xf32, #tpu.memory_space<vmem>>[vector<16xi32>, vector<16xi32>], vector<16xf32>,
      %add3A_1996 = arith.constant 7 : i32
      %add3A_1997 = vector.broadcast %add3A_1996 : i32 to vector<16xi32>
      %add3A_1998 = arith.addi %mul3A_1967, %add3A_1997 : vector<16xi32>
      %gather3A_1999 = tpu.vector_load_idx %arg5[%add3A_1998, %add3A_17] : memref<64x256xf32, #tpu.memory_space<vmem>>[vector<16xi32>, vector<16xi32>], vector<16xf32>,
      %add3A_2000 = arith.constant 0 : i32
      %add3A_2001 = vector.broadcast %add3A_2000 : i32 to vector<16xi32>
      %add3A_2002 = arith.addi %mul3A_1967, %add3A_2001 : vector<16xi32>
      %add3A_2003 = arith.constant 1 : i32
      %add3A_2004 = vector.broadcast %add3A_2003 : i32 to vector<16xi32>
      %add3A_2005 = arith.addi %mul3A_1967, %add3A_2004 : vector<16xi32>
      %add3A_2006 = arith.constant 2 : i32
      %add3A_2007 = vector.broadcast %add3A_2006 : i32 to vector<16xi32>
      %add3A_2008 = arith.addi %mul3A_1967, %add3A_2007 : vector<16xi32>
      %add3A_2009 = arith.constant 3 : i32
      %add3A_2010 = vector.broadcast %add3A_2009 : i32 to vector<16xi32>
      %add3A_2011 = arith.addi %mul3A_1967, %add3A_2010 : vector<16xi32>
      %add3A_2012 = arith.constant 4 : i32
      %add3A_2013 = vector.broadcast %add3A_2012 : i32 to vector<16xi32>
      %add3A_2014 = arith.addi %mul3A_1967, %add3A_2013 : vector<16xi32>
      %add3A_2015 = arith.constant 5 : i32
      %add3A_2016 = vector.broadcast %add3A_2015 : i32 to vector<16xi32>
      %add3A_2017 = arith.addi %mul3A_1967, %add3A_2016 : vector<16xi32>
      %add3A_2018 = arith.constant 6 : i32
      %add3A_2019 = vector.broadcast %add3A_2018 : i32 to vector<16xi32>
      %add3A_2020 = arith.addi %mul3A_1967, %add3A_2019 : vector<16xi32>
      %add3A_2021 = arith.constant 7 : i32
      %add3A_2022 = vector.broadcast %add3A_2021 : i32 to vector<16xi32>
      %add3A_2023 = arith.addi %mul3A_1967, %add3A_2022 : vector<16xi32>
      %gt3A_2024 = arith.cmpf ogt, %gather3A_1975, %gather3A_1971 : vector<16xf32>
      %select_n3A_2025 = arith.select %gt3A_2024, %gather3A_1975, %gather3A_1971 : vector<16xi1>, vector<16xf32>
      %select_n3A_2026 = arith.select %gt3A_2024, %add3A_2005, %add3A_2002 : vector<16xi1>, vector<16xi32>
      %gt3A_2027 = arith.cmpf ogt, %gather3A_1983, %gather3A_1979 : vector<16xf32>
      %select_n3A_2028 = arith.select %gt3A_2027, %gather3A_1983, %gather3A_1979 : vector<16xi1>, vector<16xf32>
      %select_n3A_2029 = arith.select %gt3A_2027, %add3A_2011, %add3A_2008 : vector<16xi1>, vector<16xi32>
      %gt3A_2030 = arith.cmpf ogt, %gather3A_1991, %gather3A_1987 : vector<16xf32>
      %select_n3A_2031 = arith.select %gt3A_2030, %gather3A_1991, %gather3A_1987 : vector<16xi1>, vector<16xf32>
      %select_n3A_2032 = arith.select %gt3A_2030, %add3A_2017, %add3A_2014 : vector<16xi1>, vector<16xi32>
      %gt3A_2033 = arith.cmpf ogt, %gather3A_1999, %gather3A_1995 : vector<16xf32>
      %select_n3A_2034 = arith.select %gt3A_2033, %gather3A_1999, %gather3A_1995 : vector<16xi1>, vector<16xf32>
      %select_n3A_2035 = arith.select %gt3A_2033, %add3A_2023, %add3A_2020 : vector<16xi1>, vector<16xi32>
      %gt3A_2036 = arith.cmpf ogt, %select_n3A_2028, %select_n3A_2025 : vector<16xf32>
      %select_n3A_2037 = arith.select %gt3A_2036, %select_n3A_2028, %select_n3A_2025 : vector<16xi1>, vector<16xf32>
      %select_n3A_2038 = arith.select %gt3A_2036, %select_n3A_2029, %select_n3A_2026 : vector<16xi1>, vector<16xi32>
      %gt3A_2039 = arith.cmpf ogt, %select_n3A_2034, %select_n3A_2031 : vector<16xf32>
      %select_n3A_2040 = arith.select %gt3A_2039, %select_n3A_2034, %select_n3A_2031 : vector<16xi1>, vector<16xf32>
      %select_n3A_2041 = arith.select %gt3A_2039, %select_n3A_2035, %select_n3A_2032 : vector<16xi1>, vector<16xi32>
      %gt3A_2042 = arith.cmpf ogt, %select_n3A_2040, %select_n3A_2037 : vector<16xf32>
      %select_n3A_2043 = arith.select %gt3A_2042, %select_n3A_2040, %select_n3A_2037 : vector<16xi1>, vector<16xf32>
      %select_n3A_2044 = arith.select %gt3A_2042, %select_n3A_2041, %select_n3A_2038 : vector<16xi1>, vector<16xi32>
      %eq3A_2045 = arith.constant 0 : i32
      %eq3A_2046 = vector.broadcast %eq3A_2045 : i32 to vector<16xi32>
      %eq3A_2047 = arith.cmpi eq, %select_n3A_1936, %eq3A_2046 : vector<16xi32>
      %select_n3A_2048 = arith.select %eq3A_2047, %select_n3A_2043, %select_n3A_1863 : vector<16xi1>, vector<16xf32>
      %select_n3A_2049 = arith.select %eq3A_2047, %select_n3A_2044, %select_n3A_1864 : vector<16xi1>, vector<16xi32>
      %eq3A_2050 = arith.constant 1 : i32
      %eq3A_2051 = vector.broadcast %eq3A_2050 : i32 to vector<16xi32>
      %eq3A_2052 = arith.cmpi eq, %select_n3A_1936, %eq3A_2051 : vector<16xi32>
      %select_n3A_2053 = arith.select %eq3A_2052, %select_n3A_2043, %select_n3A_1868 : vector<16xi1>, vector<16xf32>
      %select_n3A_2054 = arith.select %eq3A_2052, %select_n3A_2044, %select_n3A_1869 : vector<16xi1>, vector<16xi32>
      %eq3A_2055 = arith.constant 2 : i32
      %eq3A_2056 = vector.broadcast %eq3A_2055 : i32 to vector<16xi32>
      %eq3A_2057 = arith.cmpi eq, %select_n3A_1936, %eq3A_2056 : vector<16xi32>
      %select_n3A_2058 = arith.select %eq3A_2057, %select_n3A_2043, %select_n3A_1873 : vector<16xi1>, vector<16xf32>
      %select_n3A_2059 = arith.select %eq3A_2057, %select_n3A_2044, %select_n3A_1874 : vector<16xi1>, vector<16xi32>
      %eq3A_2060 = arith.constant 3 : i32
      %eq3A_2061 = vector.broadcast %eq3A_2060 : i32 to vector<16xi32>
      %eq3A_2062 = arith.cmpi eq, %select_n3A_1936, %eq3A_2061 : vector<16xi32>
      %select_n3A_2063 = arith.select %eq3A_2062, %select_n3A_2043, %select_n3A_1878 : vector<16xi1>, vector<16xf32>
      %select_n3A_2064 = arith.select %eq3A_2062, %select_n3A_2044, %select_n3A_1879 : vector<16xi1>, vector<16xi32>
      %eq3A_2065 = arith.constant 4 : i32
      %eq3A_2066 = vector.broadcast %eq3A_2065 : i32 to vector<16xi32>
      %eq3A_2067 = arith.cmpi eq, %select_n3A_1936, %eq3A_2066 : vector<16xi32>
      %select_n3A_2068 = arith.select %eq3A_2067, %select_n3A_2043, %select_n3A_1883 : vector<16xi1>, vector<16xf32>
      %select_n3A_2069 = arith.select %eq3A_2067, %select_n3A_2044, %select_n3A_1884 : vector<16xi1>, vector<16xi32>
      %eq3A_2070 = arith.constant 5 : i32
      %eq3A_2071 = vector.broadcast %eq3A_2070 : i32 to vector<16xi32>
      %eq3A_2072 = arith.cmpi eq, %select_n3A_1936, %eq3A_2071 : vector<16xi32>
      %select_n3A_2073 = arith.select %eq3A_2072, %select_n3A_2043, %select_n3A_1888 : vector<16xi1>, vector<16xf32>
      %select_n3A_2074 = arith.select %eq3A_2072, %select_n3A_2044, %select_n3A_1889 : vector<16xi1>, vector<16xi32>
      %eq3A_2075 = arith.constant 6 : i32
      %eq3A_2076 = vector.broadcast %eq3A_2075 : i32 to vector<16xi32>
      %eq3A_2077 = arith.cmpi eq, %select_n3A_1936, %eq3A_2076 : vector<16xi32>
      %select_n3A_2078 = arith.select %eq3A_2077, %select_n3A_2043, %select_n3A_1893 : vector<16xi1>, vector<16xf32>
      %select_n3A_2079 = arith.select %eq3A_2077, %select_n3A_2044, %select_n3A_1894 : vector<16xi1>, vector<16xi32>
      %eq3A_2080 = arith.constant 7 : i32
      %eq3A_2081 = vector.broadcast %eq3A_2080 : i32 to vector<16xi32>
      %eq3A_2082 = arith.cmpi eq, %select_n3A_1936, %eq3A_2081 : vector<16xi32>
      %select_n3A_2083 = arith.select %eq3A_2082, %select_n3A_2043, %select_n3A_1898 : vector<16xi1>, vector<16xf32>
      %select_n3A_2084 = arith.select %eq3A_2082, %select_n3A_2044, %select_n3A_1899 : vector<16xi1>, vector<16xi32>
      %broadcast_in_dim3A_2085 = arith.constant 0 : i32
      %broadcast_in_dim3A_2086 = vector.broadcast %broadcast_in_dim3A_2085 : i32 to vector<16xi32>
      %broadcast_in_dim3A_2087 = arith.constant 1 : i32
      %broadcast_in_dim3A_2088 = vector.broadcast %broadcast_in_dim3A_2087 : i32 to vector<16xi32>
      %broadcast_in_dim3A_2089 = arith.constant 2 : i32
      %broadcast_in_dim3A_2090 = vector.broadcast %broadcast_in_dim3A_2089 : i32 to vector<16xi32>
      %broadcast_in_dim3A_2091 = arith.constant 3 : i32
      %broadcast_in_dim3A_2092 = vector.broadcast %broadcast_in_dim3A_2091 : i32 to vector<16xi32>
      %broadcast_in_dim3A_2093 = arith.constant 4 : i32
      %broadcast_in_dim3A_2094 = vector.broadcast %broadcast_in_dim3A_2093 : i32 to vector<16xi32>
      %broadcast_in_dim3A_2095 = arith.constant 5 : i32
      %broadcast_in_dim3A_2096 = vector.broadcast %broadcast_in_dim3A_2095 : i32 to vector<16xi32>
      %broadcast_in_dim3A_2097 = arith.constant 6 : i32
      %broadcast_in_dim3A_2098 = vector.broadcast %broadcast_in_dim3A_2097 : i32 to vector<16xi32>
      %broadcast_in_dim3A_2099 = arith.constant 7 : i32
      %broadcast_in_dim3A_2100 = vector.broadcast %broadcast_in_dim3A_2099 : i32 to vector<16xi32>
      %gt3A_2101 = arith.cmpf ogt, %select_n3A_2053, %select_n3A_2048 : vector<16xf32>
      %select_n3A_2102 = arith.select %gt3A_2101, %select_n3A_2053, %select_n3A_2048 : vector<16xi1>, vector<16xf32>
      %select_n3A_2103 = arith.select %gt3A_2101, %broadcast_in_dim3A_2088, %broadcast_in_dim3A_2086 : vector<16xi1>, vector<16xi32>
      %gt3A_2104 = arith.cmpf ogt, %select_n3A_2063, %select_n3A_2058 : vector<16xf32>
      %select_n3A_2105 = arith.select %gt3A_2104, %select_n3A_2063, %select_n3A_2058 : vector<16xi1>, vector<16xf32>
      %select_n3A_2106 = arith.select %gt3A_2104, %broadcast_in_dim3A_2092, %broadcast_in_dim3A_2090 : vector<16xi1>, vector<16xi32>
      %gt3A_2107 = arith.cmpf ogt, %select_n3A_2073, %select_n3A_2068 : vector<16xf32>
      %select_n3A_2108 = arith.select %gt3A_2107, %select_n3A_2073, %select_n3A_2068 : vector<16xi1>, vector<16xf32>
      %select_n3A_2109 = arith.select %gt3A_2107, %broadcast_in_dim3A_2096, %broadcast_in_dim3A_2094 : vector<16xi1>, vector<16xi32>
      %gt3A_2110 = arith.cmpf ogt, %select_n3A_2083, %select_n3A_2078 : vector<16xf32>
      %select_n3A_2111 = arith.select %gt3A_2110, %select_n3A_2083, %select_n3A_2078 : vector<16xi1>, vector<16xf32>
      %select_n3A_2112 = arith.select %gt3A_2110, %broadcast_in_dim3A_2100, %broadcast_in_dim3A_2098 : vector<16xi1>, vector<16xi32>
      %gt3A_2113 = arith.cmpf ogt, %select_n3A_2105, %select_n3A_2102 : vector<16xf32>
      %select_n3A_2114 = arith.select %gt3A_2113, %select_n3A_2105, %select_n3A_2102 : vector<16xi1>, vector<16xf32>
      %select_n3A_2115 = arith.select %gt3A_2113, %select_n3A_2106, %select_n3A_2103 : vector<16xi1>, vector<16xi32>
      %gt3A_2116 = arith.cmpf ogt, %select_n3A_2111, %select_n3A_2108 : vector<16xf32>
      %select_n3A_2117 = arith.select %gt3A_2116, %select_n3A_2111, %select_n3A_2108 : vector<16xi1>, vector<16xf32>
      %select_n3A_2118 = arith.select %gt3A_2116, %select_n3A_2112, %select_n3A_2109 : vector<16xi1>, vector<16xi32>
      %gt3A_2119 = arith.cmpf ogt, %select_n3A_2117, %select_n3A_2114 : vector<16xf32>
      %select_n3A_2120 = arith.select %gt3A_2119, %select_n3A_2117, %select_n3A_2114 : vector<16xi1>, vector<16xf32>
      %select_n3A_2121 = arith.select %gt3A_2119, %select_n3A_2118, %select_n3A_2115 : vector<16xi1>, vector<16xi32>
      %eq3A_2122 = arith.constant 1 : i32
      %eq3A_2123 = vector.broadcast %eq3A_2122 : i32 to vector<16xi32>
      %eq3A_2124 = arith.cmpi eq, %select_n3A_2121, %eq3A_2123 : vector<16xi32>
      %select_n3A_2125 = arith.select %eq3A_2124, %select_n3A_2054, %select_n3A_2049 : vector<16xi1>, vector<16xi32>
      %eq3A_2126 = arith.constant 2 : i32
      %eq3A_2127 = vector.broadcast %eq3A_2126 : i32 to vector<16xi32>
      %eq3A_2128 = arith.cmpi eq, %select_n3A_2121, %eq3A_2127 : vector<16xi32>
      %select_n3A_2129 = arith.select %eq3A_2128, %select_n3A_2059, %select_n3A_2125 : vector<16xi1>, vector<16xi32>
      %eq3A_2130 = arith.constant 3 : i32
      %eq3A_2131 = vector.broadcast %eq3A_2130 : i32 to vector<16xi32>
      %eq3A_2132 = arith.cmpi eq, %select_n3A_2121, %eq3A_2131 : vector<16xi32>
      %select_n3A_2133 = arith.select %eq3A_2132, %select_n3A_2064, %select_n3A_2129 : vector<16xi1>, vector<16xi32>
      %eq3A_2134 = arith.constant 4 : i32
      %eq3A_2135 = vector.broadcast %eq3A_2134 : i32 to vector<16xi32>
      %eq3A_2136 = arith.cmpi eq, %select_n3A_2121, %eq3A_2135 : vector<16xi32>
      %select_n3A_2137 = arith.select %eq3A_2136, %select_n3A_2069, %select_n3A_2133 : vector<16xi1>, vector<16xi32>
      %eq3A_2138 = arith.constant 5 : i32
      %eq3A_2139 = vector.broadcast %eq3A_2138 : i32 to vector<16xi32>
      %eq3A_2140 = arith.cmpi eq, %select_n3A_2121, %eq3A_2139 : vector<16xi32>
      %select_n3A_2141 = arith.select %eq3A_2140, %select_n3A_2074, %select_n3A_2137 : vector<16xi1>, vector<16xi32>
      %eq3A_2142 = arith.constant 6 : i32
      %eq3A_2143 = vector.broadcast %eq3A_2142 : i32 to vector<16xi32>
      %eq3A_2144 = arith.cmpi eq, %select_n3A_2121, %eq3A_2143 : vector<16xi32>
      %select_n3A_2145 = arith.select %eq3A_2144, %select_n3A_2079, %select_n3A_2141 : vector<16xi1>, vector<16xi32>
      %eq3A_2146 = arith.constant 7 : i32
      %eq3A_2147 = vector.broadcast %eq3A_2146 : i32 to vector<16xi32>
      %eq3A_2148 = arith.cmpi eq, %select_n3A_2121, %eq3A_2147 : vector<16xi32>
      %select_n3A_2149 = arith.select %eq3A_2148, %select_n3A_2084, %select_n3A_2145 : vector<16xi1>, vector<16xi32>
      %sub3A = arith.subf %select_n3A_826, %select_n3A_826 : vector<16xf32>
      %exp3A = math.exp %sub3A : vector<16xf32>
      %sub3A_2150 = arith.subf %select_n3A_1010, %select_n3A_826 : vector<16xf32>
      %exp3A_2151 = math.exp %sub3A_2150 : vector<16xf32>
      %sub3A_2152 = arith.subf %select_n3A_1195, %select_n3A_826 : vector<16xf32>
      %exp3A_2153 = math.exp %sub3A_2152 : vector<16xf32>
      %sub3A_2154 = arith.subf %select_n3A_1380, %select_n3A_826 : vector<16xf32>
      %exp3A_2155 = math.exp %sub3A_2154 : vector<16xf32>
      %sub3A_2156 = arith.subf %select_n3A_1565, %select_n3A_826 : vector<16xf32>
      %exp3A_2157 = math.exp %sub3A_2156 : vector<16xf32>
      %sub3A_2158 = arith.subf %select_n3A_1750, %select_n3A_826 : vector<16xf32>
      %exp3A_2159 = math.exp %sub3A_2158 : vector<16xf32>
      %sub3A_2160 = arith.subf %select_n3A_1935, %select_n3A_826 : vector<16xf32>
      %exp3A_2161 = math.exp %sub3A_2160 : vector<16xf32>
      %sub3A_2162 = arith.subf %select_n3A_2120, %select_n3A_826 : vector<16xf32>
      %exp3A_2163 = math.exp %sub3A_2162 : vector<16xf32>
      %add3A_2164 = arith.addf %exp3A, %exp3A_2151 : vector<16xf32>
      %add3A_2165 = arith.addf %exp3A_2153, %exp3A_2155 : vector<16xf32>
      %add3A_2166 = arith.addf %add3A_2164, %add3A_2165 : vector<16xf32>
      %add3A_2167 = arith.addf %exp3A_2157, %exp3A_2159 : vector<16xf32>
      %add3A_2168 = arith.addf %exp3A_2161, %exp3A_2163 : vector<16xf32>
      %add3A_2169 = arith.addf %add3A_2167, %add3A_2168 : vector<16xf32>
      %add3A_2170 = arith.addf %add3A_2166, %add3A_2169 : vector<16xf32>
      %div3A = arith.divf %exp3A, %add3A_2170 : vector<16xf32>
      tpu.vector_store_idx %arg6[%add3A_17, %select_n3A_854], %div3A : memref<256x64xf32, #tpu.memory_space<vmem>>[vector<16xi32>, vector<16xi32>], vector<16xf32>,
      %broadcast_in_dim3A_2171 = arith.constant 0 : i32
      %broadcast_in_dim3A_2172 = vector.broadcast %broadcast_in_dim3A_2171 : i32 to vector<16xi32>
      tpu.vector_store_idx %arg7[%add3A_17, %broadcast_in_dim3A_2172], %select_n3A_854 : memref<256x8xi32, #tpu.memory_space<vmem>>[vector<16xi32>, vector<16xi32>], vector<16xi32>,
      %div3A_2173 = arith.divf %exp3A_2151, %add3A_2170 : vector<16xf32>
      tpu.vector_store_idx %arg6[%add3A_17, %select_n3A_1039], %div3A_2173 : memref<256x64xf32, #tpu.memory_space<vmem>>[vector<16xi32>, vector<16xi32>], vector<16xf32>,
      %broadcast_in_dim3A_2174 = arith.constant 1 : i32
      %broadcast_in_dim3A_2175 = vector.broadcast %broadcast_in_dim3A_2174 : i32 to vector<16xi32>
      tpu.vector_store_idx %arg7[%add3A_17, %broadcast_in_dim3A_2175], %select_n3A_1039 : memref<256x8xi32, #tpu.memory_space<vmem>>[vector<16xi32>, vector<16xi32>], vector<16xi32>,
      %div3A_2176 = arith.divf %exp3A_2153, %add3A_2170 : vector<16xf32>
      tpu.vector_store_idx %arg6[%add3A_17, %select_n3A_1224], %div3A_2176 : memref<256x64xf32, #tpu.memory_space<vmem>>[vector<16xi32>, vector<16xi32>], vector<16xf32>,
      %broadcast_in_dim3A_2177 = arith.constant 2 : i32
      %broadcast_in_dim3A_2178 = vector.broadcast %broadcast_in_dim3A_2177 : i32 to vector<16xi32>
      tpu.vector_store_idx %arg7[%add3A_17, %broadcast_in_dim3A_2178], %select_n3A_1224 : memref<256x8xi32, #tpu.memory_space<vmem>>[vector<16xi32>, vector<16xi32>], vector<16xi32>,
      %div3A_2179 = arith.divf %exp3A_2155, %add3A_2170 : vector<16xf32>
      tpu.vector_store_idx %arg6[%add3A_17, %select_n3A_1409], %div3A_2179 : memref<256x64xf32, #tpu.memory_space<vmem>>[vector<16xi32>, vector<16xi32>], vector<16xf32>,
      %broadcast_in_dim3A_2180 = arith.constant 3 : i32
      %broadcast_in_dim3A_2181 = vector.broadcast %broadcast_in_dim3A_2180 : i32 to vector<16xi32>
      tpu.vector_store_idx %arg7[%add3A_17, %broadcast_in_dim3A_2181], %select_n3A_1409 : memref<256x8xi32, #tpu.memory_space<vmem>>[vector<16xi32>, vector<16xi32>], vector<16xi32>,
      %div3A_2182 = arith.divf %exp3A_2157, %add3A_2170 : vector<16xf32>
      tpu.vector_store_idx %arg6[%add3A_17, %select_n3A_1594], %div3A_2182 : memref<256x64xf32, #tpu.memory_space<vmem>>[vector<16xi32>, vector<16xi32>], vector<16xf32>,
      %broadcast_in_dim3A_2183 = arith.constant 4 : i32
      %broadcast_in_dim3A_2184 = vector.broadcast %broadcast_in_dim3A_2183 : i32 to vector<16xi32>
      tpu.vector_store_idx %arg7[%add3A_17, %broadcast_in_dim3A_2184], %select_n3A_1594 : memref<256x8xi32, #tpu.memory_space<vmem>>[vector<16xi32>, vector<16xi32>], vector<16xi32>,
      %div3A_2185 = arith.divf %exp3A_2159, %add3A_2170 : vector<16xf32>
      tpu.vector_store_idx %arg6[%add3A_17, %select_n3A_1779], %div3A_2185 : memref<256x64xf32, #tpu.memory_space<vmem>>[vector<16xi32>, vector<16xi32>], vector<16xf32>,
      %broadcast_in_dim3A_2186 = arith.constant 5 : i32
      %broadcast_in_dim3A_2187 = vector.broadcast %broadcast_in_dim3A_2186 : i32 to vector<16xi32>
      tpu.vector_store_idx %arg7[%add3A_17, %broadcast_in_dim3A_2187], %select_n3A_1779 : memref<256x8xi32, #tpu.memory_space<vmem>>[vector<16xi32>, vector<16xi32>], vector<16xi32>,
      %div3A_2188 = arith.divf %exp3A_2161, %add3A_2170 : vector<16xf32>
      tpu.vector_store_idx %arg6[%add3A_17, %select_n3A_1964], %div3A_2188 : memref<256x64xf32, #tpu.memory_space<vmem>>[vector<16xi32>, vector<16xi32>], vector<16xf32>,
      %broadcast_in_dim3A_2189 = arith.constant 6 : i32
      %broadcast_in_dim3A_2190 = vector.broadcast %broadcast_in_dim3A_2189 : i32 to vector<16xi32>
      tpu.vector_store_idx %arg7[%add3A_17, %broadcast_in_dim3A_2190], %select_n3A_1964 : memref<256x8xi32, #tpu.memory_space<vmem>>[vector<16xi32>, vector<16xi32>], vector<16xi32>,
      %div3A_2191 = arith.divf %exp3A_2163, %add3A_2170 : vector<16xf32>
      tpu.vector_store_idx %arg6[%add3A_17, %select_n3A_2149], %div3A_2191 : memref<256x64xf32, #tpu.memory_space<vmem>>[vector<16xi32>, vector<16xi32>], vector<16xf32>,
      %broadcast_in_dim3A_2192 = arith.constant 7 : i32
      %broadcast_in_dim3A_2193 = vector.broadcast %broadcast_in_dim3A_2192 : i32 to vector<16xi32>
      tpu.vector_store_idx %arg7[%add3A_17, %broadcast_in_dim3A_2193], %select_n3A_2149 : memref<256x8xi32, #tpu.memory_space<vmem>>[vector<16xi32>, vector<16xi32>], vector<16xi32>,
    }
    %scan3A_12 = arith.constant 16 : i32
    "tpu.region"() ({
      %run_scoped3A = tpu.sem_alloc : memref<!tpu.dma_semaphore, #tpu.memory_space<semaphore_mem>>
      %dma_start3A = arith.constant 0 : i32
      %dma_start3A_13 = tpu.memref_slice %arg3[%mul3A_2, %dma_start3A] : memref<8192x64xf32, #tpu.memory_space<hbm>> -> memref<256x64xf32, #tpu.memory_space<hbm>>
      %dma_start3A_14 = arith.constant 0 : i32
      %dma_start3A_15 = tpu.memref_slice %arg3[%mul3A_2, %dma_start3A_14] : memref<8192x64xf32, #tpu.memory_space<hbm>> -> memref<256x64xf32, #tpu.memory_space<hbm>>
      tpu.enqueue_dma source(%arg6 : memref<256x64xf32, #tpu.memory_space<vmem>>) target(%dma_start3A_15 : memref<256x64xf32, #tpu.memory_space<hbm>>) target_semaphore(%run_scoped3A : memref<!tpu.dma_semaphore, #tpu.memory_space<semaphore_mem>>)
      %dma_wait3A = arith.constant 0 : i32
      %dma_wait3A_16 = tpu.memref_slice %arg3[%mul3A_2, %dma_wait3A] : memref<8192x64xf32, #tpu.memory_space<hbm>> -> memref<256x64xf32, #tpu.memory_space<hbm>>
      %dma_wait3A_17 = arith.constant 0 : i32
      %dma_wait3A_18 = tpu.memref_slice %arg3[%mul3A_2, %dma_wait3A_17] : memref<8192x64xf32, #tpu.memory_space<hbm>> -> memref<256x64xf32, #tpu.memory_space<hbm>>
      tpu.wait_dma2 semaphore(%run_scoped3A : memref<!tpu.dma_semaphore, #tpu.memory_space<semaphore_mem>>) src(%arg6 : memref<256x64xf32, #tpu.memory_space<vmem>>) dst(%dma_wait3A_18 : memref<256x64xf32, #tpu.memory_space<hbm>>)
      tpu.yield
    }) : () -> ()
    "tpu.region"() ({
      %run_scoped3A = tpu.sem_alloc : memref<!tpu.dma_semaphore, #tpu.memory_space<semaphore_mem>>
      %dma_start3A = arith.constant 0 : i32
      %dma_start3A_13 = tpu.memref_slice %arg4[%mul3A_2, %dma_start3A] : memref<8192x8xi32, #tpu.memory_space<hbm>> -> memref<256x8xi32, #tpu.memory_space<hbm>>
      %dma_start3A_14 = arith.constant 0 : i32
      %dma_start3A_15 = tpu.memref_slice %arg4[%mul3A_2, %dma_start3A_14] : memref<8192x8xi32, #tpu.memory_space<hbm>> -> memref<256x8xi32, #tpu.memory_space<hbm>>
      tpu.enqueue_dma source(%arg7 : memref<256x8xi32, #tpu.memory_space<vmem>>) target(%dma_start3A_15 : memref<256x8xi32, #tpu.memory_space<hbm>>) target_semaphore(%run_scoped3A : memref<!tpu.dma_semaphore, #tpu.memory_space<semaphore_mem>>)
      %dma_wait3A = arith.constant 0 : i32
      %dma_wait3A_16 = tpu.memref_slice %arg4[%mul3A_2, %dma_wait3A] : memref<8192x8xi32, #tpu.memory_space<hbm>> -> memref<256x8xi32, #tpu.memory_space<hbm>>
      %dma_wait3A_17 = arith.constant 0 : i32
      %dma_wait3A_18 = tpu.memref_slice %arg4[%mul3A_2, %dma_wait3A_17] : memref<8192x8xi32, #tpu.memory_space<hbm>> -> memref<256x8xi32, #tpu.memory_space<hbm>>
      tpu.wait_dma2 semaphore(%run_scoped3A : memref<!tpu.dma_semaphore, #tpu.memory_space<semaphore_mem>>) src(%arg7 : memref<256x8xi32, #tpu.memory_space<vmem>>) dst(%dma_wait3A_18 : memref<256x8xi32, #tpu.memory_space<hbm>>)
      tpu.yield
    }) : () -> ()
    return
  }
}

module attributes {stable_mosaic.version = 14 : i64} {
  func.func @_matmul_body(%arg0: i32, %arg1: memref<512x4096xf32, #tpu.memory_space<vmem>>, %arg2: memref<64x4096xf32, #tpu.memory_space<vmem>>, %arg3: memref<64xf32, #tpu.memory_space<vmem>>, %arg4: memref<64x512xf32, #tpu.memory_space<vmem>>) attributes {dimension_semantics = [#tpu.dimension_semantics<arbitrary>], iteration_bounds = array<i64: 16>, scalar_prefetch = 0 : i64, scratch_operands = 0 : i64, tpu.core_type = #tpu.core_type<tc>, window_params = [{transform_indices = @transform_0, window_bounds = array<i64: 512, 4096>}, {pipeline_mode = #tpu.pipeline_mode<synchronous>, transform_indices = @transform_1, window_bounds = array<i64: 64, 4096>}, {pipeline_mode = #tpu.pipeline_mode<synchronous>, transform_indices = @transform_2, window_bounds = array<i64: 64>}, {transform_indices = @transform_3, window_bounds = array<i64: 64, 512>}]} {
    %get3A = arith.constant 0 : index
    %get3A_0 = arith.constant 0 : index
    %get3A_1 = vector.load %arg2[%get3A, %get3A_0] : memref<64x4096xf32, #tpu.memory_space<vmem>>, vector<64x4096xf32>
    %get3A_2 = arith.constant 0 : index
    %get3A_3 = arith.constant 0 : index
    %get3A_4 = vector.load %arg1[%get3A_2, %get3A_3] : memref<512x4096xf32, #tpu.memory_space<vmem>>, vector<512x4096xf32>
    %dot_general3A = arith.constant dense<0.000000e+00> : vector<64x512xf32>
    %dot_general3A_5 = tpu.matmul %get3A_1, %get3A_4, %dot_general3A {dimension_numbers = #tpu.dot_dimension_numbers<[1], [1], [0], [0], [0, 0, 1, 0], [], []>, transpose_lhs_hint = false} : vector<64x4096xf32>, vector<512x4096xf32>, vector<64x512xf32> -> vector<64x512xf32>
    %get3A_6 = arith.constant 0 : index
    %get3A_7 = vector.load %arg3[%get3A_6] : memref<64xf32, #tpu.memory_space<vmem>>, vector<64xf32>
    %broadcast_in_dim3A = vector.shape_cast %get3A_7 : vector<64xf32> to vector<64x1xf32>
    %add3A = vector.broadcast %broadcast_in_dim3A : vector<64x1xf32> to vector<64x512xf32>
    %add3A_8 = arith.addf %dot_general3A_5, %add3A : vector<64x512xf32>
    %swap3A = arith.constant 0 : index
    %swap3A_9 = arith.constant 0 : index
    %swap3A_10 = vector.load %arg4[%swap3A, %swap3A_9] : memref<64x512xf32, #tpu.memory_space<vmem>>, vector<64x512xf32>
    tpu.vector_store %arg4[%swap3A, %swap3A_9], %add3A_8 {strides = array<i32>} : memref<64x512xf32, #tpu.memory_space<vmem>>, vector<64x512xf32>,
    return
  }
  func.func @transform_0(%arg0: i32) -> (i32, i32) {
    %add3A = arith.constant 0 : i32
    %add3A_0 = arith.addi %add3A, %arg0 : i32
    %c0_i32 = arith.constant 0 : i32
    %c0_i32_1 = arith.constant 0 : i32
    return %add3A_0, %c0_i32 : i32, i32
  }
  func.func @transform_1(%arg0: i32) -> (i32, i32) {
    %c0_i32 = arith.constant 0 : i32
    %c0_i32_0 = arith.constant 0 : i32
    %c0_i32_1 = arith.constant 0 : i32
    return %c0_i32, %c0_i32_0 : i32, i32
  }
  func.func @transform_2(%arg0: i32) -> i32 {
    %c0_i32 = arith.constant 0 : i32
    %c0_i32_0 = arith.constant 0 : i32
    return %c0_i32 : i32
  }
  func.func @transform_3(%arg0: i32) -> (i32, i32) {
    %c0_i32 = arith.constant 0 : i32
    %c0_i32_0 = arith.constant 0 : i32
    return %c0_i32, %arg0 : i32, i32
  }
}

</mosaic_0001>

<sc_bundles>
// kernel: kernel.4.cloned.1.call-start
scs
__scs_entry_jumppad:
0x0: {  	(pc) =	sbr.rel $0x88, $3  }
0x1: {  	(tag) =	ssettag $0x0;
	lr =	simm.s32 $0x1  }
0x2: {  	[smem:$0x3F9E] =	sst lr;
	_ =	strace $0xD0000000  }
0x3: {  	_ = 	snop  }
0x4: {  	_ = 	snop  }
0x5: {  	_ = 	snop  }
0x6: {  	_ = 	snop  }
0x7: {  	_ = 	snop  }
__scs_overlays_trampoline_lowered:
0x8: {  	[smem:$0x3FAD] =	sst s0  }
0x9: {  	[smem:$0x3FAE] =	sst s1  }
0xa: {  	[smem:$0x3FAF] =	sst s2  }
0xb: {  	[smem:$0x3FB0] =	sst s3  }
0xc: {  	[smem:$0x3FB1] =	sst s4  }
0xd: {  	[smem:$0x3FB2] =	sst s5  }
0xe: {  	[smem:$0x3FB3] =	sst s6  }
0xf: {  	[smem:$0x3FB4] =	sst s7  }
0x10: {  	[smem:$0x3FB5] =	sst s8  }
0x11: {  	[smem:$0x3FB6] =	sst s9;
	s0 =	simm.s32 @!p0 $0x0  }
0x12: {  	s1 =	sld [smem:$0x3F9C];
	s0 =	simm.s32 @p0 $0x1  }
0x13: {  	[smem:$0x3FB7] =	sst s0;
	s0 =	simm.s32 @!p1 $0x0  }
0x14: {  	s2 =	sld [smem:$0x3F9B];
	s0 =	simm.s32 @p1 $0x1  }
0x15: {  	[smem:$0x3FB8] =	sst s0;
	s0 =	simm.s32 @!p2 $0x0  }
0x16: {  	s3 =	sld [smem:$0x3FDB];
	s0 =	simm.s32 @p2 $0x1  }
0x17: {  	s4 =	simm.s32 $0x1BF5;
	[smem:$0x3FBA] =	sst s0  }
0x18: {  	s0 =	sld [smem:$0x3F9D];
	_ =	swait.ge [sflag:s4], $0x0  }
0x19: {  	s7 =	sld [smem:$0x3F9E]  }
0x1a: {  	s8 =	sadd.s32 $0xFFFFE003, lr  }
0x1b: {  	s9 =	sadd.s32 $0xFFFFFEF7, lr;
	s5 =	simm.s32 $0xFFFFFFFF;
	p2 =	slt.u32 s8, $0xFFFFF086  }
0x1c: {  	p1 =	slt.u32 s9, $0xF7A;
	s5 =	simm.s32 @!p2 $0x0  }
0x1d: {  	s5 =	simm.s32 @p1 $0x1;
	p0 =	seq.s32 s7, s2  }
0x1e: {  	s7 =	smul.u32 @!p0 $0xF7A, s2;
	p2 =	seq.s32 @!p0 s5, $0x0  }
0x1f: {  	s9 =	smul.u32 $0xF7A, s1;
	s8 =	simm.s32 @!p0 $0x1BF5;
	p2 =	por !p2, p0  }
0x20: {  	[sflag:s8] =	ssyncset.s32 @!p0 $0xFFFFF086;
	s6 =	sadd.s32 @!p0 s3, s7;
	s7 =	simm.s32 @!p0 $0x108  }
0x21: {  	s3 =	sadd.s32 s3, s9;
	s6 =	sadd.s32 @!p0 $0x88, s6;
	s7 =	simm.s32 @p2 $0x1082  }
0x22: {  	[simem:s7], [sflag:s8] =	dma.local @!p0 [hbm:s6], $0xF7A  }
0x23: {  	s9 =	sor.u32 $0xD0000000, s2;
	s6 =	simm.s32 $0x108;
	_ =	swait.ge @!p0 [sflag:s8], $0x0  }
0x24: {  	s3 =	sadd.s32 $0x88, s3;
	s6 =	simm.s32 @!p1 $0x1082;
	[sflag:s4] =	ssyncset.s32 $0xFFFFF086  }
0x25: {  	[simem:s6], [sflag:s4] =	dma.local [hbm:s3], $0xF7A  }
0x26: {  	[smem:$0x3F9E] =	sst s1;
	(tag) =	ssettag s2;
	_ =	strace s9  }
0x27: {  	s1 =	sld [smem:$0x3FAE]  }
0x28: {  	s2 =	sld [smem:$0x3FAF]  }
0x29: {  	s4 =	sld [smem:$0x3FB1]  }
0x2a: {  	p0 =	seq.s32 s5, $0x0;
	s5 =	sld [smem:$0x3FB2]  }
0x2b: {  	s6 =	sld [smem:$0x3FB3]  }
0x2c: {  	s7 =	sld [smem:$0x3FB4]  }
0x2d: {  	s3 =	simm.s32 $0x108;
	s8 =	sld [smem:$0x3FB5]  }
0x2e: {  	s3 =	simm.s32 @!p0 $0x1082;
	s9 =	sld [smem:$0x3FB6]  }
0x2f: {  	lr =	sadd.s32 s0, s3;
	s0 =	sld [smem:$0x3FAD]  }
0x30: {  	s3 =	sld [smem:$0x3FB0]  }
0x31: {  	[smem:$0x3FB9] =	sst s10  }
0x32: {  	s10 =	sld [smem:$0x3FB7];
	_ =	sdelay $0x3  }
0x33: {  	p0 =	seq.s32 s10, $0x1;
	s10 =	sld [smem:$0x3FB9];
	_ =	sdelay $0x3  }
0x34: {  	[smem:$0x3FB9] =	sst s10  }
0x35: {  	s10 =	sld [smem:$0x3FB8];
	_ =	sdelay $0x3  }
0x36: {  	p1 =	seq.s32 s10, $0x1;
	s10 =	sld [smem:$0x3FB9];
	_ =	sdelay $0x3  }
0x37: {  	[smem:$0x3FB9] =	sst s10  }
0x38: {  	s10 =	sld [smem:$0x3FBA]  }
0x39: {  	_ = 	snop;
	(pc) =	sbr.ind lr, $3  }
0x3a: {  	_ = 	snop  }
0x3b: {  	_ = 	snop  }
0x3c: {  	p2 =	seq.s32 s10, $0x1;
	s10 =	sld [smem:$0x3FB9]  }
0x3d: {  	_ =	shalt  }
0x3e: {  	_ =	shalt  }
0x3f: {  	_ =	shalt  }
0x40: {  	_ =	shalt  }
0x41: {  	_ =	shalt  }
0x42: {  	_ =	shalt  }
0x43: {  	_ =	shalt  }
0x44: {  	_ =	shalt  }
0x45: {  	_ =	shalt  }
0x46: {  	_ =	shalt  }
0x47: {  	_ =	shalt  }
0x48: {  	_ =	shalt  }
0x49: {  	_ =	shalt  }
0x4a: {  	_ =	shalt  }
0x4b: {  	_ =	shalt  }
0x4c: {  	_ =	shalt  }
0x4d: {  	_ =	shalt  }
0x4e: {  	_ =	shalt  }
0x4f: {  	_ =	shalt  }
0x50: {  	_ =	shalt  }
0x51: {  	_ =	shalt  }
0x52: {  	_ =	shalt  }
0x53: {  	_ =	shalt  }
0x54: {  	_ =	shalt  }
0x55: {  	_ =	shalt  }
0x56: {  	_ =	shalt  }
0x57: {  	_ =	shalt  }
0x58: {  	_ =	shalt  }
0x59: {  	_ =	shalt  }
0x5a: {  	_ =	shalt  }
0x5b: {  	_ =	shalt  }
0x5c: {  	_ =	shalt  }
0x5d: {  	_ =	shalt  }
0x5e: {  	_ =	shalt  }
0x5f: {  	_ =	shalt  }
0x60: {  	_ =	shalt  }
0x61: {  	_ =	shalt  }
0x62: {  	_ =	shalt  }
0x63: {  	_ =	shalt  }
0x64: {  	_ =	shalt  }
0x65: {  	_ =	shalt  }
0x66: {  	_ =	shalt  }
0x67: {  	_ =	shalt  }
0x68: {  	_ =	shalt  }
0x69: {  	_ =	shalt  }
0x6a: {  	_ =	shalt  }
0x6b: {  	_ =	shalt  }
0x6c: {  	_ =	shalt  }
0x6d: {  	_ =	shalt  }
0x6e: {  	_ =	shalt  }
0x6f: {  	_ =	shalt  }
0x70: {  	_ =	shalt  }
0x71: {  	_ =	shalt  }
0x72: {  	_ =	shalt  }
0x73: {  	_ =	shalt  }
0x74: {  	_ =	shalt  }
0x75: {  	_ =	shalt  }
0x76: {  	_ =	shalt  }
0x77: {  	_ =	shalt  }
0x78: {  	_ =	shalt  }
0x79: {  	_ =	shalt  }
0x7a: {  	_ =	shalt  }
0x7b: {  	_ =	shalt  }
0x7c: {  	_ =	shalt  }
0x7d: {  	_ =	shalt  }
0x7e: {  	_ =	shalt  }
0x7f: {  	_ =	shalt  }
0x80: {  	_ =	shalt  }
0x81: {  	_ =	shalt  }
0x82: {  	_ =	shalt  }
0x83: {  	_ =	shalt  }
0x84: {  	_ =	shalt  }
0x85: {  	_ =	shalt  }
0x86: {  	_ =	shalt  }
0x87: {  	_ =	shalt  }
.Lfunc_end0:
.L_simem_size_0:
called_computation_lowered:
.L_overlay_start_0:
0x88: {  	s2 =	sld [smem:$0x3FD9]  }
0x89: {  	s3 =	sld [smem:$0x3FFE];
	_ =	sdelay $0x1  }
0x8a: {  	s1 =	srdreg.scid  }
0x8b: {  	s0 =	sand.u32 $0x1, s1  }
0x8c: {  	s14 =	sshll.u32 s0, $0xA;
	s2 =	sadd.s32 s3, s2  }
0x8d: {  	s2 =	sadd.s32 s2, s14  }
0x8e: {  	[smem:$0x3FC5] =	sst s2  }
0x8f: {  	_ = 	snop  }
0x90: {  	s2 =	sld [smem:$0x3FD0];
	_ =	sdelay $0x2  }
0x91: {  	s15 =	simm.s32 $0xA;
	s4 =	simm.s32 $0x10  }
0x92: {  	[smem:s4], [sflag:s15] =	dma.local [hbm:s2], $0x1  }
0x93: {  	_ =	swait.eq [sflag:s15], $0x1  }
0x94: {  	[sflag:s15] =	ssyncset.done $0x0  }
0x95: {  	[sflag:s15] =	ssyncadd.s32 $0xFFFFFFFF  }
0x96: {  	s16 =	sld [smem:$0x10];
	(tm) =	ssettm $0x1  }
0x97: {  	s17 =	sld [smem:$0x3FFB];
	_ =	sdelay $0x3  }
0x98: {  	_ =	strace s17  }
0x99: {  	s3 =	sld [smem:$0x3FFC];
	_ =	sdelay $0x3  }
0x9a: {  	_ =	strace s3  }
0x9b: {  	s3 =	sld [smem:$0x3FFD];
	_ =	sdelay $0x3  }
0x9c: {  	_ =	strace s3  }
0x9d: {  	_ =	strace $0x8FFFFFFF  }
0x9e: {  	s18 =	sld [smem:$0x3FDB];
	_ =	sdelay $0x1  }
0x9f: {  	s19 =	simm.s32 $_scs_section_size  }
0xa0: {  	s5 =	simm.s32 $_size__tile_overlayer_lowered;
	s6 =	simm.s32 $_tile_overlayer_lowered  }
0xa1: {  	s22 =	simm.s32 $0x1BFF;
	s21 =	sshll.u32 s6, $0x1;
	s3 =	sadd.s32 s19, s18  }
0xa2: {  	s7 =	simm.s32 $0x0;
	s20 =	sshll.u32 s5, $0x1;
	s5 =	sadd.s32 s21, s3  }
0xa3: {  	[timem:s7], [sflag:s22] =	dma.local [hbm:s5], s20  }
0xa4: {  	_ =	swait.ge [sflag:s22], s20  }
0xa5: {  	s4 =	ssub.s32 $0x0, s20;
	[sflag:s22] =	ssyncset.done $0x0  }
0xa6: {  	[sflag:s22] =	ssyncadd.s32 s4;
	_ =	sdelay $0x1  }
0xa7: {  	s23 =	simm.s32 $0x1B8B  }
0xa8: {  	_ =	swait.ge [sflag:s23], $0x1  }
0xa9: {  	[sflag:s23] =	ssyncset.done $0x0  }
0xaa: {  	s25 =	simm.s32 $0x1B8E;
	s24 =	sld [smem:$0x3FFE];
	[sflag:s23] =	ssyncadd.s32 $0xFFFFFFFF  }
0xab: {  	s26 =	simm.s32 $execute0_lowered;
	[smem:$0x3FD2] =	sst s25  }
0xac: {  	s5 =	sshll.u32 s26, $0x1;
	_ =	strace $0x80000046;
	[dreg:$0x1] =	wrdreg $0xFFFFFFFF  }
0xad: {  	s28 =	simm.s32 $_size_execute0_lowered;
	s3 =	sadd.s32 s3, s5;
	[dreg:$0x0] =	wrdreg $0x0  }
0xae: {  	s5 =	sshll.u32 s28, $0x1;
	[dreg:$0x2] =	wrdreg s3  }
0xaf: {  	[dreg:$0x3] =	wrdreg s5  }
0xb0: {  	[dreg:$0x4] =	wrdreg $0xC0  }
0xb1: {  	_ =	task [dreg:s7], $0x5FFFF  }
0xb2: {  	[dreg:$0x1] =	wrdreg $0xFFFFFFFF  }
0xb3: {  	[dreg:$0x0] =	wrdreg $0x60  }
0xb4: {  	[dreg:$0x2] =	wrdreg s16  }
0xb5: {  	[dreg:$0x3] =	wrdreg s24  }
0xb6: {  	[dreg:$0x4] =	wrdreg $0x9  }
0xb7: {  	_ =	task.clear_ibuf [dreg:s7], $0x5FFFF;
	_ =	strace $0x90000046  }
0xb8: {  	s29 =	simm.s32 $0x9;
	_ =	strace $0x80000048  }
0xb9: {  	_ =	swait.ge [sflag:s29], $0x1  }
0xba: {  	[sflag:s29] =	ssyncadd.s32 $0xFFFFFFFF  }
0xbb: {  	_ =	strace $0x90000048  }
0xbc: {  	_ =	sfence  }
0xbd: {  	s30 =	sld [smem:$0x0];
	_ =	sdelay $0x2  }
0xbe: {  	s31 =	sshll.u32 s1, $0xD;
	s1 =	sshrl.u32 s1, $0x2  }
0xbf: {  	s3 =	sand.u32 $0x4000, s31;
	s1 =	sadd.s32 s1, s30  }
0xc0: {  	s0 =	sor.u32 s3, s0;
	s1 =	sshll.u32 s1, $0x11  }
0xc1: {  	s0 =	sor.u32 s1, s0  }
0xc2: {  	s0 =	sadd.s32 $0x8F2B, s0  }
0xc3: {  	[sflag:s0] =	ssyncadd.remote.s32 $0x1  }
0xc4: {  	_ =	sfence.sel $0xFFFF  }
0xc5: {  	[dreg:$0x0] =	wrdreg $0xFFFFFFFF;
	(pc) =	sbr.abs _section_cstart, $3  }
0xc6: {  	[dreg:$0x1] =	wrdreg $0xFFFFFFFF  }
0xc7: {  	_ =	task.clear_ibuf [dreg:s7], $0x2FFFF;
	_ =	strace $0x9FFFFFFF  }
0xc8: {  	(tm) =	ssettm $0x7FFFFFFF  }
0xc9: {  	_ =	shalt  }
tec
execute0_lowered:
.L_overlay_start_1:
0x0: {  	(tag) =	ssettag $0x1  }
0x1: {  	s3 =	rddreg [dreg:$0x0]  }
0x2: {  	v0 =	vlaneseq.u32;
	v1 =	vimm.f32 $0.0e+00;
	v33 =	vimm.s32 $0x0;
	s4 =	rddreg [dreg:$0x1];
	s2 =	srdreg.scid  }
0x3: {  	v6 =	vimm.s32 $0x2;
	v7 =	vimm.s32 $0x4;
	v8 =	vimm.s32 $0x6;
	s0 =	rddreg [dreg:$0x2];
	s1 =	stileid.u32;
	s9 =	simm.s32 $0x1  }
0x4: {  	v5 =	vimm.s32 $0x8;
	v22 =	vimm.s32 $0xA;
	v23 =	vimm.s32 $0xC;
	s10 =	simm.s32 $0x4000;
	s11 =	simm.s32 $0xC000;
	s12 =	simm.s32 $0x0  }
0x5: {  	v24 =	vimm.s32 $0xE;
	v25 =	vimm.s32 $0x10;
	v26 =	vimm.s32 $0x12;
	s5 =	sand.u32 $0x1, s2;
	s2 =	simm.s32 $0x0;
	s6 =	sshll.u32 s1, $0x9  }
0x6: {  	v27 =	vimm.s32 $0x14;
	v28 =	vimm.s32 $0x16;
	v29 =	vimm.s32 $0x18;
	s7 =	sshll.u32 s5, $0x8;
	[smem:$0x7FF] =	sst s2;
	s5 =	ssub.s32 $0x2, s5  }
0x7: {  	v30 =	vimm.s32 $0x1A;
	v31 =	vimm.s32 $0x1C;
	v32 =	vimm.s32 $0x1E;
	s6 =	sor.u32 s7, s6;
	_ =	strace $0x80000047;
	s8 =	sshrl.u32 s5, $0x1  }
0x8: {  	v34 =	vimm.s32 $0x20;
	v35 =	vimm.s32 $0x22;
	v36 =	vimm.s32 $0x24;
	s7 =	sshll.u32 s6, $0x4;
	s8 =	ssub.s32 s5, s8;
	s3 =	sadd.s32 s3, s6  }
0x9: {  	v37 =	vimm.s32 $0x26;
	v38 =	vimm.s32 $0x28;
	v63 =	vimm.s32 $0x2A;
	s7 =	sadd.s32 s7, s4;
	s6 =	smax.u32 s8, $0x1;
	s8 =	simm.s32 $0x10000  }
0xa: {  	v2 =	vor.u32 $0x10, v0;
	v3 =	vor.u32 $0x20, v0;
	v4 =	vor.u32 $0x30, v0;
	s4 =	sadd.s32 $0x1000, s7;
	s5 =	sadd.s32 $0x21000, s7;
	s7 =	simm.s32 $0x800  }
.LBB2_1:
0xb: {  	[tilespmem:s2], [sflag:$0x1] =	stream.strided.gather [hbm4b:s3+s7], $0x4000, s8, s7, $0x38;
	[tilespmem:$0x14000] =	vst v63  }
0xc: {  	_ =	swait.ge [sflag:s9], $0x4000  }
0xd: {  	[sflag:s9] =	ssyncset.done $0x0  }
0xe: {  	s13 =	simm.s32 $0xF;
	[sflag:s9] =	ssyncadd.s32 $0xFFFFC000  }
.LBB2_2:
0xf: {  	s14 =	sadd.s32 $0xFFFFFFF1, s13  }
0x10: {  	v9 =	vmov s14  }
0x11: {  	v10 =	vshll.u32 v9, $0x7  }
0x12: {  	v11 =	vor.u32 v0, v10  }
0x13: {  	v12 =	vor.u32 v2, v10  }
0x14: {  	s15 =	sshll.u32 s13, $0x7;
	v13 =	vor.u32 v3, v10  }
0x15: {  	s16 =	sadd.s32 $0xFFFFF900, s15;
	v10 =	vor.u32 v4, v10  }
0x16: {  	v14 =	vor.u32 s16, v0  }
0x17: {  	[tilespmem:v11+s10+$0x0] =	vst.idx.msk $0xffff, v1;
	v11 =	vor.u32 s16, v2  }
0x18: {  	v49 =	vor.u32 s16, v3;
	[tilespmem:v12+s10+$0x0] =	vst.idx.msk $0xffff, v1  }
0x19: {  	s18 =	sadd.s32 $0xFFFFF980, s15;
	v50 =	vor.u32 s16, v4;
	[tilespmem:v13+s10+$0x0] =	vst.idx.msk $0xffff, v1  }
0x1a: {  	[tilespmem:v10+s10+$0x0] =	vst.idx.msk $0xffff, v1;
	v10 =	vor.u32 s18, v0  }
0x1b: {  	v51 =	vor.u32 s18, v2;
	[tilespmem:v14+s10+$0x0] =	vst.idx.msk $0xffff, v1  }
0x1c: {  	[tilespmem:v11+s10+$0x0] =	vst.idx.msk $0xffff, v1;
	v11 =	vor.u32 s18, v3  }
0x1d: {  	s19 =	sadd.s32 $0xFFFFFA00, s15;
	v52 =	vor.u32 s18, v4;
	[tilespmem:v49+s10+$0x0] =	vst.idx.msk $0xffff, v1  }
0x1e: {  	v53 =	vor.u32 s19, v0;
	[tilespmem:v50+s10+$0x0] =	vst.idx.msk $0xffff, v1  }
0x1f: {  	[tilespmem:v10+s10+$0x0] =	vst.idx.msk $0xffff, v1;
	v10 =	vor.u32 s19, v2  }
0x20: {  	v54 =	vor.u32 s19, v3;
	[tilespmem:v51+s10+$0x0] =	vst.idx.msk $0xffff, v1  }
0x21: {  	s20 =	sadd.s32 $0xFFFFFA80, s15;
	[tilespmem:v11+s10+$0x0] =	vst.idx.msk $0xffff, v1;
	v11 =	vor.u32 s19, v4  }
0x22: {  	v55 =	vor.u32 s20, v0;
	[tilespmem:v52+s10+$0x0] =	vst.idx.msk $0xffff, v1  }
0x23: {  	v56 =	vor.u32 s20, v2;
	[tilespmem:v53+s10+$0x0] =	vst.idx.msk $0xffff, v1  }
0x24: {  	[tilespmem:v10+s10+$0x0] =	vst.idx.msk $0xffff, v1;
	v10 =	vor.u32 s20, v3  }
0x25: {  	s21 =	sadd.s32 $0xFFFFFB00, s15;
	v57 =	vor.u32 s20, v4;
	[tilespmem:v54+s10+$0x0] =	vst.idx.msk $0xffff, v1  }
0x26: {  	[tilespmem:v11+s10+$0x0] =	vst.idx.msk $0xffff, v1;
	v11 =	vor.u32 s21, v0  }
0x27: {  	v58 =	vor.u32 s21, v2;
	[tilespmem:v55+s10+$0x0] =	vst.idx.msk $0xffff, v1  }
0x28: {  	v59 =	vor.u32 s21, v3;
	[tilespmem:v56+s10+$0x0] =	vst.idx.msk $0xffff, v1  }
0x29: {  	s22 =	sadd.s32 $0xFFFFFB80, s15;
	[tilespmem:v10+s10+$0x0] =	vst.idx.msk $0xffff, v1;
	v10 =	vor.u32 s21, v4  }
0x2a: {  	v60 =	vor.u32 s22, v0;
	[tilespmem:v57+s10+$0x0] =	vst.idx.msk $0xffff, v1  }
0x2b: {  	[tilespmem:v11+s10+$0x0] =	vst.idx.msk $0xffff, v1;
	v11 =	vor.u32 s22, v2  }
0x2c: {  	v61 =	vor.u32 s22, v3;
	[tilespmem:v58+s10+$0x0] =	vst.idx.msk $0xffff, v1  }
0x2d: {  	s23 =	sadd.s32 $0xFFFFFC00, s15;
	v62 =	vor.u32 s22, v4;
	[tilespmem:v59+s10+$0x0] =	vst.idx.msk $0xffff, v1  }
0x2e: {  	[tilespmem:v10+s10+$0x0] =	vst.idx.msk $0xffff, v1;
	v10 =	vor.u32 s23, v0  }
0x2f: {  	v16 =	vor.u32 s23, v2;
	[tilespmem:v60+s10+$0x0] =	vst.idx.msk $0xffff, v1  }
0x30: {  	[tilespmem:v11+s10+$0x0] =	vst.idx.msk $0xffff, v1;
	v11 =	vor.u32 s23, v3  }
0x31: {  	s24 =	sadd.s32 $0xFFFFFC80, s15;
	v17 =	vor.u32 s23, v4;
	[tilespmem:v61+s10+$0x0] =	vst.idx.msk $0xffff, v1  }
0x32: {  	v18 =	vor.u32 s24, v0;
	[tilespmem:v62+s10+$0x0] =	vst.idx.msk $0xffff, v1  }
0x33: {  	[tilespmem:v10+s10+$0x0] =	vst.idx.msk $0xffff, v1;
	v10 =	vor.u32 s24, v2  }
0x34: {  	v19 =	vor.u32 s24, v3;
	[tilespmem:v16+s10+$0x0] =	vst.idx.msk $0xffff, v1  }
0x35: {  	s25 =	sadd.s32 $0xFFFFFD00, s15;
	[tilespmem:v11+s10+$0x0] =	vst.idx.msk $0xffff, v1;
	v11 =	vor.u32 s24, v4  }
0x36: {  	v39 =	vor.u32 s25, v0;
	[tilespmem:v17+s10+$0x0] =	vst.idx.msk $0xffff, v1  }
0x37: {  	v40 =	vor.u32 s25, v2;
	[tilespmem:v18+s10+$0x0] =	vst.idx.msk $0xffff, v1  }
0x38: {  	[tilespmem:v10+s10+$0x0] =	vst.idx.msk $0xffff, v1;
	v10 =	vor.u32 s25, v3  }
0x39: {  	s26 =	sadd.s32 $0xFFFFFD80, s15;
	v41 =	vor.u32 s25, v4;
	[tilespmem:v19+s10+$0x0] =	vst.idx.msk $0xffff, v1  }
0x3a: {  	[tilespmem:v11+s10+$0x0] =	vst.idx.msk $0xffff, v1;
	v11 =	vor.u32 s26, v0  }
0x3b: {  	v42 =	vor.u32 s26, v2;
	[tilespmem:v39+s10+$0x0] =	vst.idx.msk $0xffff, v1  }
0x3c: {  	v43 =	vor.u32 s26, v3;
	[tilespmem:v40+s10+$0x0] =	vst.idx.msk $0xffff, v1  }
0x3d: {  	s28 =	sadd.s32 $0xFFFFFE00, s15;
	[tilespmem:v10+s10+$0x0] =	vst.idx.msk $0xffff, v1;
	v10 =	vor.u32 s26, v4  }
0x3e: {  	v44 =	vor.u32 s28, v0;
	[tilespmem:v41+s10+$0x0] =	vst.idx.msk $0xffff, v1  }
0x3f: {  	[tilespmem:v11+s10+$0x0] =	vst.idx.msk $0xffff, v1;
	v11 =	vor.u32 s28, v2  }
0x40: {  	v45 =	vor.u32 s28, v3;
	[tilespmem:v42+s10+$0x0] =	vst.idx.msk $0xffff, v1  }
0x41: {  	s29 =	sadd.s32 $0xFFFFFE80, s15;
	v46 =	vor.u32 s28, v4;
	[tilespmem:v43+s10+$0x0] =	vst.idx.msk $0xffff, v1  }
0x42: {  	[tilespmem:v10+s10+$0x0] =	vst.idx.msk $0xffff, v1;
	v10 =	vor.u32 s29, v0  }
0x43: {  	v47 =	vor.u32 s29, v2;
	[tilespmem:v44+s10+$0x0] =	vst.idx.msk $0xffff, v1  }
0x44: {  	[tilespmem:v11+s10+$0x0] =	vst.idx.msk $0xffff, v1;
	v11 =	vor.u32 s29, v3  }
0x45: {  	s30 =	sadd.s32 $0xFFFFFF00, s15;
	v48 =	vor.u32 s29, v4;
	[tilespmem:v45+s10+$0x0] =	vst.idx.msk $0xffff, v1  }
0x46: {  	v49 =	vor.u32 s30, v0;
	[tilespmem:v46+s10+$0x0] =	vst.idx.msk $0xffff, v1  }
0x47: {  	[tilespmem:v10+s10+$0x0] =	vst.idx.msk $0xffff, v1;
	v10 =	vor.u32 s30, v2  }
0x48: {  	v50 =	vor.u32 s30, v3;
	[tilespmem:v47+s10+$0x0] =	vst.idx.msk $0xffff, v1  }
0x49: {  	s31 =	sadd.s32 $0xFFFFFF80, s15;
	[tilespmem:v11+s10+$0x0] =	vst.idx.msk $0xffff, v1;
	v11 =	vor.u32 s30, v4  }
0x4a: {  	v51 =	vor.u32 s31, v0;
	[tilespmem:v48+s10+$0x0] =	vst.idx.msk $0xffff, v1  }
0x4b: {  	v52 =	vor.u32 s31, v2;
	[tilespmem:v49+s10+$0x0] =	vst.idx.msk $0xffff, v1  }
0x4c: {  	[tilespmem:v10+s10+$0x0] =	vst.idx.msk $0xffff, v1;
	v10 =	vor.u32 s31, v3  }
0x4d: {  	v15 =	vor.u32 s31, v4;
	[tilespmem:v50+s10+$0x0] =	vst.idx.msk $0xffff, v1  }
0x4e: {  	[tilespmem:v11+s10+$0x0] =	vst.idx.msk $0xffff, v1;
	v11 =	vor.u32 s15, v0  }
0x4f: {  	v53 =	vor.u32 s15, v2;
	[tilespmem:v51+s10+$0x0] =	vst.idx.msk $0xffff, v1  }
0x50: {  	v9 =	vshll.u32 v9, $0x3;
	v54 =	vor.u32 s14, v0;
	v55 =	vor.u32 s15, v3;
	[tilespmem:v52+s10+$0x0] =	vst.idx.msk $0xffff, v1  }
0x51: {  	v39 =	vand.u32 $0x7F, v54;
	v40 =	vand.u32 $0x400, v9;
	[tilespmem:v10+s10+$0x0] =	vst.idx.msk $0xffff, v1;
	v10 =	vor.u32 s15, v4  }
0x52: {  	v41 =	vor.u32 v39, v40;
	[tilespmem:v15+s10+$0x0] =	vst.idx.msk $0xffff, v1  }
0x53: {  	v56 =	vor.u32 $0x100, v41;
	[tilespmem:v11+s10+$0x0] =	vst.idx.msk $0xffff, v1  }
0x54: {  	v57 =	vor.u32 $0x180, v41;
	[tilespmem:v53+s10+$0x0] =	vst.idx.msk $0xffff, v1  }
0x55: {  	v59 =	vor.u32 $0x280, v41;
	[tilespmem:v55+s10+$0x0] =	vst.idx.msk $0xffff, v1  }
0x56: {  	v16 =	vor.u32 $0x300, v41;
	v42 =	vor.u32 $0x380, v39;
	[tilespmem:v10+s10+$0x0] =	vst.idx.msk $0xffff, v1  }
0x57: {  	v17 =	vor.u32 v9, v42;
	v58 =	vld.idx.msk [tilespmem:v41+s2+$0x0], $0xffff  }
0x58: {  	v18 =	vor.u32 $0x800, v41;
	v12 =	vld.idx.msk [tilespmem:v56+s2+$0x0], $0xffff  }
0x59: {  	v19 =	vor.u32 $0x880, v41;
	v13 =	vld.idx.msk [tilespmem:v57+s2+$0x0], $0xffff  }
0x5a: {  	v11 =	vor.u32 $0x80, v41;
	v15 =	vld.idx.msk [tilespmem:v59+s2+$0x0], $0xffff  }
0x5b: {  	v60 =	vor.u32 $0x980, v41;
	v16 =	vld.idx.msk [tilespmem:v16+s2+$0x0], $0xffff  }
0x5c: {  	v10 =	vor.u32 $0x200, v41;
	v17 =	vld.idx.msk [tilespmem:v17+s2+$0x0], $0xffff  }
0x5d: {  	v50 =	vor.u32 $0x1080, v41;
	v18 =	vld.idx.msk [tilespmem:v18+s2+$0x0], $0xffff  }
0x5e: {  	v45 =	vor.u32 $0xA80, v41;
	v19 =	vld.idx.msk [tilespmem:v19+s2+$0x0], $0xffff  }
0x5f: {  	v20 =	vor.u32 $0x900, v41;
	v11 =	vld.idx.msk [tilespmem:v11+s2+$0x0], $0xffff  }
0x60: {  	[tilespmem:$0x1FF90] =	vst v54;
	v54 =	vor.u32 $0x1180, v41;
	v43 =	vor.u32 v9, v39;
	v44 =	vor.u32 $0xA00, v41;
	v14 =	vld.idx.msk [tilespmem:v60+s2+$0x0], $0xffff  }
0x61: {  	v62 =	vor.u32 $0xB80, v43;
	v46 =	vor.u32 $0xB00, v41;
	v51 =	vor.u32 $0x1900, v41;
	v10 =	vld.idx.msk [tilespmem:v10+s2+$0x0], $0xffff  }
0x62: {  	v56 =	vor.u32 $0x1200, v41;
	v59 =	vld.idx.msk [tilespmem:v50+s2+$0x0], $0xffff;
	v60 =	vor.u32 $0x1300, v41;
	v50 =	vor.u32 $0x1880, v41  }
0x63: {  	v49 =	vld.idx.msk [tilespmem:v45+s2+$0x0], $0xffff;
	v45 =	vor.u32 $0x2900, v41;
	vm8 =	vgt.f32 v13, v12;
	vm1 =	vgt.f32 v17, v16  }
0x64: {  	vm13 =	vgt.f32 v19, v18;
	vm0 =	vgt.f32 v11, v58;
	v12 =	vsel vm8, v13, v12  }
0x65: {  	v48 =	vld.idx.msk [tilespmem:v44+s2+$0x0], $0xffff;
	v61 =	vsel vm8, $0x3, v6;
	v16 =	vsel vm1, v17, v16;
	v11 =	vsel vm0, v11, v58  }
0x66: {  	v21 =	vsel vm0, $0x1, v33;
	vm10 =	vgt.f32 v12, v11;
	vm9 =	vgt.f32 v15, v10  }
0x67: {  	v13 =	vsel vm10, v61, v21;
	v21 =	vor.u32 $0x1000, v41;
	v9 =	vsel vm9, v15, v10;
	v10 =	vld.idx.msk [tilespmem:v20+s2+$0x0], $0xffff  }
0x68: {  	v47 =	vsel vm1, $0x7, v8;
	v58 =	vor.u32 $0x1280, v41;
	vm11 =	vgt.f32 v16, v9  }
0x69: {  	v11 =	vsel vm10, v12, v11;
	v20 =	vsel vm9, $0x5, v7;
	v9 =	vsel vm11, v16, v9  }
0x6a: {  	vm15 =	vgt.f32 v49, v48;
	v17 =	vsel vm11, v47, v20;
	v20 =	vld.idx.msk [tilespmem:v46+s2+$0x0], $0xffff;
	vm12 =	vgt.f32 v9, v11  }
0x6b: {  	v52 =	vsel vm13, v19, v18;
	v53 =	vsel vm12, v9, v11;
	v9 =	vld.idx.msk [tilespmem:v62+s2+$0x0], $0xffff;
	v11 =	vor.u32 $0x1100, v41  }
0x6c: {  	v55 =	vsel vm13, $0x9, v5;
	v5 =	vimm.s32 $0x2C;
	v57 =	vld.idx.msk [tilespmem:v21+s2+$0x0], $0xffff;
	vm14 =	vgt.f32 v14, v10  }
0x6d: {  	v12 =	vsel vm15, v49, v48;
	v48 =	vor.u32 $0x1800, v41;
	v49 =	vld.idx.msk [tilespmem:v58+s2+$0x0], $0xffff;
	v10 =	vsel vm14, v14, v10  }
0x6e: {  	v61 =	vsel vm15, $0xD, v23;
	v47 =	vor.u32 $0x1380, v43;
	v62 =	vld.idx.msk [tilespmem:v56+s2+$0x0], $0xffff;
	vm5 =	vgt.f32 v10, v52  }
0x6f: {  	v15 =	vld.idx.msk [tilespmem:v54+s2+$0x0], $0xffff;
	v46 =	vsel vm12, v17, v13;
	v21 =	vsel vm14, $0xB, v22;
	v10 =	vsel vm5, v10, v52  }
0x70: {  	v17 =	vsel vm5, v21, v55;
	v52 =	vor.u32 $0x1A00, v41;
	vm4 =	vgt.f32 v9, v20;
	v11 =	vld.idx.msk [tilespmem:v11+s2+$0x0], $0xffff  }
0x71: {  	vm8 =	vgt.f32 v59, v57;
	v9 =	vsel vm4, v9, v20;
	v20 =	vsel vm4, $0xF, v24  }
0x72: {  	v18 =	vld.idx.msk [tilespmem:v48+s2+$0x0], $0xffff;
	v14 =	vsel vm8, v59, v57;
	v59 =	vor.u32 $0x1B80, v43;
	vm6 =	vgt.f32 v9, v12  }
0x73: {  	v13 =	vld.idx.msk [tilespmem:v51+s2+$0x0], $0xffff;
	vm10 =	vgt.f32 v49, v62;
	v9 =	vsel vm6, v9, v12;
	v20 =	vsel vm6, v20, v61  }
0x74: {  	v21 =	vld.idx.msk [tilespmem:v60+s2+$0x0], $0xffff;
	v12 =	vsel vm10, v49, v62;
	v62 =	vor.u32 $0x2200, v41;
	vm7 =	vgt.f32 v9, v10  }
0x75: {  	v54 =	vsel vm7, v9, v10;
	v9 =	vld.idx.msk [tilespmem:v47+s2+$0x0], $0xffff;
	v10 =	vor.u32 $0x1980, v41;
	vm9 =	vgt.f32 v15, v11  }
0x76: {  	v55 =	vsel vm7, v20, v17;
	v20 =	vor.u32 $0x1A80, v41;
	v11 =	vsel vm9, v15, v11;
	v15 =	vld.idx.msk [tilespmem:v50+s2+$0x0], $0xffff  }
0x77: {  	v48 =	vor.u32 $0x2000, v41;
	v56 =	vsel vm8, $0x11, v25;
	v19 =	vld.idx.msk [tilespmem:v59+s2+$0x0], $0xffff;
	v59 =	vor.u32 $0x2380, v43  }
0x78: {  	v57 =	vor.u32 $0x1B00, v41;
	v60 =	vsel vm10, $0x15, v27;
	v16 =	vld.idx.msk [tilespmem:v52+s2+$0x0], $0xffff;
	v50 =	vor.u32 $0x2100, v41  }
0x79: {  	v49 =	vor.u32 $0x2080, v41;
	v61 =	vor.u32 $0x2180, v41;
	v52 =	vor.u32 $0x2280, v41;
	v44 =	vld.idx.msk [tilespmem:v62+s2+$0x0], $0xffff  }
0x7a: {  	v58 =	vsel vm9, $0x13, v26;
	vm12 =	vgt.f32 v11, v14;
	vm11 =	vgt.f32 v9, v21;
	v10 =	vld.idx.msk [tilespmem:v10+s2+$0x0], $0xffff  }
0x7b: {  	v11 =	vsel vm12, v11, v14;
	v17 =	vsel vm12, v58, v56;
	v20 =	vld.idx.msk [tilespmem:v20+s2+$0x0], $0xffff;
	v9 =	vsel vm11, v9, v21  }
0x7c: {  	v62 =	vor.u32 $0x2880, v41;
	vm15 =	vgt.f32 v15, v18;
	v47 =	vld.idx.msk [tilespmem:v59+s2+$0x0], $0xffff;
	vm13 =	vgt.f32 v9, v12  }
0x7d: {  	v21 =	vsel vm11, $0x17, v28;
	v15 =	vsel vm15, v15, v18;
	v18 =	vld.idx.msk [tilespmem:v50+s2+$0x0], $0xffff;
	v9 =	vsel vm13, v9, v12  }
0x7e: {  	v59 =	vor.u32 $0x2A00, v41;
	v50 =	vor.u32 $0x3100, v41;
	v12 =	vld.idx.msk [tilespmem:v57+s2+$0x0], $0xffff;
	vm14 =	vgt.f32 v9, v11  }
0x7f: {  	v21 =	vsel vm13, v21, v60;
	v60 =	vor.u32 $0x2800, v41;
	v9 =	vsel vm14, v9, v11  }
0x80: {  	v11 =	vld.idx.msk [tilespmem:v48+s2+$0x0], $0xffff;
	v56 =	vsel vm14, v21, v17;
	v21 =	vor.u32 $0x2300, v41;
	vm4 =	vgt.f32 v10, v13  }
0x81: {  	v17 =	vld.idx.msk [tilespmem:v49+s2+$0x0], $0xffff;
	v48 =	vsel vm15, $0x19, v29;
	vm5 =	vgt.f32 v20, v16;
	v49 =	vor.u32 $0x3180, v41  }
0x82: {  	v10 =	vsel vm4, v10, v13;
	v13 =	vld.idx.msk [tilespmem:v61+s2+$0x0], $0xffff;
	v61 =	vsel vm4, $0x1B, v30;
	v16 =	vsel vm5, v20, v16  }
0x83: {  	v20 =	vld.idx.msk [tilespmem:v52+s2+$0x0], $0xffff;
	v51 =	vsel vm5, $0x1D, v31;
	vm7 =	vgt.f32 v10, v15;
	vm6 =	vgt.f32 v19, v12  }
0x84: {  	v10 =	vsel vm7, v10, v15;
	v14 =	vld.idx.msk [tilespmem:v60+s2+$0x0], $0xffff;
	v60 =	vor.u32 $0x2A80, v41;
	v48 =	vsel vm7, v61, v48  }
0x85: {  	v45 =	vld.idx.msk [tilespmem:v45+s2+$0x0], $0xffff;
	v61 =	vor.u32 $0x2B00, v41;
	v12 =	vsel vm6, v19, v12;
	v52 =	vsel vm6, $0x1F, v32  }
0x86: {  	v32 =	vor.u32 $0x2B80, v43;
	v19 =	vld.idx.msk [tilespmem:v21+s2+$0x0], $0xffff;
	v21 =	vor.u32 $0x2980, v41;
	vm8 =	vgt.f32 v12, v16  }
0x87: {  	vm10 =	vgt.f32 v17, v11;
	v12 =	vsel vm8, v12, v16;
	v16 =	vld.idx.msk [tilespmem:v62+s2+$0x0], $0xffff;
	v62 =	vsel vm8, v52, v51  }
0x88: {  	v50 =	vld.idx.msk [tilespmem:v50+s2+$0x0], $0xffff;
	v11 =	vsel vm10, v17, v11;
	vm11 =	vgt.f32 v13, v18;
	vm12 =	vgt.f32 v20, v44  }
0x89: {  	v17 =	vld.idx.msk [tilespmem:v59+s2+$0x0], $0xffff;
	vm9 =	vgt.f32 v12, v10;
	v13 =	vsel vm11, v13, v18;
	v20 =	vsel vm12, v20, v44  }
0x8a: {  	v58 =	vsel vm9, v12, v10;
	v10 =	vor.u32 $0x3000, v41;
	v57 =	vsel vm9, v62, v48;
	v15 =	vld.idx.msk [tilespmem:v60+s2+$0x0], $0xffff  }
0x8b: {  	v48 =	vsel vm10, $0x21, v34;
	v18 =	vld.idx.msk [tilespmem:v61+s2+$0x0], $0xffff;
	v34 =	vsel vm11, $0x23, v35;
	v35 =	vor.u32 $0x3200, v41  }
0x8c: {  	v36 =	vsel vm12, $0x25, v36;
	v61 =	vor.u32 $0x3280, v41;
	vm14 =	vgt.f32 v13, v11;
	v44 =	vld.idx.msk [tilespmem:v32+s2+$0x0], $0xffff  }
0x8d: {  	v62 =	vor.u32 $0x3380, v43;
	v43 =	vor.u32 $0x3B80, v43;
	v11 =	vsel vm14, v13, v11;
	v13 =	vld.idx.msk [tilespmem:v49+s2+$0x0], $0xffff  }
0x8e: {  	v32 =	vor.u32 $0x3300, v41;
	v48 =	vsel vm14, v34, v48;
	v34 =	vor.u32 $0x3880, v41;
	v12 =	vld.idx.msk [tilespmem:v21+s2+$0x0], $0xffff  }
0x8f: {  	v21 =	vor.u32 $0x3080, v41;
	vm13 =	vgt.f32 v47, v19;
	vm5 =	vgt.f32 v16, v14;
	v60 =	vld.idx.msk [tilespmem:v10+s2+$0x0], $0xffff  }
0x90: {  	v37 =	vsel vm13, $0x27, v37;
	v14 =	vsel vm5, v16, v14;
	v10 =	vsel vm13, v47, v19;
	v49 =	vld.idx.msk [tilespmem:v35+s2+$0x0], $0xffff  }
0x91: {  	v52 =	vld.idx.msk [tilespmem:v61+s2+$0x0], $0xffff;
	v35 =	vor.u32 $0x3980, v41;
	v61 =	vsel vm5, $0x29, v38;
	vm7 =	vgt.f32 v15, v17  }
0x92: {  	vm15 =	vgt.f32 v10, v20;
	vm2 =	vgt.f32 v44, v18;
	v15 =	vsel vm7, v15, v17  }
0x93: {  	vm11 =	vgt.f32 v13, v50;
	v10 =	vsel vm15, v10, v20;
	v20 =	vor.u32 $0x3800, v41  }
0x94: {  	v16 =	vld.idx.msk [tilespmem:v62+s2+$0x0], $0xffff;
	v19 =	vsel vm15, v37, v36;
	v37 =	vor.u32 $0x3B00, v41;
	vm4 =	vgt.f32 v10, v11  }
0x95: {  	v21 =	vld.idx.msk [tilespmem:v21+s2+$0x0], $0xffff;
	vm6 =	vgt.f32 v12, v45;
	v10 =	vsel vm4, v10, v11;
	v11 =	vor.u32 $0x3900, v41  }
0x96: {  	v51 =	vld.idx.msk [tilespmem:v34+s2+$0x0], $0xffff;
	v36 =	vor.u32 $0x3A00, v41;
	v38 =	vsel vm2, v44, v18;
	v13 =	vsel vm11, v13, v50  }
0x97: {  	v12 =	vsel vm6, v12, v45;
	v45 =	vor.u32 $0x3A80, v41;
	v59 =	vsel vm4, v19, v48;
	v19 =	vld.idx.msk [tilespmem:v32+s2+$0x0], $0xffff  }
0x98: {  	vm3 =	vgt.f32 v38, v15;
	vm8 =	vgt.f32 v12, v14;
	v32 =	vsel vm7, $0x2D, v5;
	v20 =	vld.idx.msk [tilespmem:v20+s2+$0x0], $0xffff  }
0x99: {  	v34 =	vsel vm3, v38, v15;
	v5 =	vimm.s32 $0x2E;
	v12 =	vsel vm8, v12, v14;
	v37 =	vld.idx.msk [tilespmem:v37+s2+$0x0], $0xffff  }
0x9a: {  	vm12 =	vgt.f32 v52, v49;
	vm9 =	vgt.f32 v34, v12;
	vm10 =	vgt.f32 v21, v60;
	v18 =	vld.idx.msk [tilespmem:v11+s2+$0x0], $0xffff  }
0x9b: {  	v12 =	vsel vm9, v34, v12;
	v38 =	vsel vm10, v21, v60;
	v11 =	vsel vm6, $0x2B, v63;
	v63 =	vld.idx.msk [tilespmem:v35+s2+$0x0], $0xffff  }
0x9c: {  	v60 =	vsel vm12, v52, v49;
	v35 =	vld.idx.msk [tilespmem:v36+s2+$0x0], $0xffff;
	v36 =	vsel vm2, $0x2F, v5;
	v5 =	vimm.s32 $0x30  }
0x9d: {  	v45 =	vld.idx.msk [tilespmem:v45+s2+$0x0], $0xffff;
	vm7 =	vgt.f32 v16, v19;
	vm5 =	vgt.f32 v13, v38;
	v11 =	vsel vm8, v11, v61  }
0x9e: {  	v21 =	vld.idx.msk [tilespmem:v43+s2+$0x0], $0xffff;
	v17 =	vsel vm3, v36, v32;
	v43 =	vsel vm10, $0x31, v5;
	v5 =	vimm.s32 $0x32  }
0x9f: {  	v16 =	vsel vm7, v16, v19;
	v13 =	vsel vm5, v13, v38;
	vm10 =	vgt.f32 v54, v53  }
0xa0: {  	v11 =	vsel vm9, v17, v11;
	v47 =	vsel vm11, $0x33, v5;
	v5 =	vimm.s32 $0x34  }
0xa1: {  	vm9 =	vgt.f32 v16, v60;
	v32 =	vsel vm10, v54, v53;
	vm2 =	vgt.f32 v51, v20  }
0xa2: {  	v34 =	vsel vm10, $0x1, v33;
	v61 =	vsel vm12, $0x35, v5;
	v62 =	vsel vm2, v51, v20  }
0xa3: {  	vm0 =	vgt.f32 v21, v37;
	vm3 =	vgt.f32 v63, v18;
	vm4 =	vgt.f32 v45, v35  }
0xa4: {  	v14 =	vsel vm0, v21, v37;
	v18 =	vsel vm3, v63, v18;
	v15 =	vsel vm4, v45, v35  }
0xa5: {  	v16 =	vsel vm9, v16, v60;
	vm6 =	vgt.f32 v18, v62;
	vm1 =	vgt.f32 v14, v15  }
0xa6: {  	v5 =	vimm.s32 $0x36;
	v17 =	vsel vm6, v18, v62;
	v14 =	vsel vm1, v14, v15  }
0xa7: {  	v63 =	vsel vm7, $0x37, v5;
	vm7 =	vgt.f32 v16, v13;
	vm8 =	vgt.f32 v14, v17  }
0xa8: {  	vm10 =	vgt.f32 v58, v9;
	v13 =	vsel vm7, v16, v13;
	v14 =	vsel vm8, v14, v17  }
0xa9: {  	vm11 =	vgt.f32 v12, v10;
	v36 =	vsel vm10, $0x3, v6;
	vm12 =	vgt.f32 v14, v13  }
0xaa: {  	v20 =	vsel vm11, v12, v10;
	v35 =	vsel vm10, v58, v9;
	v21 =	vsel vm12, v14, v13  }
0xab: {  	v60 =	vsel vm5, v47, v43;
	vm13 =	vgt.f32 v35, v32;
	vm14 =	vgt.f32 v21, v20  }
0xac: {  	v37 =	vsel vm11, $0x5, v7;
	v44 =	vsel vm13, v35, v32;
	v45 =	vsel vm14, v21, v20  }
0xad: {  	v5 =	vimm.s32 $0x0;
	v51 =	vsel vm13, v36, v34;
	vm15 =	vgt.f32 v45, v44  }
0xae: {  	v15 =	vsel vm9, v63, v61;
	v38 =	vsel vm12, $0x7, v8;
	v5 =	vsel vm15, $0xFFFFFFFF, v5  }
0xaf: {  	v15 =	vsel vm7, v15, v60;
	v52 =	vsel vm14, v38, v37;
	[tilespmem:$0x1FF20] =	vst v5;
	v5 =	vimm.s32 $0x38  }
0xb0: {  	v16 =	vsel vm15, v52, v51;
	v61 =	vsel vm2, $0x39, v5;
	v5 =	vimm.s32 $0x3A  }
0xb1: {  	vm5 =	veq.s32 v16, $0x4;
	vm2 =	veq.s32 v16, $0x1;
	v62 =	vsel vm3, $0x3B, v5  }
0xb2: {  	v63 =	vsel vm2, v55, v46;
	vm3 =	veq.s32 v16, $0x2;
	v5 =	vimm.s32 $0x3C  }
0xb3: {  	v20 =	vsel vm4, $0x3D, v5;
	v19 =	vsel vm3, v56, v63;
	vm4 =	veq.s32 v16, $0x3  }
0xb4: {  	v5 =	vimm.s32 $0x3E;
	v17 =	vsel vm6, v62, v61;
	v19 =	vsel vm4, v57, v19  }
0xb5: {  	vm6 =	veq.s32 v16, $0x5;
	v21 =	vsel vm0, $0x3F, v5;
	v32 =	vsel vm5, v59, v19  }
0xb6: {  	vm7 =	veq.s32 v16, $0x6;
	v34 =	vsel vm1, v21, v20;
	v18 =	vsel vm6, v11, v32  }
0xb7: {  	v17 =	vsel vm8, v34, v17;
	vm8 =	veq.s32 v16, $0x7;
	v18 =	vsel vm7, v15, v18  }
0xb8: {  	v43 =	vsel vm8, v17, v18  }
0xb9: {  	v18 =	vshll.u32 v43, $0x8;
	v35 =	vshll.u32 v43, $0x7  }
0xba: {  	v18 =	vand.u32 $0x7FFFF800, v18;
	v19 =	vand.u32 $0x380, v35  }
0xbb: {  	v36 =	vshll.u32 v16, $0xB;
	v18 =	vor.u32 v18, v19  }
0xbc: {  	v19 =	vor.u32 v40, v36;
	v18 =	vor.u32 v18, v41  }
0xbd: {  	v47 =	vor.u32 $0x80, v39;
	v20 =	vor.u32 v39, v19  }
0xbe: {  	v48 =	vor.u32 $0x100, v39;
	v21 =	vor.u32 v19, v47  }
0xbf: {  	v49 =	vor.u32 $0x180, v39;
	v37 =	vor.u32 v19, v48  }
0xc0: {  	v50 =	vor.u32 $0x200, v39;
	v5 =	vimm.f32 $-Inf;
	v38 =	vor.u32 v19, v49  }
0xc1: {  	v51 =	vor.u32 $0x280, v39;
	v32 =	vor.u32 v19, v50;
	[tilespmem:v18+s2+$0x0] =	vst.idx.msk $0xffff, v5  }
0xc2: {  	v52 =	vor.u32 $0x300, v39;
	v34 =	vor.u32 v19, v51;
	v20 =	vld.idx.msk [tilespmem:v20+s2+$0x0], $0xffff  }
0xc3: {  	v35 =	vor.u32 v19, v52;
	v21 =	vld.idx.msk [tilespmem:v21+s2+$0x0], $0xffff  }
0xc4: {  	v19 =	vor.u32 v19, v42;
	v60 =	vld.idx.msk [tilespmem:v37+s2+$0x0], $0xffff  }
0xc5: {  	v61 =	vld.idx.msk [tilespmem:v38+s2+$0x0], $0xffff  }
0xc6: {  	v18 =	vld.idx.msk [tilespmem:v32+s2+$0x0], $0xffff  }
0xc7: {  	v62 =	vld.idx.msk [tilespmem:v34+s2+$0x0], $0xffff  }
0xc8: {  	v63 =	vld.idx.msk [tilespmem:v35+s2+$0x0], $0xffff  }
0xc9: {  	v19 =	vld.idx.msk [tilespmem:v19+s2+$0x0], $0xffff;
	_ =	sdelay $0x3  }
0xca: {  	v22 =	vshll.u32 v16, $0x3;
	vm12 =	vgt.f32 v21, v20  }
0xcb: {  	vm13 =	vgt.f32 v61, v60;
	vm14 =	vgt.f32 v62, v18;
	vm15 =	vgt.f32 v19, v63  }
0xcc: {  	v20 =	vsel vm12, v21, v20;
	v21 =	vsel vm12, $0x1, v33;
	v60 =	vsel vm13, v61, v60  }
0xcd: {  	v36 =	vsel vm13, $0x3, v6;
	v18 =	vsel vm14, v62, v18;
	v19 =	vsel vm15, v19, v63  }
0xce: {  	v37 =	vsel vm14, $0x5, v7;
	vm11 =	vgt.f32 v60, v20;
	vm12 =	vgt.f32 v19, v18  }
0xcf: {  	v38 =	vsel vm15, $0x7, v8;
	v20 =	vsel vm11, v60, v20;
	v18 =	vsel vm12, v19, v18  }
0xd0: {  	v32 =	vsel vm11, v36, v21;
	v21 =	vsel vm12, v38, v37;
	vm13 =	vgt.f32 v18, v20  }
0xd1: {  	vm0 =	veq.s32 v16, $0x0;
	v18 =	vsel vm13, v18, v20;
	v19 =	vsel vm13, v21, v32  }
0xd2: {  	v16 =	vsel vm0, v18, v53;
	v20 =	vsel vm2, v18, v54;
	v9 =	vsel vm3, v18, v9  }
0xd3: {  	v21 =	vsel vm4, v18, v58;
	v10 =	vsel vm5, v18, v10;
	v12 =	vsel vm6, v18, v12  }
0xd4: {  	v13 =	vsel vm7, v18, v13;
	v14 =	vsel vm8, v18, v14;
	vm14 =	vgt.f32 v20, v16  }
0xd5: {  	vm15 =	vgt.f32 v21, v9;
	vm12 =	vgt.f32 v12, v10;
	vm13 =	vgt.f32 v14, v13  }
0xd6: {  	v18 =	vsel vm14, v20, v16;
	v58 =	vsel vm14, $0x1, v33;
	v34 =	vsel vm15, v21, v9  }
0xd7: {  	v35 =	vsel vm15, $0x3, v6;
	v36 =	vsel vm12, v12, v10;
	v37 =	vsel vm13, v14, v13  }
0xd8: {  	v38 =	vsel vm12, $0x5, v7;
	vm14 =	vgt.f32 v34, v18;
	vm15 =	vgt.f32 v37, v36  }
0xd9: {  	v32 =	vsel vm13, $0x7, v8;
	v53 =	vsel vm14, v34, v18;
	v54 =	vsel vm15, v37, v36  }
0xda: {  	v34 =	vsel vm14, v35, v58;
	v35 =	vsel vm15, v32, v38;
	vm11 =	vgt.f32 v54, v53  }
0xdb: {  	v22 =	vor.u32 v22, v19;
	v18 =	vsel vm11, v35, v34  }
0xdc: {  	v19 =	vsel vm0, v19, v46;
	v55 =	vsel vm2, v22, v55;
	vm9 =	veq.s32 v18, $0x1  }
0xdd: {  	v56 =	vsel vm3, v22, v56;
	vm3 =	veq.s32 v18, $0x2;
	v46 =	vsel vm9, v55, v19  }
0xde: {  	v60 =	vsel vm4, v22, v57;
	vm10 =	veq.s32 v18, $0x3;
	v46 =	vsel vm3, v56, v46  }
0xdf: {  	v59 =	vsel vm5, v22, v59;
	vm5 =	veq.s32 v18, $0x4;
	v46 =	vsel vm10, v60, v46  }
0xe0: {  	v11 =	vsel vm6, v22, v11;
	vm6 =	veq.s32 v18, $0x5;
	v46 =	vsel vm5, v59, v46  }
0xe1: {  	v15 =	vsel vm7, v22, v15;
	vm7 =	veq.s32 v18, $0x6;
	v46 =	vsel vm6, v11, v46  }
0xe2: {  	v17 =	vsel vm8, v22, v17;
	vm8 =	veq.s32 v18, $0x7;
	v22 =	vsel vm7, v15, v46  }
0xe3: {  	v46 =	vsel vm8, v17, v22  }
0xe4: {  	v22 =	vshll.u32 v46, $0x8;
	v36 =	vshll.u32 v46, $0x7  }
0xe5: {  	v22 =	vand.u32 $0x7FFFF800, v22;
	v57 =	vand.u32 $0x380, v36  }
0xe6: {  	v37 =	vshll.u32 v18, $0xB;
	v22 =	vor.u32 v22, v57  }
0xe7: {  	v57 =	vor.u32 v40, v37;
	v22 =	vor.u32 v22, v41  }
0xe8: {  	v38 =	vor.u32 v39, v57  }
0xe9: {  	v5 =	vimm.s32 $0x0;
	v32 =	vor.u32 v57, v47  }
0xea: {  	v5 =	vsel vm11, $0xFFFFFFFF, v5;
	v34 =	vor.u32 v57, v48  }
0xeb: {  	[tilespmem:$0x1FF30] =	vst v5;
	v5 =	vimm.f32 $-Inf;
	v35 =	vor.u32 v57, v49  }
0xec: {  	v23 =	vor.u32 v57, v51;
	[tilespmem:v22+s2+$0x0] =	vst.idx.msk $0xffff, v5  }
0xed: {  	v24 =	vor.u32 v57, v52;
	v58 =	vld.idx.msk [tilespmem:v38+s2+$0x0], $0xffff  }
0xee: {  	v22 =	vor.u32 v57, v50;
	v61 =	vld.idx.msk [tilespmem:v32+s2+$0x0], $0xffff  }
0xef: {  	v57 =	vor.u32 v57, v42;
	v62 =	vld.idx.msk [tilespmem:v34+s2+$0x0], $0xffff  }
0xf0: {  	v63 =	vld.idx.msk [tilespmem:v35+s2+$0x0], $0xffff  }
0xf1: {  	v23 =	vld.idx.msk [tilespmem:v23+s2+$0x0], $0xffff  }
0xf2: {  	v24 =	vld.idx.msk [tilespmem:v24+s2+$0x0], $0xffff  }
0xf3: {  	v22 =	vld.idx.msk [tilespmem:v22+s2+$0x0], $0xffff  }
0xf4: {  	v57 =	vld.idx.msk [tilespmem:v57+s2+$0x0], $0xffff;
	_ =	sdelay $0x2  }
0xf5: {  	v25 =	vshll.u32 v18, $0x3;
	vm12 =	vgt.f32 v61, v58  }
0xf6: {  	vm13 =	vgt.f32 v63, v62;
	v58 =	vsel vm12, v61, v58;
	v36 =	vsel vm12, $0x1, v33  }
0xf7: {  	v62 =	vsel vm13, v63, v62;
	vm14 =	vgt.f32 v23, v22;
	vm15 =	vgt.f32 v57, v24  }
0xf8: {  	vm4 =	vgt.f32 v62, v58;
	v22 =	vsel vm14, v23, v22;
	v23 =	vsel vm15, v57, v24  }
0xf9: {  	v37 =	vsel vm13, $0x3, v6;
	v58 =	vsel vm4, v62, v58;
	vm11 =	vgt.f32 v23, v22  }
0xfa: {  	v24 =	vsel vm14, $0x5, v7;
	v38 =	vsel vm15, $0x7, v8;
	v22 =	vsel vm11, v23, v22  }
0xfb: {  	v23 =	vsel vm4, v37, v36;
	v24 =	vsel vm11, v38, v24;
	vm12 =	vgt.f32 v22, v58  }
0xfc: {  	vm0 =	veq.s32 v18, $0x0;
	v22 =	vsel vm12, v22, v58;
	v23 =	vsel vm12, v24, v23  }
0xfd: {  	v16 =	vsel vm0, v22, v16;
	v18 =	vsel vm9, v22, v20;
	v9 =	vsel vm3, v22, v9  }
0xfe: {  	v20 =	vsel vm10, v22, v21;
	v10 =	vsel vm5, v22, v10;
	v12 =	vsel vm6, v22, v12  }
0xff: {  	v13 =	vsel vm7, v22, v13;
	v14 =	vsel vm8, v22, v14;
	vm13 =	vgt.f32 v18, v16  }
0x100: {  	vm14 =	vgt.f32 v20, v9;
	vm15 =	vgt.f32 v12, v10;
	vm11 =	vgt.f32 v14, v13  }
0x101: {  	v21 =	vsel vm13, v18, v16;
	v22 =	vsel vm13, $0x1, v33;
	v24 =	vsel vm14, v20, v9  }
0x102: {  	v32 =	vsel vm14, $0x3, v6;
	v34 =	vsel vm15, v12, v10;
	v35 =	vsel vm11, v14, v13  }
0x103: {  	v36 =	vsel vm15, $0x5, v7;
	vm12 =	vgt.f32 v24, v21;
	vm13 =	vgt.f32 v35, v34  }
0x104: {  	v26 =	vsel vm11, $0x7, v8;
	v57 =	vsel vm12, v24, v21;
	v58 =	vsel vm13, v35, v34  }
0x105: {  	v21 =	vsel vm12, v32, v22;
	v22 =	vsel vm13, v26, v36;
	vm14 =	vgt.f32 v58, v57  }
0x106: {  	v24 =	vor.u32 v25, v23;
	v21 =	vsel vm14, v22, v21  }
0x107: {  	v19 =	vsel vm0, v23, v19;
	v22 =	vsel vm9, v24, v55;
	vm4 =	veq.s32 v21, $0x1  }
0x108: {  	v23 =	vsel vm3, v24, v56;
	vm9 =	veq.s32 v21, $0x2;
	v25 =	vsel vm4, v22, v19  }
0x109: {  	v26 =	vsel vm10, v24, v60;
	vm10 =	veq.s32 v21, $0x3;
	v25 =	vsel vm9, v23, v25  }
0x10a: {  	v56 =	vsel vm5, v24, v59;
	vm11 =	veq.s32 v21, $0x4;
	v25 =	vsel vm10, v26, v25  }
0x10b: {  	v11 =	vsel vm6, v24, v11;
	vm6 =	veq.s32 v21, $0x5;
	v25 =	vsel vm11, v56, v25  }
0x10c: {  	v15 =	vsel vm7, v24, v15;
	vm7 =	veq.s32 v21, $0x6;
	v25 =	vsel vm6, v11, v25  }
0x10d: {  	v17 =	vsel vm8, v24, v17;
	vm8 =	veq.s32 v21, $0x7;
	v24 =	vsel vm7, v15, v25  }
0x10e: {  	v55 =	vsel vm8, v17, v24  }
0x10f: {  	v24 =	vshll.u32 v55, $0x8;
	v25 =	vshll.u32 v55, $0x7  }
0x110: {  	v24 =	vand.u32 $0x7FFFF800, v24;
	v25 =	vand.u32 $0x380, v25  }
0x111: {  	v24 =	vor.u32 v24, v25;
	v25 =	vshll.u32 v21, $0xB  }
0x112: {  	v24 =	vor.u32 v24, v41;
	v25 =	vor.u32 v40, v25  }
0x113: {  	v37 =	vor.u32 v39, v25  }
0x114: {  	v5 =	vimm.s32 $0x0;
	v38 =	vor.u32 v25, v47  }
0x115: {  	v5 =	vsel vm14, $0xFFFFFFFF, v5;
	v32 =	vor.u32 v25, v48  }
0x116: {  	[tilespmem:$0x1FF40] =	vst v5;
	v5 =	vimm.f32 $-Inf;
	v34 =	vor.u32 v25, v49  }
0x117: {  	v35 =	vor.u32 v25, v51;
	[tilespmem:v24+s2+$0x0] =	vst.idx.msk $0xffff, v5  }
0x118: {  	v27 =	vor.u32 v25, v52;
	v59 =	vld.idx.msk [tilespmem:v37+s2+$0x0], $0xffff  }
0x119: {  	v24 =	vor.u32 v25, v50;
	v60 =	vld.idx.msk [tilespmem:v38+s2+$0x0], $0xffff  }
0x11a: {  	v25 =	vor.u32 v25, v42;
	v61 =	vld.idx.msk [tilespmem:v32+s2+$0x0], $0xffff  }
0x11b: {  	v62 =	vld.idx.msk [tilespmem:v34+s2+$0x0], $0xffff  }
0x11c: {  	v63 =	vld.idx.msk [tilespmem:v35+s2+$0x0], $0xffff  }
0x11d: {  	v27 =	vld.idx.msk [tilespmem:v27+s2+$0x0], $0xffff  }
0x11e: {  	v24 =	vld.idx.msk [tilespmem:v24+s2+$0x0], $0xffff  }
0x11f: {  	v25 =	vld.idx.msk [tilespmem:v25+s2+$0x0], $0xffff;
	_ =	sdelay $0x2  }
0x120: {  	v28 =	vshll.u32 v21, $0x3;
	vm15 =	vgt.f32 v60, v59  }
0x121: {  	vm5 =	vgt.f32 v62, v61;
	v59 =	vsel vm15, v60, v59;
	v36 =	vsel vm15, $0x1, v33  }
0x122: {  	v61 =	vsel vm5, v62, v61;
	vm12 =	vgt.f32 v63, v24;
	vm13 =	vgt.f32 v25, v27  }
0x123: {  	vm14 =	vgt.f32 v61, v59;
	v24 =	vsel vm12, v63, v24;
	v25 =	vsel vm13, v25, v27  }
0x124: {  	v37 =	vsel vm5, $0x3, v6;
	v59 =	vsel vm14, v61, v59;
	vm15 =	vgt.f32 v25, v24  }
0x125: {  	v27 =	vsel vm12, $0x5, v7;
	v38 =	vsel vm13, $0x7, v8;
	v24 =	vsel vm15, v25, v24  }
0x126: {  	v25 =	vsel vm14, v37, v36;
	v27 =	vsel vm15, v38, v27;
	vm5 =	vgt.f32 v24, v59  }
0x127: {  	vm0 =	veq.s32 v21, $0x0;
	v24 =	vsel vm5, v24, v59;
	v25 =	vsel vm5, v27, v25  }
0x128: {  	v16 =	vsel vm0, v24, v16;
	v18 =	vsel vm4, v24, v18;
	v9 =	vsel vm9, v24, v9  }
0x129: {  	v20 =	vsel vm10, v24, v20;
	v10 =	vsel vm11, v24, v10;
	v12 =	vsel vm6, v24, v12  }
0x12a: {  	v13 =	vsel vm7, v24, v13;
	v14 =	vsel vm8, v24, v14;
	vm12 =	vgt.f32 v18, v16  }
0x12b: {  	vm13 =	vgt.f32 v20, v9;
	vm14 =	vgt.f32 v12, v10;
	vm15 =	vgt.f32 v14, v13  }
0x12c: {  	v21 =	vsel vm12, v18, v16;
	v24 =	vsel vm12, $0x1, v33;
	v27 =	vsel vm13, v20, v9  }
0x12d: {  	v32 =	vsel vm13, $0x3, v6;
	v34 =	vsel vm14, v12, v10;
	v35 =	vsel vm15, v14, v13  }
0x12e: {  	v36 =	vsel vm14, $0x5, v7;
	vm12 =	vgt.f32 v27, v21;
	vm13 =	vgt.f32 v35, v34  }
0x12f: {  	v29 =	vsel vm15, $0x7, v8;
	v60 =	vsel vm12, v27, v21;
	v61 =	vsel vm13, v35, v34  }
0x130: {  	v21 =	vsel vm12, v32, v24;
	v24 =	vsel vm13, v29, v36;
	vm14 =	vgt.f32 v61, v60  }
0x131: {  	v27 =	vor.u32 v28, v25;
	v21 =	vsel vm14, v24, v21  }
0x132: {  	v19 =	vsel vm0, v25, v19;
	v22 =	vsel vm4, v27, v22;
	vm5 =	veq.s32 v21, $0x1  }
0x133: {  	v23 =	vsel vm9, v27, v23;
	vm9 =	veq.s32 v21, $0x2;
	v24 =	vsel vm5, v22, v19  }
0x134: {  	v25 =	vsel vm10, v27, v26;
	vm10 =	veq.s32 v21, $0x3;
	v24 =	vsel vm9, v23, v24  }
0x135: {  	v26 =	vsel vm11, v27, v56;
	vm11 =	veq.s32 v21, $0x4;
	v24 =	vsel vm10, v25, v24  }
0x136: {  	v11 =	vsel vm6, v27, v11;
	vm12 =	veq.s32 v21, $0x5;
	v24 =	vsel vm11, v26, v24  }
0x137: {  	v15 =	vsel vm7, v27, v15;
	vm7 =	veq.s32 v21, $0x6;
	v24 =	vsel vm12, v11, v24  }
0x138: {  	v17 =	vsel vm8, v27, v17;
	vm8 =	veq.s32 v21, $0x7;
	v24 =	vsel vm7, v15, v24  }
0x139: {  	v56 =	vsel vm8, v17, v24  }
0x13a: {  	v24 =	vshll.u32 v56, $0x8;
	v27 =	vshll.u32 v56, $0x7  }
0x13b: {  	v24 =	vand.u32 $0x7FFFF800, v24;
	v27 =	vand.u32 $0x380, v27  }
0x13c: {  	v24 =	vor.u32 v24, v27;
	v27 =	vshll.u32 v21, $0xB  }
0x13d: {  	v24 =	vor.u32 v24, v41;
	v27 =	vor.u32 v40, v27  }
0x13e: {  	v28 =	vor.u32 v39, v27  }
0x13f: {  	v5 =	vimm.s32 $0x0;
	v29 =	vor.u32 v27, v47  }
0x140: {  	v5 =	vsel vm14, $0xFFFFFFFF, v5;
	v37 =	vor.u32 v27, v48  }
0x141: {  	[tilespmem:$0x1FF50] =	vst v5;
	v5 =	vimm.f32 $-Inf;
	v38 =	vor.u32 v27, v49  }
0x142: {  	v34 =	vor.u32 v27, v51;
	[tilespmem:v24+s2+$0x0] =	vst.idx.msk $0xffff, v5  }
0x143: {  	v30 =	vor.u32 v27, v52;
	v28 =	vld.idx.msk [tilespmem:v28+s2+$0x0], $0xffff  }
0x144: {  	v24 =	vor.u32 v27, v50;
	v29 =	vld.idx.msk [tilespmem:v29+s2+$0x0], $0xffff  }
0x145: {  	v27 =	vor.u32 v27, v42;
	v59 =	vld.idx.msk [tilespmem:v37+s2+$0x0], $0xffff  }
0x146: {  	v62 =	vld.idx.msk [tilespmem:v38+s2+$0x0], $0xffff  }
0x147: {  	v63 =	vld.idx.msk [tilespmem:v34+s2+$0x0], $0xffff  }
0x148: {  	v30 =	vld.idx.msk [tilespmem:v30+s2+$0x0], $0xffff  }
0x149: {  	v24 =	vld.idx.msk [tilespmem:v24+s2+$0x0], $0xffff  }
0x14a: {  	v27 =	vld.idx.msk [tilespmem:v27+s2+$0x0], $0xffff;
	_ =	sdelay $0x2  }
0x14b: {  	v31 =	vshll.u32 v21, $0x3;
	vm15 =	vgt.f32 v29, v28  }
0x14c: {  	vm4 =	vgt.f32 v62, v59;
	v28 =	vsel vm15, v29, v28;
	v29 =	vsel vm15, $0x1, v33  }
0x14d: {  	v59 =	vsel vm4, v62, v59;
	vm6 =	vgt.f32 v63, v24;
	vm13 =	vgt.f32 v27, v30  }
0x14e: {  	vm14 =	vgt.f32 v59, v28;
	v24 =	vsel vm6, v63, v24;
	v27 =	vsel vm13, v27, v30  }
0x14f: {  	v35 =	vsel vm4, $0x3, v6;
	v28 =	vsel vm14, v59, v28;
	vm15 =	vgt.f32 v27, v24  }
0x150: {  	v30 =	vsel vm6, $0x5, v7;
	v36 =	vsel vm13, $0x7, v8;
	v24 =	vsel vm15, v27, v24  }
0x151: {  	v27 =	vsel vm14, v35, v29;
	v29 =	vsel vm15, v36, v30;
	vm4 =	vgt.f32 v24, v28  }
0x152: {  	vm0 =	veq.s32 v21, $0x0;
	v24 =	vsel vm4, v24, v28;
	v27 =	vsel vm4, v29, v27  }
0x153: {  	v16 =	vsel vm0, v24, v16;
	v18 =	vsel vm5, v24, v18;
	v21 =	vsel vm9, v24, v9  }
0x154: {  	v20 =	vsel vm10, v24, v20;
	v10 =	vsel vm11, v24, v10;
	v12 =	vsel vm12, v24, v12  }
0x155: {  	v13 =	vsel vm7, v24, v13;
	v14 =	vsel vm8, v24, v14;
	vm6 =	vgt.f32 v18, v16  }
0x156: {  	vm13 =	vgt.f32 v20, v21;
	vm14 =	vgt.f32 v12, v10;
	vm15 =	vgt.f32 v14, v13  }
0x157: {  	v9 =	vsel vm6, v18, v16;
	v24 =	vsel vm6, $0x1, v33;
	v28 =	vsel vm13, v20, v21  }
0x158: {  	v29 =	vsel vm13, $0x3, v6;
	v30 =	vsel vm14, v12, v10;
	v37 =	vsel vm15, v14, v13  }
0x159: {  	v38 =	vsel vm14, $0x5, v7;
	vm4 =	vgt.f32 v28, v9;
	vm6 =	vgt.f32 v37, v30  }
0x15a: {  	v36 =	vsel vm15, $0x7, v8;
	v63 =	vsel vm4, v28, v9;
	v9 =	vsel vm6, v37, v30  }
0x15b: {  	v24 =	vsel vm4, v29, v24;
	v28 =	vsel vm6, v36, v38;
	vm13 =	vgt.f32 v9, v63  }
0x15c: {  	v29 =	vor.u32 v31, v27;
	v24 =	vsel vm13, v28, v24  }
0x15d: {  	v19 =	vsel vm0, v27, v19;
	v22 =	vsel vm5, v29, v22;
	vm6 =	veq.s32 v24, $0x1  }
0x15e: {  	v23 =	vsel vm9, v29, v23;
	vm9 =	veq.s32 v24, $0x2;
	v27 =	vsel vm6, v22, v19  }
0x15f: {  	v25 =	vsel vm10, v29, v25;
	vm10 =	veq.s32 v24, $0x3;
	v27 =	vsel vm9, v23, v27  }
0x160: {  	v26 =	vsel vm11, v29, v26;
	vm11 =	veq.s32 v24, $0x4;
	v27 =	vsel vm10, v25, v27  }
0x161: {  	v28 =	vsel vm12, v29, v11;
	vm12 =	veq.s32 v24, $0x5;
	v11 =	vsel vm11, v26, v27  }
0x162: {  	v15 =	vsel vm7, v29, v15;
	vm7 =	veq.s32 v24, $0x6;
	v11 =	vsel vm12, v28, v11  }
0x163: {  	v17 =	vsel vm8, v29, v17;
	vm8 =	veq.s32 v24, $0x7;
	v11 =	vsel vm7, v15, v11  }
0x164: {  	v59 =	vsel vm8, v17, v11  }
0x165: {  	v11 =	vshll.u32 v59, $0x8;
	v27 =	vshll.u32 v59, $0x7  }
0x166: {  	v11 =	vand.u32 $0x7FFFF800, v11;
	v27 =	vand.u32 $0x380, v27  }
0x167: {  	v11 =	vor.u32 v11, v27;
	v27 =	vshll.u32 v24, $0xB  }
0x168: {  	v11 =	vor.u32 v11, v41;
	v27 =	vor.u32 v40, v27  }
0x169: {  	v29 =	vor.u32 v39, v27  }
0x16a: {  	v5 =	vimm.s32 $0x0;
	v30 =	vor.u32 v27, v47  }
0x16b: {  	v5 =	vsel vm13, $0xFFFFFFFF, v5;
	v31 =	vor.u32 v27, v48  }
0x16c: {  	[tilespmem:$0x1FF60] =	vst v5;
	v5 =	vimm.f32 $-Inf;
	v37 =	vor.u32 v27, v49  }
0x16d: {  	v38 =	vor.u32 v27, v51;
	[tilespmem:v11+s2+$0x0] =	vst.idx.msk $0xffff, v5  }
0x16e: {  	v36 =	vor.u32 v27, v52;
	v29 =	vld.idx.msk [tilespmem:v29+s2+$0x0], $0xffff  }
0x16f: {  	v11 =	vor.u32 v27, v50;
	v30 =	vld.idx.msk [tilespmem:v30+s2+$0x0], $0xffff  }
0x170: {  	v27 =	vor.u32 v27, v42;
	v31 =	vld.idx.msk [tilespmem:v31+s2+$0x0], $0xffff  }
0x171: {  	v32 =	vld.idx.msk [tilespmem:v37+s2+$0x0], $0xffff  }
0x172: {  	v62 =	vld.idx.msk [tilespmem:v38+s2+$0x0], $0xffff  }
0x173: {  	v33 =	vld.idx.msk [tilespmem:v36+s2+$0x0], $0xffff  }
0x174: {  	v11 =	vld.idx.msk [tilespmem:v11+s2+$0x0], $0xffff  }
0x175: {  	v27 =	vld.idx.msk [tilespmem:v27+s2+$0x0], $0xffff;
	_ =	sdelay $0x2  }
0x176: {  	v5 =	vimm.s32 $0x0;
	vm14 =	vgt.f32 v30, v29;
	vm15 =	vgt.f32 v32, v31  }
0x177: {  	v29 =	vsel vm14, v30, v29;
	v30 =	vsel vm14, $0x1, v5;
	v31 =	vsel vm15, v32, v31  }
0x178: {  	v37 =	vsel vm15, $0x3, v6;
	vm13 =	vgt.f32 v62, v11;
	vm14 =	vgt.f32 v27, v33  }
0x179: {  	vm15 =	vgt.f32 v31, v29;
	v11 =	vsel vm13, v62, v11;
	v27 =	vsel vm14, v27, v33  }
0x17a: {  	v34 =	vshll.u32 v24, $0x3;
	v29 =	vsel vm15, v31, v29;
	vm4 =	vgt.f32 v27, v11  }
0x17b: {  	v38 =	vsel vm13, $0x5, v7;
	v35 =	vsel vm14, $0x7, v8;
	v11 =	vsel vm4, v27, v11  }
0x17c: {  	v27 =	vsel vm15, v37, v30;
	v30 =	vsel vm4, v35, v38;
	vm5 =	vgt.f32 v11, v29  }
0x17d: {  	vm0 =	veq.s32 v24, $0x0;
	v11 =	vsel vm5, v11, v29;
	v27 =	vsel vm5, v30, v27  }
0x17e: {  	v16 =	vsel vm0, v11, v16;
	v18 =	vsel vm6, v11, v18;
	v21 =	vsel vm9, v11, v21  }
0x17f: {  	v20 =	vsel vm10, v11, v20;
	v10 =	vsel vm11, v11, v10;
	v24 =	vsel vm12, v11, v12  }
0x180: {  	v13 =	vsel vm7, v11, v13;
	v14 =	vsel vm8, v11, v14;
	vm13 =	vgt.f32 v18, v16  }
0x181: {  	vm14 =	vgt.f32 v20, v21;
	vm15 =	vgt.f32 v24, v10;
	v11 =	vsel vm13, v18, v16  }
0x182: {  	v29 =	vsel vm13, $0x1, v5;
	v12 =	vsel vm14, v20, v21;
	vm13 =	vgt.f32 v14, v13  }
0x183: {  	v30 =	vsel vm14, $0x3, v6;
	v31 =	vsel vm15, v24, v10;
	v36 =	vsel vm13, v14, v13  }
0x184: {  	v37 =	vsel vm15, $0x5, v7;
	vm14 =	vgt.f32 v12, v11;
	vm15 =	vgt.f32 v36, v31  }
0x185: {  	v11 =	vsel vm14, v12, v11;
	v12 =	vsel vm15, v36, v31  }
0x186: {  	v38 =	vsel vm13, $0x7, v8;
	v31 =	vimm.s32 $0x0;
	vm4 =	vgt.f32 v12, v11  }
0x187: {  	v29 =	vsel vm14, v30, v29;
	v30 =	vsel vm15, v38, v37;
	v31 =	vsel vm4, $0xFFFFFFFF, v31  }
0x188: {  	v29 =	vsel vm4, v30, v29;
	[tilespmem:$0x1FF70] =	vst v31;
	v31 =	vor.u32 v34, v27  }
0x189: {  	v19 =	vsel vm0, v27, v19;
	v22 =	vsel vm6, v31, v22;
	vm6 =	veq.s32 v29, $0x1  }
0x18a: {  	vm13 =	veq.s32 v29, $0x2;
	v23 =	vsel vm9, v31, v23;
	v27 =	vsel vm6, v22, v19  }
0x18b: {  	v25 =	vsel vm10, v31, v25;
	vm10 =	veq.s32 v29, $0x3;
	v27 =	vsel vm13, v23, v27  }
0x18c: {  	v26 =	vsel vm11, v31, v26;
	vm11 =	veq.s32 v29, $0x4;
	v27 =	vsel vm10, v25, v27  }
0x18d: {  	vm14 =	veq.s32 v29, $0x5;
	v28 =	vsel vm12, v31, v28;
	v27 =	vsel vm11, v26, v27  }
0x18e: {  	v30 =	vsel vm7, v31, v15;
	vm9 =	veq.s32 v29, $0x6;
	v33 =	vsel vm14, v28, v27  }
0x18f: {  	vm15 =	veq.s32 v29, $0x7;
	v27 =	vsel vm8, v31, v17;
	v15 =	vsel vm9, v30, v33  }
0x190: {  	v62 =	vsel vm15, v27, v15  }
0x191: {  	v15 =	vshll.u32 v62, $0x8;
	v34 =	vshll.u32 v62, $0x7  }
0x192: {  	v15 =	vand.u32 $0x7FFFF800, v15;
	v17 =	vand.u32 $0x380, v34  }
0x193: {  	v35 =	vshll.u32 v29, $0xB;
	v15 =	vor.u32 v15, v17  }
0x194: {  	v17 =	vor.u32 v40, v35;
	v15 =	vor.u32 v15, v41  }
0x195: {  	v31 =	vor.u32 v39, v17  }
0x196: {  	v36 =	vor.u32 v17, v47  }
0x197: {  	v33 =	vor.u32 v17, v48  }
0x198: {  	v37 =	vimm.f32 $-Inf;
	v34 =	vor.u32 v17, v49  }
0x199: {  	v35 =	vor.u32 v17, v51;
	[tilespmem:v15+s2+$0x0] =	vst.idx.msk $0xffff, v37  }
0x19a: {  	v15 =	vor.u32 v17, v50;
	v31 =	vld.idx.msk [tilespmem:v31+s2+$0x0], $0xffff  }
0x19b: {  	v32 =	vld.idx.msk [tilespmem:v36+s2+$0x0], $0xffff;
	v36 =	vor.u32 v17, v52  }
0x19c: {  	v33 =	vld.idx.msk [tilespmem:v33+s2+$0x0], $0xffff;
	v17 =	vor.u32 v17, v42  }
0x19d: {  	v34 =	vld.idx.msk [tilespmem:v34+s2+$0x0], $0xffff  }
0x19e: {  	v35 =	vld.idx.msk [tilespmem:v35+s2+$0x0], $0xffff  }
0x19f: {  	v15 =	vld.idx.msk [tilespmem:v15+s2+$0x0], $0xffff  }
0x1a0: {  	v36 =	vld.idx.msk [tilespmem:v36+s2+$0x0], $0xffff  }
0x1a1: {  	v17 =	vld.idx.msk [tilespmem:v17+s2+$0x0], $0xffff;
	_ =	sdelay $0x2  }
0x1a2: {  	vm5 =	vgt.f32 v32, v31  }
0x1a3: {  	vm7 =	vgt.f32 v34, v33;
	v31 =	vsel vm5, v32, v31;
	v32 =	vsel vm5, $0x1, v5  }
0x1a4: {  	v33 =	vsel vm7, v34, v33;
	vm2 =	vgt.f32 v35, v15;
	vm3 =	vgt.f32 v17, v36  }
0x1a5: {  	vm8 =	vgt.f32 v33, v31;
	v15 =	vsel vm2, v35, v15;
	v17 =	vsel vm3, v17, v36  }
0x1a6: {  	v38 =	vsel vm7, $0x3, v6;
	v31 =	vsel vm8, v33, v31;
	vm12 =	vgt.f32 v17, v15  }
0x1a7: {  	v36 =	vsel vm2, $0x5, v7;
	v37 =	vsel vm3, $0x7, v8;
	v15 =	vsel vm12, v17, v15  }
0x1a8: {  	v32 =	vsel vm8, v38, v32;
	v17 =	vsel vm12, v37, v36;
	vm5 =	vgt.f32 v15, v31  }
0x1a9: {  	vm2 =	veq.s32 v29, $0x0;
	v15 =	vsel vm5, v15, v31;
	v17 =	vsel vm5, v17, v32  }
0x1aa: {  	v31 =	vsel vm2, v15, v16;
	v32 =	vsel vm6, v15, v18;
	v33 =	vsel vm13, v15, v21  }
0x1ab: {  	v34 =	vsel vm10, v15, v20;
	v35 =	vsel vm11, v15, v10;
	v24 =	vsel vm14, v15, v24  }
0x1ac: {  	v36 =	vsel vm9, v15, v13;
	v37 =	vsel vm15, v15, v14;
	v21 =	vsel vm2, v17, v19  }
0x1ad: {  	v19 =	vimm.s32 $0x0;
	vm7 =	vgt.f32 v32, v31;
	vm8 =	vgt.f32 v34, v33  }
0x1ae: {  	vm0 =	vgt.f32 v24, v35;
	vm12 =	vgt.f32 v37, v36;
	v10 =	vsel vm7, v32, v31  }
0x1af: {  	v13 =	vsel vm7, $0x1, v5;
	v14 =	vsel vm8, v34, v33;
	v15 =	vsel vm8, $0x3, v6  }
0x1b0: {  	v16 =	vsel vm0, v24, v35;
	v38 =	vsel vm12, v37, v36;
	vm1 =	vgt.f32 v14, v10  }
0x1b1: {  	v18 =	vsel vm12, $0x7, v8;
	vm8 =	vgt.f32 v38, v16;
	v5 =	vsel vm1, v14, v10  }
0x1b2: {  	v10 =	vsel vm1, v15, v13;
	v13 =	vsel vm0, $0x5, v7;
	v38 =	vsel vm8, v38, v16  }
0x1b3: {  	v16 =	vshll.u32 v29, $0x3;
	v13 =	vsel vm8, v18, v13;
	vm8 =	vgt.f32 v38, v5  }
0x1b4: {  	v18 =	vimm.s32 $0x0;
	v20 =	vsel vm8, v13, v10;
	v10 =	vor.u32 v16, v17  }
0x1b5: {  	v17 =	vsel vm6, v10, v22;
	vm7 =	veq.s32 v20, $0x1;
	v15 =	vsel vm13, v10, v23  }
0x1b6: {  	vm6 =	veq.s32 v20, $0x2;
	v16 =	vsel vm10, v10, v25;
	vm5 =	veq.s32 v20, $0x3  }
0x1b7: {  	vm1 =	veq.s32 v20, $0x4;
	vm0 =	veq.s32 v20, $0x5;
	v13 =	vsel vm7, v17, v21  }
0x1b8: {  	v14 =	vsel vm7, $0xFFFFFFFF, v18;
	v18 =	vimm.s32 $0x0;
	v13 =	vsel vm6, v15, v13  }
0x1b9: {  	[tilespmem:$0x1FFA0] =	vst v14;
	v14 =	vsel vm6, $0xFFFFFFFF, v19;
	v19 =	vsel vm11, v10, v26;
	v13 =	vsel vm5, v16, v13  }
0x1ba: {  	[tilespmem:$0x1FFB0] =	vst v14;
	v14 =	vsel vm5, $0xFFFFFFFF, v18;
	v18 =	vsel vm14, v10, v28;
	v13 =	vsel vm1, v19, v13  }
0x1bb: {  	v22 =	vsel vm0, v18, v13;
	v13 =	vimm.s32 $0x0  }
0x1bc: {  	vm4 =	veq.s32 v20, $0x6;
	[tilespmem:$0x1FFC0] =	vst v14;
	v14 =	vsel vm9, v10, v30;
	v13 =	vsel vm0, $0xFFFFFFFF, v13  }
0x1bd: {  	[tilespmem:$0x1FFD0] =	vst v13;
	v13 =	vsel vm15, v10, v27;
	v10 =	vsel vm4, v14, v22;
	v22 =	vimm.s32 $0x0  }
0x1be: {  	v22 =	vsel vm4, $0xFFFFFFFF, v22  }
0x1bf: {  	vm3 =	veq.s32 v20, $0x7;
	[tilespmem:$0x1FFE0] =	vst v22;
	v22 =	vimm.s32 $0x0  }
0x1c0: {  	v10 =	vsel vm3, v13, v10;
	v22 =	vsel vm3, $0xFFFFFFFF, v22  }
0x1c1: {  	v23 =	vshll.u32 v10, $0x7;
	[tilespmem:$0x1FFF0] =	vst v22;
	v22 =	vshll.u32 v10, $0x8  }
0x1c2: {  	v23 =	vand.u32 $0x380, v23;
	v22 =	vand.u32 $0x7FFFF800, v22  }
0x1c3: {  	v22 =	vor.u32 v22, v23;
	v23 =	vshll.u32 v20, $0xB  }
0x1c4: {  	v22 =	vor.u32 v22, v41;
	v23 =	vor.u32 v40, v23  }
0x1c5: {  	v25 =	vor.u32 v39, v23  }
0x1c6: {  	v26 =	vor.u32 v23, v47  }
0x1c7: {  	v27 =	vor.u32 v23, v48  }
0x1c8: {  	v29 =	vimm.f32 $-Inf;
	v28 =	vor.u32 v23, v49  }
0x1c9: {  	[tilespmem:v22+s2+$0x0] =	vst.idx.msk $0xffff, v29  }
0x1ca: {  	v30 =	vor.u32 v23, v52;
	v25 =	vld.idx.msk [tilespmem:v25+s2+$0x0], $0xffff  }
0x1cb: {  	v22 =	vor.u32 v23, v50;
	v26 =	vld.idx.msk [tilespmem:v26+s2+$0x0], $0xffff  }
0x1cc: {  	v29 =	vor.u32 v23, v51;
	v27 =	vld.idx.msk [tilespmem:v27+s2+$0x0], $0xffff  }
0x1cd: {  	v23 =	vor.u32 v23, v42;
	v28 =	vld.idx.msk [tilespmem:v28+s2+$0x0], $0xffff;
	_ =	sdelay $0x1  }
0x1ce: {  	v30 =	vld.idx.msk [tilespmem:v30+s2+$0x0], $0xffff  }
0x1cf: {  	v22 =	vld.idx.msk [tilespmem:v22+s2+$0x0], $0xffff  }
0x1d0: {  	v29 =	vld.idx.msk [tilespmem:v29+s2+$0x0], $0xffff  }
0x1d1: {  	v23 =	vld.idx.msk [tilespmem:v23+s2+$0x0], $0xffff;
	vm11 =	vgt.f32 v26, v25;
	vm14 =	vgt.f32 v28, v27  }
0x1d2: {  	v25 =	vsel vm11, v26, v25;
	v26 =	vsel vm14, v28, v27;
	v27 =	vld [tilespmem:$0x1FF20]  }
0x1d3: {  	v52 =	vimm.s32 $0x0  }
0x1d4: {  	v39 =	vsel vm11, $0xFFFFFFFF, v52;
	v28 =	vld [tilespmem:$0x1FF30];
	vm11 =	vgt.f32 v26, v25  }
0x1d5: {  	v25 =	vsel vm11, v26, v25;
	v26 =	vld [tilespmem:$0x1FF50]  }
0x1d6: {  	vm15 =	vgt.f32 v29, v22;
	vm13 =	vgt.f32 v23, v30  }
0x1d7: {  	v22 =	vsel vm15, v29, v22;
	v23 =	vsel vm13, v23, v30;
	vm12 =	vnez.u8 v27  }
0x1d8: {  	v27 =	vsel vm12, v45, v44;
	vm12 =	vgt.f32 v23, v22  }
0x1d9: {  	vm9 =	vnez.u8 v28;
	v22 =	vsel vm12, v23, v22;
	v23 =	vld [tilespmem:$0x1FF40]  }
0x1da: {  	v29 =	vld [tilespmem:$0x1FF60];
	v28 =	vsel vm9, v54, v53;
	vm9 =	vnez.u8 v26  }
0x1db: {  	v26 =	vsel vm9, v61, v60;
	vm9 =	vgt.f32 v22, v25  }
0x1dc: {  	v22 =	vsel vm9, v22, v25;
	v25 =	vld [tilespmem:$0x1FF70]  }
0x1dd: {  	v5 =	vsel vm8, v38, v5  }
0x1de: {  	v30 =	vsel vm5, v22, v34;
	v24 =	vsel vm0, v22, v24;
	vm10 =	vnez.u8 v23  }
0x1df: {  	v42 =	vsel vm4, v22, v36;
	v23 =	vsel vm10, v58, v57;
	vm10 =	vnez.u8 v29  }
0x1e0: {  	v29 =	vsel vm6, v22, v33;
	v9 =	vsel vm10, v9, v63;
	vm10 =	veq.s32 v20, $0x0  }
0x1e1: {  	vm2 =	vnez.u8 v25;
	v25 =	vsel vm7, v22, v32;
	vm7 =	vmmov vm1  }
0x1e2: {  	v11 =	vsel vm2, v12, v11;
	v41 =	vsel vm10, v22, v31;
	v31 =	vsel vm1, v22, v35  }
0x1e3: {  	v22 =	vsel vm3, v22, v37;
	vm3 =	vgt.f32 v30, v29;
	vm6 =	vgt.f32 v25, v41  }
0x1e4: {  	vm4 =	vgt.f32 v24, v31;
	vm5 =	vgt.f32 v22, v42;
	v12 =	vsel vm6, v25, v41  }
0x1e5: {  	v25 =	vsel vm3, v30, v29;
	v24 =	vsel vm4, v24, v31;
	v22 =	vsel vm5, v22, v42  }
0x1e6: {  	v29 =	vsub.f32 v27, v27;
	vm0 =	vgt.f32 v25, v12;
	vm1 =	vgt.f32 v22, v24  }
0x1e7: {  	v12 =	vsel vm0, v25, v12;
	v22 =	vsel vm1, v22, v24;
	v24 =	vsub.f32 v28, v27  }
0x1e8: {  	v23 =	vsub.f32 v23, v27;
	v25 =	vmul.f32 $1.442695020e+00, v29;
	vm2 =	vgt.f32 v22, v12  }
0x1e9: {  	v12 =	vsel vm2, v22, v12;
	v22 =	vmul.f32 $1.442695020e+00, v24;
	v24 =	vsub.f32 v26, v27  }
0x1ea: {  	v9 =	vsub.f32 v9, v27;
	v23 =	vmul.f32 $1.442695020e+00, v23;
	(erf) = vpow2.f32 v25  }
0x1eb: {  	v11 =	vsub.f32 v11, v27;
	(erf) = vpow2.f32 v22;
	v22 =	vmul.f32 $1.442695020e+00, v24  }
0x1ec: {  	v5 =	vsub.f32 v5, v27;
	v9 =	vmul.f32 $1.442695020e+00, v9;
	(erf) = vpow2.f32 v23  }
0x1ed: {  	v11 =	vmul.f32 $1.442695020e+00, v11;
	v12 =	vsub.f32 v12, v27;
	(erf) = vpow2.f32 v22  }
0x1ee: {  	v5 =	vmul.f32 $1.442695020e+00, v5;
	(erf) = vpow2.f32 v9  }
0x1ef: {  	v9 =	vmul.f32 $1.442695020e+00, v12;
	(erf) = vpow2.f32 v11  }
0x1f0: {  	(erf) = vpow2.f32 v5  }
0x1f1: {  	(erf) = vpow2.f32 v9;
	_ =	sdelay $0x1  }
0x1f2: {  	v5 =	vpop (erf)  }
0x1f3: {  	v9 =	vpop (erf)  }
0x1f4: {  	v11 =	vpop (erf)  }
0x1f5: {  	v44 =	vpop (erf)  }
0x1f6: {  	v22 =	vpop (erf)  }
0x1f7: {  	v23 =	vpop (erf)  }
0x1f8: {  	v24 =	vpop (erf)  }
0x1f9: {  	v26 =	vadd.f32 v9, v5;
	v27 =	vadd.f32 v44, v11;
	v25 =	vpop (erf)  }
0x1fa: {  	v28 =	vadd.f32 v23, v22;
	v29 =	vadd.f32 v25, v24;
	_ =	sdelay $0x1  }
0x1fb: {  	v26 =	vadd.f32 v27, v26;
	v27 =	vadd.f32 v29, v28;
	_ =	sdelay $0x1  }
0x1fc: {  	v26 =	vadd.f32 v27, v26  }
0x1fd: {  	[tilespmem:$0x1FF80] =	vst v39  }
0x1fe: {  	(erf) = vrcp.f32 v26;
	v26 =	vld [tilespmem:$0x1FF80];
	_ =	sdelay $0x4  }
0x1ff: {  	v33 =	vimm.s32 $0x0;
	v28 =	vsel vm15, $0x5, v7;
	vm8 =	vnez.u8 v26  }
0x200: {  	v29 =	vsel vm13, $0x7, v8;
	v27 =	vsel vm14, $0x3, v6;
	v26 =	vsel vm8, $0x1, v33  }
0x201: {  	v26 =	vsel vm11, v27, v26;
	v27 =	vsel vm12, v29, v28;
	v28 =	vld [tilespmem:$0x1FF90];
	_ =	sdelay $0x4  }
0x202: {  	v31 =	vsel vm4, $0x5, v7;
	v28 =	vshll.u32 v28, $0x7  }
0x203: {  	v30 =	vsel vm3, $0x3, v6;
	v29 =	vor.u32 v28, v43  }
0x204: {  	v45 =	vsel vm5, $0x7, v8;
	v26 =	vsel vm9, v27, v26;
	v27 =	vsel vm6, $0x1, v33  }
0x205: {  	v27 =	vsel vm0, v30, v27;
	v30 =	vsel vm1, v45, v31;
	v31 =	vpop (erf)  }
0x206: {  	v5 =	vmul.f32 v31, v5;
	_ =	sdelay $0x1  }
0x207: {  	[tilespmem:v29+s10+$0x0] =	vst.idx.msk $0xffff, v5;
	v5 =	vld [tilespmem:$0x1FFA0];
	_ =	sdelay $0x3  }
0x208: {  	v20 =	vshll.u32 v20, $0x3;
	v21 =	vsel vm10, v26, v21  }
0x209: {  	v20 =	vor.u32 v20, v26;
	v26 =	vsel vm2, v30, v27;
	vm15 =	vnez.u8 v5  }
0x20a: {  	vm4 =	veq.s32 v26, $0x1;
	v5 =	vsel vm15, v20, v17  }
0x20b: {  	v5 =	vsel vm4, v5, v21;
	v21 =	vld [tilespmem:$0x1FFB0];
	_ =	sdelay $0x1  }
0x20c: {  	v50 =	vld [tilespmem:$0x1FFE0]  }
0x20d: {  	v53 =	vld [tilespmem:$0x1FFF0];
	v47 =	vor.u32 v28, v46;
	_ =	sdelay $0x1  }
0x20e: {  	vm5 =	vnez.u8 v21;
	v21 =	vld [tilespmem:$0x1FFC0]  }
0x20f: {  	v9 =	vmul.f32 v31, v9;
	v19 =	vsel vm7, v20, v19;
	v27 =	vor.u32 $0x1, v28  }
0x210: {  	vm11 =	vnez.u8 v50;
	v11 =	vmul.f32 v31, v11;
	v48 =	vor.u32 v28, v55;
	[tilespmem:v28+s11+$0x0] =	vst.idx.msk $0xffff, v43  }
0x211: {  	vm13 =	vnez.u8 v53;
	v14 =	vsel vm11, v20, v14;
	v12 =	vmul.f32 v31, v44;
	[tilespmem:v47+s10+$0x0] =	vst.idx.msk $0xffff, v9;
	v9 =	vld [tilespmem:$0x1FFD0]  }
0x212: {  	v13 =	vsel vm13, v20, v13;
	vm8 =	veq.s32 v26, $0x2;
	vm9 =	veq.s32 v26, $0x3  }
0x213: {  	vm10 =	veq.s32 v26, $0x4;
	vm6 =	vnez.u8 v21;
	v21 =	vor.u32 $0x2, v28  }
0x214: {  	vm12 =	veq.s32 v26, $0x5;
	v49 =	vor.u32 v28, v56;
	[tilespmem:v27+s11+$0x0] =	vst.idx.msk $0xffff, v46;
	v15 =	vsel vm5, v20, v15  }
0x215: {  	[tilespmem:v48+s10+$0x0] =	vst.idx.msk $0xffff, v11;
	v11 =	vor.u32 $0x3, v28;
	v5 =	vsel vm8, v15, v5;
	v16 =	vsel vm6, v20, v16  }
0x216: {  	v51 =	vor.u32 v28, v59;
	vm7 =	vnez.u8 v9;
	v5 =	vsel vm9, v16, v5  }
0x217: {  	v52 =	vor.u32 $0x4, v28;
	v9 =	vsel vm7, v20, v18;
	v5 =	vsel vm10, v19, v5  }
0x218: {  	v38 =	vimm.s32 $0x28;
	v5 =	vsel vm12, v9, v5;
	v9 =	vor.u32 v28, v62;
	[tilespmem:v21+s11+$0x0] =	vst.idx.msk $0xffff, v55  }
0x219: {  	v54 =	vmul.f32 v31, v22;
	vm14 =	veq.s32 v26, $0x6;
	v55 =	vor.u32 $0x5, v28;
	[tilespmem:v49+s10+$0x0] =	vst.idx.msk $0xffff, v12  }
0x21a: {  	vm15 =	veq.s32 v26, $0x7;
	v5 =	vsel vm14, v14, v5;
	[tilespmem:v11+s11+$0x0] =	vst.idx.msk $0xffff, v56;
	v11 =	vor.u32 v28, v10  }
0x21b: {  	v57 =	vmul.f32 v31, v23;
	v58 =	vor.u32 $0x6, v28;
	v5 =	vsel vm15, v13, v5;
	[tilespmem:v51+s10+$0x0] =	vst.idx.msk $0xffff, v54  }
0x21c: {  	v34 =	vimm.s32 $0x20;
	v36 =	vimm.s32 $0x24;
	v60 =	vor.u32 v28, v5;
	[tilespmem:v52+s11+$0x0] =	vst.idx.msk $0xffff, v59  }
0x21d: {  	p0 =	sne.s32 s13, $0xFF;
	v63 =	vimm.s32 $0x2A;
	v61 =	vor.u32 $0x7, v28;
	[tilespmem:v9+s10+$0x0] =	vst.idx.msk $0xffff, v57;
	v9 =	vmul.f32 v31, v24  }
.Ltmp0:
0x21e: {  	v32 =	vimm.s32 $0x1E;
	v35 =	vimm.s32 $0x22;
	v37 =	vimm.s32 $0x26;
	[tilespmem:v55+s11+$0x0] =	vst.idx.msk $0xffff, v62;
	(pc) =	sbr.rel @p0 .LBB2_2-.Ltmp0, $4  }
0x21f: {  	v30 =	vimm.s32 $0x1A;
	v22 =	vimm.s32 $0xA;
	[tilespmem:v11+s10+$0x0] =	vst.idx.msk $0xffff, v9;
	v9 =	vmul.f32 v31, v25  }
0x220: {  	v23 =	vimm.s32 $0xC;
	v29 =	vimm.s32 $0x18;
	v27 =	vimm.s32 $0x14;
	[tilespmem:v58+s11+$0x0] =	vst.idx.msk $0xffff, v10  }
0x221: {  	v26 =	vimm.s32 $0x12;
	v28 =	vimm.s32 $0x16;
	v24 =	vimm.s32 $0xE;
	[tilespmem:v60+s10+$0x0] =	vst.idx.msk $0xffff, v9  }
0x222: {  	s13 =	sadd.s32 $0x10, s13;
	v31 =	vimm.s32 $0x1C;
	v25 =	vimm.s32 $0x10;
	[tilespmem:v61+s11+$0x0] =	vst.idx.msk $0xffff, v5;
	v5 =	vimm.s32 $0x8  }
0x223: {  	[hbm4b:s4+s2] =	stream.linear.scatter [tilespmem:s10], [sflag:$0x1], $0x8000, $0x38;
	[tilespmem:$0x14000] =	vst v63  }
0x224: {  	s12 =	sadd.s32 $0x1, s12;
	_ =	swait.ge [sflag:s9], $0x8000  }
0x225: {  	p0 =	sne.s32 s12, s6;
	[sflag:s9] =	ssyncset.done $0x0  }
.Ltmp1:
0x226: {  	[sflag:s9] =	ssyncadd.s32 $0xFFFF8000;
	(pc) =	sbr.rel @p0 .LBB2_1-.Ltmp1, $4  }
0x227: {  	[hbm4b:s5+s2] =	stream.linear.scatter [tilespmem:s11], [sflag:$0x1], $0x8000, $0x38;
	[tilespmem:$0x14000] =	vst v63  }
0x228: {  	_ =	swait.ge [sflag:s9], $0x8000  }
0x229: {  	[sflag:s9] =	ssyncset.done $0x0  }
0x22a: {  	[sflag:s9] =	ssyncadd.s32 $0xFFFF8000  }
0x22b: {  	_ =	sfence.sel $0x180000  }
0x22c: {  	[bflag:$0x0] =	sbarrier.arrive $0xFFFF  }
0x22d: {  	p0 =	sne.s32 s1, $0x0;
	_ =	strace $0x90000047  }
0x22e: {  	s0 =	sadd.s32 @!p0 $0x100000, s0;
	[bflag:$0x2] =	sbarrier.arrive $0xFFFF  }
0x22f: {  	[sflag:s0] =	ssyncadd.tile.s32 @!p0 $0x1;
	_ =	shalt  }
.Lfunc_end2:
_tile_overlayer_lowered:
.L_overlay_start_2:
0x230: {  	(tag) =	ssettag $0x2  }
0x231: {  	s0 =	rddreg [dreg:$0x0];
	s2 =	stileid.u32  }
0x232: {  	s1 =	rddreg [dreg:$0x1];
	p0 =	sne.s32 s2, $0x0  }
0x233: {  	s3 =	rddreg [dreg:$0x2];
	[bflag:$0x3] =	sbarrier.arrive $0xFFFF;
	s2 =	simm.s32 @!p0 $0x1C01  }
0x234: {  	[timem:s3], [sflag:s2] =	dma.local @!p0 [hbm:s0], s1  }
0x235: {  	s0 =	simm.s32 @!p0 $0x1  }
0x236: {  	_ =	swait.ge @!p0 [sflag:s0], s1  }
0x237: {  	s1 =	ssub.s32 @!p0 $0x0, s1;
	[sflag:s0] =	ssyncset.done @!p0 $0x0  }
0x238: {  	[sflag:s0] =	ssyncadd.s32 @!p0 s1  }
0x239: {  	[bflag:$0x3] =	sbarrier.arrive $0xFFFF  }
0x23a: {  	_ =	shalt  }

</sc_bundles>
